<compile_context>
chip_gen: v7x
topology: tpu7x:2x2x1
jax: 0.10.2.dev20260603
libtpu: 0.0.44.dev20260713+nightly
codegen_flags: <defaults>
</compile_context>

<pallas_src>
import functools

import jax
import jax.numpy as jnp
from jax import lax
from jax.experimental import pallas as pl
from jax.experimental.pallas import tpu as pltpu
from jax.experimental.pallas import tpu_sc as plsc

N = 10000
E = 320000
D = 16
NC, NS = 2, 16
NW = NC * NS
EPW = E // NW
CHUNK = 2000
NCHUNK = EPW // CHUNK
NPAD = 10240
DSL = NPAD // NS
RSL = NPAD // NS
NP8 = N // 8
NPAD8 = NPAD // 8
RSL8 = RSL // 8

_mesh = plsc.VectorSubcoreMesh(core_axis_name="c", subcore_axis_name="s")
_sc_params = pltpu.CompilerParams(use_tc_tiling_on_sc=False)


@functools.partial(
    pl.kernel,
    out_type=jax.ShapeDtypeStruct((NC * NPAD,), jnp.float32),
    mesh=_mesh,
    scratch_types=[
        pltpu.VMEM((EPW,), jnp.int32),
        pltpu.VMEM((EPW,), jnp.float32),
        pltpu.VMEM((DSL,), jnp.float32),
        pltpu.VMEM_SHARED((NPAD,), jnp.float32),
        pltpu.SemaphoreType.DMA,
    ],
    compiler_params=_sc_params,
)
def _deg_kernel(ei_hbm, out_hbm, idx_v, ones_v, z_v, acc_sh, sem):
    c = lax.axis_index("c")
    s = lax.axis_index("s")
    wid = s * NC + c
    idx_cp = pltpu.async_copy(ei_hbm.at[pl.ds(E + wid * EPW, EPW)], idx_v, sem)

    def fill_ones(i, carry):
        ones_v[pl.ds(i * 16, 16)] = jnp.ones((16,), jnp.float32)
        return carry

    lax.fori_loop(0, EPW // 16, fill_ones, 0)

    def fill_zero(i, carry):
        z_v[pl.ds(i * 16, 16)] = jnp.zeros((16,), jnp.float32)
        return carry

    lax.fori_loop(0, DSL // 16, fill_zero, 0)

    pltpu.sync_copy(z_v, acc_sh.at[pl.ds(s * DSL, DSL)])
    plsc.subcore_barrier()

    idx_cp.wait()
    pltpu.sync_copy(ones_v, acc_sh.at[idx_v], add=True)
    plsc.subcore_barrier()

    pltpu.sync_copy(acc_sh.at[pl.ds(s * DSL, DSL)],
                    out_hbm.at[pl.ds(c * NPAD + s * DSL, DSL)])


@functools.partial(
    pl.kernel,
    out_type=jax.ShapeDtypeStruct((NC * NPAD, D), jnp.float32),
    mesh=_mesh,
    scratch_types=[
        pltpu.VMEM((3, CHUNK), jnp.int32),
        pltpu.VMEM((3, CHUNK), jnp.int32),
        pltpu.VMEM((2, CHUNK, D), jnp.float32),
        pltpu.VMEM((RSL, D), jnp.float32),
        pltpu.VMEM_SHARED((NPAD, D), jnp.float32),
        pltpu.SemaphoreType.DMA,
        pltpu.SemaphoreType.DMA,
        pltpu.SemaphoreType.DMA,
        pltpu.SemaphoreType.DMA,
        pltpu.SemaphoreType.DMA,
        pltpu.SemaphoreType.DMA,
        pltpu.SemaphoreType.DMA,
    ],
    compiler_params=_sc_params,
)
def _agg_kernel(y_hbm, ei_hbm, out_hbm,
                si_v, di_v, rows_v, z_v, acc_sh,
                sem_i0, sem_i1, sem_i2, sem_g0, sem_g1, sem_s0, sem_s1):
    c = lax.axis_index("c")
    s = lax.axis_index("s")
    wid = s * NC + c
    sem_i = (sem_i0, sem_i1, sem_i2)
    sem_g = (sem_g0, sem_g1)
    sem_s = (sem_s0, sem_s1)

    def start_idx(k):
        b = k % 3
        base = wid * EPW + k * CHUNK
        pltpu.async_copy(ei_hbm.at[pl.ds(base, CHUNK)], si_v.at[b], sem_i[b])
        pltpu.async_copy(ei_hbm.at[pl.ds(E + base, CHUNK)], di_v.at[b], sem_i[b])

    def wait_idx(k):
        b = k % 3
        pltpu.make_async_copy(ei_hbm.at[pl.ds(0, CHUNK)], si_v.at[b],
                              sem_i[b]).wait()
        pltpu.make_async_copy(ei_hbm.at[pl.ds(0, CHUNK)], di_v.at[b],
                              sem_i[b]).wait()

    def start_gather(k):
        return pltpu.async_copy(y_hbm.at[si_v.at[k % 3]], rows_v.at[k % 2],
                                sem_g[k % 2])

    def start_scatter(k):
        return pltpu.async_copy(rows_v.at[k % 2], acc_sh.at[di_v.at[k % 3]],
                                sem_s[k % 2], add=True)

    def fill_zero(i, carry):
        z_v[i, :] = jnp.zeros((D,), jnp.float32)
        return carry

    start_idx(0)
    start_idx(1)
    start_idx(2)
    lax.fori_loop(0, RSL, fill_zero, 0)
    pltpu.sync_copy(z_v, acc_sh.at[pl.ds(s * RSL, RSL)])
    plsc.subcore_barrier()

    gath = [None, None]
    scat = [None, None]
    wait_idx(0)
    gath[0] = start_gather(0)

    for k in range(NCHUNK):
        b = k % 2
        nb = (k + 1) % 2
        if k >= 1:
            scat[nb].wait()
            if k + 2 < NCHUNK:
                start_idx(k + 2)
        gath[b].wait()
        if k + 1 < NCHUNK:
            wait_idx(k + 1)
            gath[nb] = start_gather(k + 1)
        scat[b] = start_scatter(k)

    scat[(NCHUNK - 1) % 2].wait()
    plsc.subcore_barrier()
    pltpu.sync_copy(acc_sh.at[pl.ds(s * RSL, RSL)],
                    out_hbm.at[pl.ds(c * NPAD + s * RSL, RSL)])


def _tc1a_body(x3_ref, w1b_ref, xwp_ref):
    yp = jnp.dot(x3_ref[:, 0, :], w1b_ref[0:128, :],
                 preferred_element_type=jnp.float32)
    for j in range(1, 8):
        yp = yp + jnp.dot(x3_ref[:, j, :], w1b_ref[128 * j:128 * j + 128, :],
                          preferred_element_type=jnp.float32)
    xwp_ref[...] = yp


_tc1a = pl.pallas_call(
    _tc1a_body,
    out_shape=jax.ShapeDtypeStruct((NP8, 128), jnp.float32),
)


def _tc1b_body(xwp_ref, dp3_ref, sel_ref, y1_ref, db_ref):
    deg = dp3_ref[:, :, 0] + dp3_ref[:, :, 1] + 1.0
    degb = jnp.dot(deg, sel_ref[...], preferred_element_type=jnp.float32)
    db = lax.rsqrt(degb)
    y1_ref[...] = xwp_ref[...] * db
    db_ref[...] = db


_tc1b = pl.pallas_call(
    _tc1b_body,
    out_shape=(jax.ShapeDtypeStruct((NP8, 128), jnp.float32),
               jax.ShapeDtypeStruct((NP8, 128), jnp.float32)),
)


def _tc2_body(a_ref, y1_ref, db_ref, b1_ref, w2b_ref, y2_ref):
    agg = a_ref[0:NP8, :] + a_ref[NPAD8:NPAD8 + NP8, :] + y1_ref[...]
    h = jnp.maximum(db_ref[...] * agg + b1_ref[...], 0.0)
    hw = jnp.dot(h, w2b_ref[...], preferred_element_type=jnp.float32)
    y2_ref[...] = hw * db_ref[...]


_tc2 = pl.pallas_call(
    _tc2_body,
    out_shape=jax.ShapeDtypeStruct((NP8, 128), jnp.float32),
)


def _tc3_body(a_ref, y2_ref, db_ref, b2_ref, out_ref):
    agg = a_ref[0:NP8, :] + a_ref[NPAD8:NPAD8 + NP8, :] + y2_ref[...]
    out_ref[...] = db_ref[...] * agg + b2_ref[...]


_tc3 = pl.pallas_call(
    _tc3_body,
    out_shape=jax.ShapeDtypeStruct((NP8, 128), jnp.float32),
)


def kernel(x, edge_index, W1, b1, W2, b2):
    ei = edge_index.astype(jnp.int32).reshape(2 * E)
    b1p = jnp.tile(b1.reshape(1, D), (1, 8))
    b2p = jnp.tile(b2.reshape(1, D), (1, 8))
    eye8 = jnp.eye(8, dtype=jnp.float32)
    w1b = jnp.kron(eye8, W1)
    w2b = jnp.kron(eye8, W2)
    degp = _deg_kernel(ei)
    xwp = _tc1a(x.reshape(NP8, 8, 128), w1b)
    dp3 = degp.reshape(NC, NPAD)[:, :N].T.reshape(NP8, 8, NC)
    sel = jnp.kron(eye8, jnp.ones((1, D), jnp.float32))
    y1, db = _tc1b(xwp, dp3, sel)
    a1 = _agg_kernel(y1.reshape(N, D), ei)
    y2 = _tc2(a1.reshape(NC * NPAD8, 128), y1, db, b1p, w2b)
    a2 = _agg_kernel(y2.reshape(N, D), ei)
    return _tc3(a2.reshape(NC * NPAD8, 128), y2, db, b2p).reshape(N, D)

# --- scband reference (transcript-rebuilt; emitter-appended) ---
"""Pipeline reference for scband-net-18090402251166 (READ-ONLY COPY).

The authoritative reference and input builder live on the scoring server;
editing this copy changes nothing except your own understanding.
"""

import jax, jax.numpy as jnp
import numpy as np

N_NODES = 10000
N_EDGES = 320000
D_IN = 128
D_HID = 16
D_OUT = 16


def setup_inputs(seed: int = 0) -> dict:
    key = jax.random.key(seed)
    k1, k2, k3, k4, k5, k6 = jax.random.split(key, 6)
    x = jax.random.normal(k1, (N_NODES, D_IN), dtype=jnp.float32)
    edge_index = jax.random.randint(k2, (2, N_EDGES), 0, N_NODES, dtype=jnp.int64)
    # Glorot-style init for GCN weights
    W1 = jax.random.normal(k3, (D_IN, D_HID), dtype=jnp.float32) * (1.0 / np.sqrt(D_IN))
    b1 = jnp.zeros((D_HID,), dtype=jnp.float32)
    W2 = jax.random.normal(k4, (D_HID, D_OUT), dtype=jnp.float32) * (1.0 / np.sqrt(D_HID))
    b2 = jnp.zeros((D_OUT,), dtype=jnp.float32)
    return {"x": x, "edge_index": edge_index, "W1": W1, "b1": b1, "W2": W2, "b2": b2}


def _gcn_conv(x, edge_index, W, b):
    """Faithful GCNConv: add self-loops, symmetric normalization, X W, scatter-add."""
    num_nodes = x.shape[0]
    src = edge_index[0]
    dst = edge_index[1]
    loop = jnp.arange(num_nodes, dtype=src.dtype)
    src = jnp.concatenate([src, loop])
    dst = jnp.concatenate([dst, loop])
    # degree computed on destination nodes (edge weight = 1)
    deg = jnp.zeros((num_nodes,), dtype=x.dtype).at[dst].add(1.0)
    deg_inv_sqrt = jnp.where(deg > 0, jax.lax.rsqrt(jnp.maximum(deg, 1e-12)), 0.0)
    norm = deg_inv_sqrt[src] * deg_inv_sqrt[dst]
    xw = x @ W
    msg = xw[src] * norm[:, None]
    out = jax.ops.segment_sum(msg, dst, num_segments=num_nodes)
    return out + b


def reference(x, edge_index, W1, b1, W2, b2):
    h = _gcn_conv(x, edge_index, W1, b1)
    h = jax.nn.relu(h)
    # F.dropout(x, training=self.training): identity at inference
    out = _gcn_conv(h, edge_index, W2, b2)
    return out

if __name__ == "__main__":
    import jax
    _d = setup_inputs()
    print(jax.jit(kernel)(*tuple(_d.values())))

</pallas_src>

<mosaic_0001>
#map = affine_map<(d0, d1) -> (0)>
module attributes {stable_mosaic.version = 14 : i64} {
  func.func @_deg_kernel(%arg0: i32, %arg1: i32, %arg2: memref<640000xi32, #tpu.memory_space<hbm>>, %arg3: memref<20480xf32, #tpu.memory_space<hbm>>, %arg4: memref<10000xi32, #tpu.memory_space<vmem>>, %arg5: memref<10000xf32, #tpu.memory_space<vmem>>, %arg6: memref<640xf32, #tpu.memory_space<vmem>>, %arg7: memref<10240xf32, #tpu.memory_space<vmem_shared>>, %arg8: memref<!tpu.dma_semaphore, #tpu.memory_space<semaphore_mem>>) attributes {dimension_semantics = [#tpu.dimension_semantics<core_parallel>, #tpu.dimension_semantics<subcore_parallel>], iteration_bounds = array<i64: 2, 16>, scalar_prefetch = 0 : i64, scratch_operands = 5 : i64, tpu.core_type = #tpu.core_type<sc_vector_subcore>, window_params = [{transform_indices = #map}, {transform_indices = #map}]} {
    %mul3A = arith.constant 2 : i32
    %mul3A_0 = arith.muli %arg1, %mul3A : i32
    %add3A = arith.addi %mul3A_0, %arg0 : i32
    %mul3A_1 = arith.constant 10000 : i32
    %mul3A_2 = arith.muli %add3A, %mul3A_1 : i32
    %add3A_3 = arith.constant 320000 : i32
    %add3A_4 = arith.addi %add3A_3, %mul3A_2 : i32
    %dma_start3A = tpu.memref_slice %arg2[%add3A_4] : memref<640000xi32, #tpu.memory_space<hbm>> -> memref<10000xi32, #tpu.memory_space<hbm>>
    %dma_start3A_5 = tpu.memref_slice %arg2[%add3A_4] : memref<640000xi32, #tpu.memory_space<hbm>> -> memref<10000xi32, #tpu.memory_space<hbm>>
    tpu.enqueue_dma source(%dma_start3A_5 : memref<10000xi32, #tpu.memory_space<hbm>>) target(%arg4 : memref<10000xi32, #tpu.memory_space<vmem>>) target_semaphore(%arg8 : memref<!tpu.dma_semaphore, #tpu.memory_space<semaphore_mem>>)
    %scan3A = arith.constant 0 : i32
    %scan3A_6 = arith.constant 0 : i32
    %scan3A_7 = arith.constant 625 : i32
    %scan3A_8 = arith.addi %scan3A_6, %scan3A_7 : i32
    %scan3A_9 = arith.constant 1 : i32
    scf.for %scan3A_28 = %scan3A_6 to %scan3A_8 step %scan3A_9  : i32 {
      %broadcast_in_dim3A = arith.constant 1.000000e+00 : f32
      %broadcast_in_dim3A_29 = vector.broadcast %broadcast_in_dim3A : f32 to vector<16xf32>
      %mul3A_30 = arith.constant 16 : i32
      %mul3A_31 = arith.muli %scan3A_28, %mul3A_30 : i32
      %swap3A = arith.index_cast %mul3A_31 : i32 to index
      %swap3A_32 = tpu.vector_load %arg5[%swap3A] {strides = array<i32>} : memref<10000xf32, #tpu.memory_space<vmem>>, vector<16xf32>,
      %swap3A_33 = vector.shape_cast %swap3A_32 : vector<16xf32> to vector<16xf32>
      %swap3A_34 = vector.shape_cast %broadcast_in_dim3A_29 : vector<16xf32> to vector<16xf32>
      tpu.vector_store %arg5[%swap3A], %swap3A_34 {strides = array<i32>} : memref<10000xf32, #tpu.memory_space<vmem>>, vector<16xf32>,
    }
    %scan3A_10 = arith.constant 625 : i32
    %scan3A_11 = arith.constant 0 : i32
    %scan3A_12 = arith.constant 0 : i32
    %scan3A_13 = arith.constant 40 : i32
    %scan3A_14 = arith.addi %scan3A_12, %scan3A_13 : i32
    %scan3A_15 = arith.constant 1 : i32
    scf.for %scan3A_28 = %scan3A_12 to %scan3A_14 step %scan3A_15  : i32 {
      %broadcast_in_dim3A = arith.constant 0.000000e+00 : f32
      %broadcast_in_dim3A_29 = vector.broadcast %broadcast_in_dim3A : f32 to vector<16xf32>
      %mul3A_30 = arith.constant 16 : i32
      %mul3A_31 = arith.muli %scan3A_28, %mul3A_30 : i32
      %swap3A = arith.index_cast %mul3A_31 : i32 to index
      %swap3A_32 = tpu.vector_load %arg6[%swap3A] {strides = array<i32>} : memref<640xf32, #tpu.memory_space<vmem>>, vector<16xf32>,
      %swap3A_33 = vector.shape_cast %swap3A_32 : vector<16xf32> to vector<16xf32>
      %swap3A_34 = vector.shape_cast %broadcast_in_dim3A_29 : vector<16xf32> to vector<16xf32>
      tpu.vector_store %arg6[%swap3A], %swap3A_34 {strides = array<i32>} : memref<640xf32, #tpu.memory_space<vmem>>, vector<16xf32>,
    }
    %scan3A_16 = arith.constant 40 : i32
    %mul3A_17 = arith.constant 640 : i32
    %mul3A_18 = arith.muli %arg1, %mul3A_17 : i32
    "tpu.region"() ({
      %run_scoped3A = tpu.sem_alloc : memref<!tpu.dma_semaphore, #tpu.memory_space<semaphore_mem>>
      %dma_start3A_28 = tpu.memref_slice %arg7[%mul3A_18] : memref<10240xf32, #tpu.memory_space<vmem_shared>> -> memref<640xf32, #tpu.memory_space<vmem_shared>>
      %dma_start3A_29 = tpu.memref_slice %arg7[%mul3A_18] : memref<10240xf32, #tpu.memory_space<vmem_shared>> -> memref<640xf32, #tpu.memory_space<vmem_shared>>
      tpu.enqueue_dma source(%arg6 : memref<640xf32, #tpu.memory_space<vmem>>) target(%dma_start3A_29 : memref<640xf32, #tpu.memory_space<vmem_shared>>) target_semaphore(%run_scoped3A : memref<!tpu.dma_semaphore, #tpu.memory_space<semaphore_mem>>)
      %dma_wait3A_30 = tpu.memref_slice %arg7[%mul3A_18] : memref<10240xf32, #tpu.memory_space<vmem_shared>> -> memref<640xf32, #tpu.memory_space<vmem_shared>>
      %dma_wait3A_31 = tpu.memref_slice %arg7[%mul3A_18] : memref<10240xf32, #tpu.memory_space<vmem_shared>> -> memref<640xf32, #tpu.memory_space<vmem_shared>>
      tpu.wait_dma2 semaphore(%run_scoped3A : memref<!tpu.dma_semaphore, #tpu.memory_space<semaphore_mem>>) src(%arg6 : memref<640xf32, #tpu.memory_space<vmem>>) dst(%dma_wait3A_31 : memref<640xf32, #tpu.memory_space<vmem_shared>>)
      tpu.yield
    }) : () -> ()
    %barrier3A = arith.constant 0 : index
    tpu.barrier barrier_id(%barrier3A)
    %dma_wait3A = tpu.memref_slice %arg2[%add3A_4] : memref<640000xi32, #tpu.memory_space<hbm>> -> memref<10000xi32, #tpu.memory_space<hbm>>
    %dma_wait3A_19 = tpu.memref_slice %arg2[%add3A_4] : memref<640000xi32, #tpu.memory_space<hbm>> -> memref<10000xi32, #tpu.memory_space<hbm>>
    tpu.wait_dma2 semaphore(%arg8 : memref<!tpu.dma_semaphore, #tpu.memory_space<semaphore_mem>>) src(%dma_wait3A_19 : memref<10000xi32, #tpu.memory_space<hbm>>) dst(%arg4 : memref<10000xi32, #tpu.memory_space<vmem>>)
    "tpu.region"() ({
      %run_scoped3A = tpu.sem_alloc : memref<!tpu.dma_semaphore, #tpu.memory_space<semaphore_mem>>
      %dma_start3A_28 = arith.constant 0 : i32
      %dma_start3A_29 = tpu.memref_slice %arg7[%dma_start3A_28] : memref<10240xf32, #tpu.memory_space<vmem_shared>> -> memref<10240xf32, #tpu.memory_space<vmem_shared>>
      tpu.enqueue_indirect_dma source(%arg5 : memref<10000xf32, #tpu.memory_space<vmem>>) target(%dma_start3A_29 : memref<10240xf32, #tpu.memory_space<vmem_shared>>) offsets(%arg4 : memref<10000xi32, #tpu.memory_space<vmem>>) semaphore(%run_scoped3A : memref<!tpu.dma_semaphore, #tpu.memory_space<semaphore_mem>>) {add = true}
      %dma_wait3A_30 = arith.constant 0 : i32
      %dma_wait3A_31 = tpu.memref_slice %arg7[%dma_wait3A_30] : memref<10240xf32, #tpu.memory_space<vmem_shared>> -> memref<10240xf32, #tpu.memory_space<vmem_shared>>
      tpu.wait_indirect_dma semaphore(%run_scoped3A : memref<!tpu.dma_semaphore, #tpu.memory_space<semaphore_mem>>) src(%arg5 : memref<10000xf32, #tpu.memory_space<vmem>>) dst(%dma_wait3A_31 : memref<10240xf32, #tpu.memory_space<vmem_shared>>)
      tpu.yield
    }) : () -> ()
    %barrier3A_20 = arith.constant 0 : index
    tpu.barrier barrier_id(%barrier3A_20)
    %mul3A_21 = arith.constant 640 : i32
    %mul3A_22 = arith.muli %arg1, %mul3A_21 : i32
    %mul3A_23 = arith.constant 10240 : i32
    %mul3A_24 = arith.muli %arg0, %mul3A_23 : i32
    %mul3A_25 = arith.constant 640 : i32
    %mul3A_26 = arith.muli %arg1, %mul3A_25 : i32
    %add3A_27 = arith.addi %mul3A_24, %mul3A_26 : i32
    "tpu.region"() ({
      %run_scoped3A = tpu.sem_alloc : memref<!tpu.dma_semaphore, #tpu.memory_space<semaphore_mem>>
      %dma_start3A_28 = tpu.memref_slice %arg3[%add3A_27] : memref<20480xf32, #tpu.memory_space<hbm>> -> memref<640xf32, #tpu.memory_space<hbm>>
      %dma_start3A_29 = tpu.memref_slice %arg7[%mul3A_22] : memref<10240xf32, #tpu.memory_space<vmem_shared>> -> memref<640xf32, #tpu.memory_space<vmem_shared>>
      tpu.enqueue_dma source(%dma_start3A_29 : memref<640xf32, #tpu.memory_space<vmem_shared>>) target(%dma_start3A_28 : memref<640xf32, #tpu.memory_space<hbm>>) target_semaphore(%run_scoped3A : memref<!tpu.dma_semaphore, #tpu.memory_space<semaphore_mem>>)
      %dma_wait3A_30 = tpu.memref_slice %arg3[%add3A_27] : memref<20480xf32, #tpu.memory_space<hbm>> -> memref<640xf32, #tpu.memory_space<hbm>>
      %dma_wait3A_31 = tpu.memref_slice %arg7[%mul3A_22] : memref<10240xf32, #tpu.memory_space<vmem_shared>> -> memref<640xf32, #tpu.memory_space<vmem_shared>>
      tpu.wait_dma2 semaphore(%run_scoped3A : memref<!tpu.dma_semaphore, #tpu.memory_space<semaphore_mem>>) src(%dma_wait3A_31 : memref<640xf32, #tpu.memory_space<vmem_shared>>) dst(%dma_wait3A_30 : memref<640xf32, #tpu.memory_space<hbm>>)
      tpu.yield
    }) : () -> ()
    return
  }
}

#map = affine_map<(d0, d1) -> (0, 0)>
#map1 = affine_map<(d0, d1) -> (0)>
module attributes {stable_mosaic.version = 14 : i64} {
  func.func @_agg_kernel(%arg0: i32, %arg1: i32, %arg2: memref<10000x16xf32, #tpu.memory_space<hbm>>, %arg3: memref<640000xi32, #tpu.memory_space<hbm>>, %arg4: memref<20480x16xf32, #tpu.memory_space<hbm>>, %arg5: memref<3x2000xi32, #tpu.memory_space<vmem>>, %arg6: memref<3x2000xi32, #tpu.memory_space<vmem>>, %arg7: memref<2x2000x16xf32, #tpu.memory_space<vmem>>, %arg8: memref<640x16xf32, #tpu.memory_space<vmem>>, %arg9: memref<10240x16xf32, #tpu.memory_space<vmem_shared>>, %arg10: memref<!tpu.dma_semaphore, #tpu.memory_space<semaphore_mem>>, %arg11: memref<!tpu.dma_semaphore, #tpu.memory_space<semaphore_mem>>, %arg12: memref<!tpu.dma_semaphore, #tpu.memory_space<semaphore_mem>>, %arg13: memref<!tpu.dma_semaphore, #tpu.memory_space<semaphore_mem>>, %arg14: memref<!tpu.dma_semaphore, #tpu.memory_space<semaphore_mem>>, %arg15: memref<!tpu.dma_semaphore, #tpu.memory_space<semaphore_mem>>, %arg16: memref<!tpu.dma_semaphore, #tpu.memory_space<semaphore_mem>>) attributes {dimension_semantics = [#tpu.dimension_semantics<core_parallel>, #tpu.dimension_semantics<subcore_parallel>], iteration_bounds = array<i64: 2, 16>, scalar_prefetch = 0 : i64, scratch_operands = 12 : i64, tpu.core_type = #tpu.core_type<sc_vector_subcore>, window_params = [{transform_indices = #map}, {transform_indices = #map1}, {transform_indices = #map}]} {
    %mul3A = arith.constant 2 : i32
    %mul3A_0 = arith.muli %arg1, %mul3A : i32
    %add3A = arith.addi %mul3A_0, %arg0 : i32
    %mul3A_1 = arith.constant 10000 : i32
    %mul3A_2 = arith.muli %add3A, %mul3A_1 : i32
    %add3A_3 = arith.constant 0 : i32
    %add3A_4 = arith.addi %mul3A_2, %add3A_3 : i32
    %dma_start3A = arith.constant 0 : i32
    %dma_start3A_5 = arith.constant 0 : i32
    %dma_start3A_6 = tpu.memref_slice %arg5[%dma_start3A, %dma_start3A_5] : memref<3x2000xi32, #tpu.memory_space<vmem>> -> memref<1x2000xi32, #tpu.memory_space<vmem>>
    %dma_start3A_7 = tpu.memref_squeeze %dma_start3A_6 : memref<1x2000xi32, #tpu.memory_space<vmem>> -> memref<2000xi32, #tpu.memory_space<vmem>>
    %dma_start3A_8 = tpu.memref_slice %arg3[%add3A_4] : memref<640000xi32, #tpu.memory_space<hbm>> -> memref<2000xi32, #tpu.memory_space<hbm>>
    %dma_start3A_9 = arith.constant 0 : i32
    %dma_start3A_10 = tpu.memref_slice %arg5[%dma_start3A, %dma_start3A_9] : memref<3x2000xi32, #tpu.memory_space<vmem>> -> memref<1x2000xi32, #tpu.memory_space<vmem>>
    %dma_start3A_11 = tpu.memref_squeeze %dma_start3A_10 : memref<1x2000xi32, #tpu.memory_space<vmem>> -> memref<2000xi32, #tpu.memory_space<vmem>>
    %dma_start3A_12 = tpu.memref_slice %arg3[%add3A_4] : memref<640000xi32, #tpu.memory_space<hbm>> -> memref<2000xi32, #tpu.memory_space<hbm>>
    tpu.enqueue_dma source(%dma_start3A_12 : memref<2000xi32, #tpu.memory_space<hbm>>) target(%dma_start3A_11 : memref<2000xi32, #tpu.memory_space<vmem>>) target_semaphore(%arg10 : memref<!tpu.dma_semaphore, #tpu.memory_space<semaphore_mem>>)
    %add3A_13 = arith.constant 320000 : i32
    %add3A_14 = arith.addi %add3A_13, %add3A_4 : i32
    %dma_start3A_15 = arith.constant 0 : i32
    %dma_start3A_16 = arith.constant 0 : i32
    %dma_start3A_17 = tpu.memref_slice %arg6[%dma_start3A_15, %dma_start3A_16] : memref<3x2000xi32, #tpu.memory_space<vmem>> -> memref<1x2000xi32, #tpu.memory_space<vmem>>
    %dma_start3A_18 = tpu.memref_squeeze %dma_start3A_17 : memref<1x2000xi32, #tpu.memory_space<vmem>> -> memref<2000xi32, #tpu.memory_space<vmem>>
    %dma_start3A_19 = tpu.memref_slice %arg3[%add3A_14] : memref<640000xi32, #tpu.memory_space<hbm>> -> memref<2000xi32, #tpu.memory_space<hbm>>
    %dma_start3A_20 = arith.constant 0 : i32
    %dma_start3A_21 = tpu.memref_slice %arg6[%dma_start3A_15, %dma_start3A_20] : memref<3x2000xi32, #tpu.memory_space<vmem>> -> memref<1x2000xi32, #tpu.memory_space<vmem>>
    %dma_start3A_22 = tpu.memref_squeeze %dma_start3A_21 : memref<1x2000xi32, #tpu.memory_space<vmem>> -> memref<2000xi32, #tpu.memory_space<vmem>>
    %dma_start3A_23 = tpu.memref_slice %arg3[%add3A_14] : memref<640000xi32, #tpu.memory_space<hbm>> -> memref<2000xi32, #tpu.memory_space<hbm>>
    tpu.enqueue_dma source(%dma_start3A_23 : memref<2000xi32, #tpu.memory_space<hbm>>) target(%dma_start3A_22 : memref<2000xi32, #tpu.memory_space<vmem>>) target_semaphore(%arg10 : memref<!tpu.dma_semaphore, #tpu.memory_space<semaphore_mem>>)
    %mul3A_24 = arith.constant 10000 : i32
    %mul3A_25 = arith.muli %add3A, %mul3A_24 : i32
    %add3A_26 = arith.constant 2000 : i32
    %add3A_27 = arith.addi %mul3A_25, %add3A_26 : i32
    %dma_start3A_28 = arith.constant 1 : i32
    %dma_start3A_29 = arith.constant 0 : i32
    %dma_start3A_30 = tpu.memref_slice %arg5[%dma_start3A_28, %dma_start3A_29] : memref<3x2000xi32, #tpu.memory_space<vmem>> -> memref<1x2000xi32, #tpu.memory_space<vmem>>
    %dma_start3A_31 = tpu.memref_squeeze %dma_start3A_30 : memref<1x2000xi32, #tpu.memory_space<vmem>> -> memref<2000xi32, #tpu.memory_space<vmem>>
    %dma_start3A_32 = tpu.memref_slice %arg3[%add3A_27] : memref<640000xi32, #tpu.memory_space<hbm>> -> memref<2000xi32, #tpu.memory_space<hbm>>
    %dma_start3A_33 = arith.constant 0 : i32
    %dma_start3A_34 = tpu.memref_slice %arg5[%dma_start3A_28, %dma_start3A_33] : memref<3x2000xi32, #tpu.memory_space<vmem>> -> memref<1x2000xi32, #tpu.memory_space<vmem>>
    %dma_start3A_35 = tpu.memref_squeeze %dma_start3A_34 : memref<1x2000xi32, #tpu.memory_space<vmem>> -> memref<2000xi32, #tpu.memory_space<vmem>>
    %dma_start3A_36 = tpu.memref_slice %arg3[%add3A_27] : memref<640000xi32, #tpu.memory_space<hbm>> -> memref<2000xi32, #tpu.memory_space<hbm>>
    tpu.enqueue_dma source(%dma_start3A_36 : memref<2000xi32, #tpu.memory_space<hbm>>) target(%dma_start3A_35 : memref<2000xi32, #tpu.memory_space<vmem>>) target_semaphore(%arg11 : memref<!tpu.dma_semaphore, #tpu.memory_space<semaphore_mem>>)
    %add3A_37 = arith.constant 320000 : i32
    %add3A_38 = arith.addi %add3A_37, %add3A_27 : i32
    %dma_start3A_39 = arith.constant 1 : i32
    %dma_start3A_40 = arith.constant 0 : i32
    %dma_start3A_41 = tpu.memref_slice %arg6[%dma_start3A_39, %dma_start3A_40] : memref<3x2000xi32, #tpu.memory_space<vmem>> -> memref<1x2000xi32, #tpu.memory_space<vmem>>
    %dma_start3A_42 = tpu.memref_squeeze %dma_start3A_41 : memref<1x2000xi32, #tpu.memory_space<vmem>> -> memref<2000xi32, #tpu.memory_space<vmem>>
    %dma_start3A_43 = tpu.memref_slice %arg3[%add3A_38] : memref<640000xi32, #tpu.memory_space<hbm>> -> memref<2000xi32, #tpu.memory_space<hbm>>
    %dma_start3A_44 = arith.constant 0 : i32
    %dma_start3A_45 = tpu.memref_slice %arg6[%dma_start3A_39, %dma_start3A_44] : memref<3x2000xi32, #tpu.memory_space<vmem>> -> memref<1x2000xi32, #tpu.memory_space<vmem>>
    %dma_start3A_46 = tpu.memref_squeeze %dma_start3A_45 : memref<1x2000xi32, #tpu.memory_space<vmem>> -> memref<2000xi32, #tpu.memory_space<vmem>>
    %dma_start3A_47 = tpu.memref_slice %arg3[%add3A_38] : memref<640000xi32, #tpu.memory_space<hbm>> -> memref<2000xi32, #tpu.memory_space<hbm>>
    tpu.enqueue_dma source(%dma_start3A_47 : memref<2000xi32, #tpu.memory_space<hbm>>) target(%dma_start3A_46 : memref<2000xi32, #tpu.memory_space<vmem>>) target_semaphore(%arg11 : memref<!tpu.dma_semaphore, #tpu.memory_space<semaphore_mem>>)
    %mul3A_48 = arith.constant 10000 : i32
    %mul3A_49 = arith.muli %add3A, %mul3A_48 : i32
    %add3A_50 = arith.constant 4000 : i32
    %add3A_51 = arith.addi %mul3A_49, %add3A_50 : i32
    %dma_start3A_52 = arith.constant 2 : i32
    %dma_start3A_53 = arith.constant 0 : i32
    %dma_start3A_54 = tpu.memref_slice %arg5[%dma_start3A_52, %dma_start3A_53] : memref<3x2000xi32, #tpu.memory_space<vmem>> -> memref<1x2000xi32, #tpu.memory_space<vmem>>
    %dma_start3A_55 = tpu.memref_squeeze %dma_start3A_54 : memref<1x2000xi32, #tpu.memory_space<vmem>> -> memref<2000xi32, #tpu.memory_space<vmem>>
    %dma_start3A_56 = tpu.memref_slice %arg3[%add3A_51] : memref<640000xi32, #tpu.memory_space<hbm>> -> memref<2000xi32, #tpu.memory_space<hbm>>
    %dma_start3A_57 = arith.constant 0 : i32
    %dma_start3A_58 = tpu.memref_slice %arg5[%dma_start3A_52, %dma_start3A_57] : memref<3x2000xi32, #tpu.memory_space<vmem>> -> memref<1x2000xi32, #tpu.memory_space<vmem>>
    %dma_start3A_59 = tpu.memref_squeeze %dma_start3A_58 : memref<1x2000xi32, #tpu.memory_space<vmem>> -> memref<2000xi32, #tpu.memory_space<vmem>>
    %dma_start3A_60 = tpu.memref_slice %arg3[%add3A_51] : memref<640000xi32, #tpu.memory_space<hbm>> -> memref<2000xi32, #tpu.memory_space<hbm>>
    tpu.enqueue_dma source(%dma_start3A_60 : memref<2000xi32, #tpu.memory_space<hbm>>) target(%dma_start3A_59 : memref<2000xi32, #tpu.memory_space<vmem>>) target_semaphore(%arg12 : memref<!tpu.dma_semaphore, #tpu.memory_space<semaphore_mem>>)
    %add3A_61 = arith.constant 320000 : i32
    %add3A_62 = arith.addi %add3A_61, %add3A_51 : i32
    %dma_start3A_63 = arith.constant 2 : i32
    %dma_start3A_64 = arith.constant 0 : i32
    %dma_start3A_65 = tpu.memref_slice %arg6[%dma_start3A_63, %dma_start3A_64] : memref<3x2000xi32, #tpu.memory_space<vmem>> -> memref<1x2000xi32, #tpu.memory_space<vmem>>
    %dma_start3A_66 = tpu.memref_squeeze %dma_start3A_65 : memref<1x2000xi32, #tpu.memory_space<vmem>> -> memref<2000xi32, #tpu.memory_space<vmem>>
    %dma_start3A_67 = tpu.memref_slice %arg3[%add3A_62] : memref<640000xi32, #tpu.memory_space<hbm>> -> memref<2000xi32, #tpu.memory_space<hbm>>
    %dma_start3A_68 = arith.constant 0 : i32
    %dma_start3A_69 = tpu.memref_slice %arg6[%dma_start3A_63, %dma_start3A_68] : memref<3x2000xi32, #tpu.memory_space<vmem>> -> memref<1x2000xi32, #tpu.memory_space<vmem>>
    %dma_start3A_70 = tpu.memref_squeeze %dma_start3A_69 : memref<1x2000xi32, #tpu.memory_space<vmem>> -> memref<2000xi32, #tpu.memory_space<vmem>>
    %dma_start3A_71 = tpu.memref_slice %arg3[%add3A_62] : memref<640000xi32, #tpu.memory_space<hbm>> -> memref<2000xi32, #tpu.memory_space<hbm>>
    tpu.enqueue_dma source(%dma_start3A_71 : memref<2000xi32, #tpu.memory_space<hbm>>) target(%dma_start3A_70 : memref<2000xi32, #tpu.memory_space<vmem>>) target_semaphore(%arg12 : memref<!tpu.dma_semaphore, #tpu.memory_space<semaphore_mem>>)
    %scan3A = arith.constant 0 : i32
    %scan3A_72 = arith.constant 0 : i32
    %scan3A_73 = arith.constant 640 : i32
    %scan3A_74 = arith.addi %scan3A_72, %scan3A_73 : i32
    %scan3A_75 = arith.constant 1 : i32
    scf.for %scan3A_484 = %scan3A_72 to %scan3A_74 step %scan3A_75  : i32 {
      %broadcast_in_dim3A = arith.constant 0.000000e+00 : f32
      %broadcast_in_dim3A_485 = vector.broadcast %broadcast_in_dim3A : f32 to vector<16xf32>
      %swap3A = arith.index_cast %scan3A_484 : i32 to index
      %swap3A_486 = arith.constant 0 : index
      %swap3A_487 = tpu.vector_load %arg8[%swap3A, %swap3A_486] {strides = array<i32>} : memref<640x16xf32, #tpu.memory_space<vmem>>, vector<1x16xf32>,
      %swap3A_488 = vector.shape_cast %swap3A_487 : vector<1x16xf32> to vector<16xf32>
      %swap3A_489 = vector.shape_cast %broadcast_in_dim3A_485 : vector<16xf32> to vector<1x16xf32>
      tpu.vector_store %arg8[%swap3A, %swap3A_486], %swap3A_489 {strides = array<i32>} : memref<640x16xf32, #tpu.memory_space<vmem>>, vector<1x16xf32>,
    }
    %scan3A_76 = arith.constant 640 : i32
    %mul3A_77 = arith.constant 640 : i32
    %mul3A_78 = arith.muli %arg1, %mul3A_77 : i32
    "tpu.region"() ({
      %run_scoped3A = tpu.sem_alloc : memref<!tpu.dma_semaphore, #tpu.memory_space<semaphore_mem>>
      %dma_start3A_484 = arith.constant 0 : i32
      %dma_start3A_485 = tpu.memref_slice %arg9[%mul3A_78, %dma_start3A_484] : memref<10240x16xf32, #tpu.memory_space<vmem_shared>> -> memref<640x16xf32, #tpu.memory_space<vmem_shared>>
      %dma_start3A_486 = arith.constant 0 : i32
      %dma_start3A_487 = tpu.memref_slice %arg9[%mul3A_78, %dma_start3A_486] : memref<10240x16xf32, #tpu.memory_space<vmem_shared>> -> memref<640x16xf32, #tpu.memory_space<vmem_shared>>
      tpu.enqueue_dma source(%arg8 : memref<640x16xf32, #tpu.memory_space<vmem>>) target(%dma_start3A_487 : memref<640x16xf32, #tpu.memory_space<vmem_shared>>) target_semaphore(%run_scoped3A : memref<!tpu.dma_semaphore, #tpu.memory_space<semaphore_mem>>)
      %dma_wait3A_488 = arith.constant 0 : i32
      %dma_wait3A_489 = tpu.memref_slice %arg9[%mul3A_78, %dma_wait3A_488] : memref<10240x16xf32, #tpu.memory_space<vmem_shared>> -> memref<640x16xf32, #tpu.memory_space<vmem_shared>>
      %dma_wait3A_490 = arith.constant 0 : i32
      %dma_wait3A_491 = tpu.memref_slice %arg9[%mul3A_78, %dma_wait3A_490] : memref<10240x16xf32, #tpu.memory_space<vmem_shared>> -> memref<640x16xf32, #tpu.memory_space<vmem_shared>>
      tpu.wait_dma2 semaphore(%run_scoped3A : memref<!tpu.dma_semaphore, #tpu.memory_space<semaphore_mem>>) src(%arg8 : memref<640x16xf32, #tpu.memory_space<vmem>>) dst(%dma_wait3A_491 : memref<640x16xf32, #tpu.memory_space<vmem_shared>>)
      tpu.yield
    }) : () -> ()
    %barrier3A = arith.constant 0 : index
    tpu.barrier barrier_id(%barrier3A)
    %dma_wait3A = arith.constant 0 : i32
    %dma_wait3A_79 = arith.constant 0 : i32
    %dma_wait3A_80 = tpu.memref_slice %arg5[%dma_wait3A, %dma_wait3A_79] : memref<3x2000xi32, #tpu.memory_space<vmem>> -> memref<1x2000xi32, #tpu.memory_space<vmem>>
    %dma_wait3A_81 = tpu.memref_squeeze %dma_wait3A_80 : memref<1x2000xi32, #tpu.memory_space<vmem>> -> memref<2000xi32, #tpu.memory_space<vmem>>
    %dma_wait3A_82 = arith.constant 0 : i32
    %dma_wait3A_83 = tpu.memref_slice %arg3[%dma_wait3A_82] : memref<640000xi32, #tpu.memory_space<hbm>> -> memref<2000xi32, #tpu.memory_space<hbm>>
    %dma_wait3A_84 = arith.constant 0 : i32
    %dma_wait3A_85 = tpu.memref_slice %arg5[%dma_wait3A, %dma_wait3A_84] : memref<3x2000xi32, #tpu.memory_space<vmem>> -> memref<1x2000xi32, #tpu.memory_space<vmem>>
    %dma_wait3A_86 = tpu.memref_squeeze %dma_wait3A_85 : memref<1x2000xi32, #tpu.memory_space<vmem>> -> memref<2000xi32, #tpu.memory_space<vmem>>
    %dma_wait3A_87 = arith.constant 0 : i32
    %dma_wait3A_88 = tpu.memref_slice %arg3[%dma_wait3A_87] : memref<640000xi32, #tpu.memory_space<hbm>> -> memref<2000xi32, #tpu.memory_space<hbm>>
    tpu.wait_dma2 semaphore(%arg10 : memref<!tpu.dma_semaphore, #tpu.memory_space<semaphore_mem>>) src(%dma_wait3A_88 : memref<2000xi32, #tpu.memory_space<hbm>>) dst(%dma_wait3A_86 : memref<2000xi32, #tpu.memory_space<vmem>>)
    %dma_wait3A_89 = arith.constant 0 : i32
    %dma_wait3A_90 = arith.constant 0 : i32
    %dma_wait3A_91 = tpu.memref_slice %arg6[%dma_wait3A_89, %dma_wait3A_90] : memref<3x2000xi32, #tpu.memory_space<vmem>> -> memref<1x2000xi32, #tpu.memory_space<vmem>>
    %dma_wait3A_92 = tpu.memref_squeeze %dma_wait3A_91 : memref<1x2000xi32, #tpu.memory_space<vmem>> -> memref<2000xi32, #tpu.memory_space<vmem>>
    %dma_wait3A_93 = arith.constant 0 : i32
    %dma_wait3A_94 = tpu.memref_slice %arg3[%dma_wait3A_93] : memref<640000xi32, #tpu.memory_space<hbm>> -> memref<2000xi32, #tpu.memory_space<hbm>>
    %dma_wait3A_95 = arith.constant 0 : i32
    %dma_wait3A_96 = tpu.memref_slice %arg6[%dma_wait3A_89, %dma_wait3A_95] : memref<3x2000xi32, #tpu.memory_space<vmem>> -> memref<1x2000xi32, #tpu.memory_space<vmem>>
    %dma_wait3A_97 = tpu.memref_squeeze %dma_wait3A_96 : memref<1x2000xi32, #tpu.memory_space<vmem>> -> memref<2000xi32, #tpu.memory_space<vmem>>
    %dma_wait3A_98 = arith.constant 0 : i32
    %dma_wait3A_99 = tpu.memref_slice %arg3[%dma_wait3A_98] : memref<640000xi32, #tpu.memory_space<hbm>> -> memref<2000xi32, #tpu.memory_space<hbm>>
    tpu.wait_dma2 semaphore(%arg10 : memref<!tpu.dma_semaphore, #tpu.memory_space<semaphore_mem>>) src(%dma_wait3A_99 : memref<2000xi32, #tpu.memory_space<hbm>>) dst(%dma_wait3A_97 : memref<2000xi32, #tpu.memory_space<vmem>>)
    %dma_start3A_100 = arith.constant 0 : i32
    %dma_start3A_101 = arith.constant 0 : i32
    %dma_start3A_102 = arith.constant 0 : i32
    %dma_start3A_103 = arith.constant 0 : i32
    %dma_start3A_104 = tpu.memref_slice %arg7[%dma_start3A_101, %dma_start3A_102, %dma_start3A_103] : memref<2x2000x16xf32, #tpu.memory_space<vmem>> -> memref<1x2000x16xf32, #tpu.memory_space<vmem>>
    %dma_start3A_105 = tpu.memref_squeeze %dma_start3A_104 : memref<1x2000x16xf32, #tpu.memory_space<vmem>> -> memref<2000x16xf32, #tpu.memory_space<vmem>>
    %dma_start3A_106 = arith.constant 0 : i32
    %dma_start3A_107 = tpu.memref_slice %arg5[%dma_start3A_100, %dma_start3A_106] : memref<3x2000xi32, #tpu.memory_space<vmem>> -> memref<1x2000xi32, #tpu.memory_space<vmem>>
    %dma_start3A_108 = tpu.memref_squeeze %dma_start3A_107 : memref<1x2000xi32, #tpu.memory_space<vmem>> -> memref<2000xi32, #tpu.memory_space<vmem>>
    %dma_start3A_109 = arith.constant 0 : i32
    %dma_start3A_110 = arith.constant 0 : i32
    %dma_start3A_111 = tpu.memref_slice %arg2[%dma_start3A_109, %dma_start3A_110] : memref<10000x16xf32, #tpu.memory_space<hbm>> -> memref<10000x16xf32, #tpu.memory_space<hbm>>
    tpu.enqueue_indirect_dma source(%dma_start3A_111 : memref<10000x16xf32, #tpu.memory_space<hbm>>) target(%dma_start3A_105 : memref<2000x16xf32, #tpu.memory_space<vmem>>) offsets(%dma_start3A_108 : memref<2000xi32, #tpu.memory_space<vmem>>) semaphore(%arg13 : memref<!tpu.dma_semaphore, #tpu.memory_space<semaphore_mem>>)
    %dma_wait3A_112 = arith.constant 0 : i32
    %dma_wait3A_113 = arith.constant 0 : i32
    %dma_wait3A_114 = arith.constant 0 : i32
    %dma_wait3A_115 = arith.constant 0 : i32
    %dma_wait3A_116 = tpu.memref_slice %arg7[%dma_wait3A_113, %dma_wait3A_114, %dma_wait3A_115] : memref<2x2000x16xf32, #tpu.memory_space<vmem>> -> memref<1x2000x16xf32, #tpu.memory_space<vmem>>
    %dma_wait3A_117 = tpu.memref_squeeze %dma_wait3A_116 : memref<1x2000x16xf32, #tpu.memory_space<vmem>> -> memref<2000x16xf32, #tpu.memory_space<vmem>>
    %dma_wait3A_118 = arith.constant 0 : i32
    %dma_wait3A_119 = tpu.memref_slice %arg5[%dma_wait3A_112, %dma_wait3A_118] : memref<3x2000xi32, #tpu.memory_space<vmem>> -> memref<1x2000xi32, #tpu.memory_space<vmem>>
    %dma_wait3A_120 = tpu.memref_squeeze %dma_wait3A_119 : memref<1x2000xi32, #tpu.memory_space<vmem>> -> memref<2000xi32, #tpu.memory_space<vmem>>
    %dma_wait3A_121 = arith.constant 0 : i32
    %dma_wait3A_122 = arith.constant 0 : i32
    %dma_wait3A_123 = tpu.memref_slice %arg2[%dma_wait3A_121, %dma_wait3A_122] : memref<10000x16xf32, #tpu.memory_space<hbm>> -> memref<10000x16xf32, #tpu.memory_space<hbm>>
    tpu.wait_indirect_dma semaphore(%arg13 : memref<!tpu.dma_semaphore, #tpu.memory_space<semaphore_mem>>) src(%dma_wait3A_123 : memref<10000x16xf32, #tpu.memory_space<hbm>>) dst(%dma_wait3A_117 : memref<2000x16xf32, #tpu.memory_space<vmem>>)
    %dma_wait3A_124 = arith.constant 1 : i32
    %dma_wait3A_125 = arith.constant 0 : i32
    %dma_wait3A_126 = tpu.memref_slice %arg5[%dma_wait3A_124, %dma_wait3A_125] : memref<3x2000xi32, #tpu.memory_space<vmem>> -> memref<1x2000xi32, #tpu.memory_space<vmem>>
    %dma_wait3A_127 = tpu.memref_squeeze %dma_wait3A_126 : memref<1x2000xi32, #tpu.memory_space<vmem>> -> memref<2000xi32, #tpu.memory_space<vmem>>
    %dma_wait3A_128 = arith.constant 0 : i32
    %dma_wait3A_129 = tpu.memref_slice %arg3[%dma_wait3A_128] : memref<640000xi32, #tpu.memory_space<hbm>> -> memref<2000xi32, #tpu.memory_space<hbm>>
    %dma_wait3A_130 = arith.constant 0 : i32
    %dma_wait3A_131 = tpu.memref_slice %arg5[%dma_wait3A_124, %dma_wait3A_130] : memref<3x2000xi32, #tpu.memory_space<vmem>> -> memref<1x2000xi32, #tpu.memory_space<vmem>>
    %dma_wait3A_132 = tpu.memref_squeeze %dma_wait3A_131 : memref<1x2000xi32, #tpu.memory_space<vmem>> -> memref<2000xi32, #tpu.memory_space<vmem>>
    %dma_wait3A_133 = arith.constant 0 : i32
    %dma_wait3A_134 = tpu.memref_slice %arg3[%dma_wait3A_133] : memref<640000xi32, #tpu.memory_space<hbm>> -> memref<2000xi32, #tpu.memory_space<hbm>>
    tpu.wait_dma2 semaphore(%arg11 : memref<!tpu.dma_semaphore, #tpu.memory_space<semaphore_mem>>) src(%dma_wait3A_134 : memref<2000xi32, #tpu.memory_space<hbm>>) dst(%dma_wait3A_132 : memref<2000xi32, #tpu.memory_space<vmem>>)
    %dma_wait3A_135 = arith.constant 1 : i32
    %dma_wait3A_136 = arith.constant 0 : i32
    %dma_wait3A_137 = tpu.memref_slice %arg6[%dma_wait3A_135, %dma_wait3A_136] : memref<3x2000xi32, #tpu.memory_space<vmem>> -> memref<1x2000xi32, #tpu.memory_space<vmem>>
    %dma_wait3A_138 = tpu.memref_squeeze %dma_wait3A_137 : memref<1x2000xi32, #tpu.memory_space<vmem>> -> memref<2000xi32, #tpu.memory_space<vmem>>
    %dma_wait3A_139 = arith.constant 0 : i32
    %dma_wait3A_140 = tpu.memref_slice %arg3[%dma_wait3A_139] : memref<640000xi32, #tpu.memory_space<hbm>> -> memref<2000xi32, #tpu.memory_space<hbm>>
    %dma_wait3A_141 = arith.constant 0 : i32
    %dma_wait3A_142 = tpu.memref_slice %arg6[%dma_wait3A_135, %dma_wait3A_141] : memref<3x2000xi32, #tpu.memory_space<vmem>> -> memref<1x2000xi32, #tpu.memory_space<vmem>>
    %dma_wait3A_143 = tpu.memref_squeeze %dma_wait3A_142 : memref<1x2000xi32, #tpu.memory_space<vmem>> -> memref<2000xi32, #tpu.memory_space<vmem>>
    %dma_wait3A_144 = arith.constant 0 : i32
    %dma_wait3A_145 = tpu.memref_slice %arg3[%dma_wait3A_144] : memref<640000xi32, #tpu.memory_space<hbm>> -> memref<2000xi32, #tpu.memory_space<hbm>>
    tpu.wait_dma2 semaphore(%arg11 : memref<!tpu.dma_semaphore, #tpu.memory_space<semaphore_mem>>) src(%dma_wait3A_145 : memref<2000xi32, #tpu.memory_space<hbm>>) dst(%dma_wait3A_143 : memref<2000xi32, #tpu.memory_space<vmem>>)
    %dma_start3A_146 = arith.constant 1 : i32
    %dma_start3A_147 = arith.constant 1 : i32
    %dma_start3A_148 = arith.constant 0 : i32
    %dma_start3A_149 = arith.constant 0 : i32
    %dma_start3A_150 = tpu.memref_slice %arg7[%dma_start3A_147, %dma_start3A_148, %dma_start3A_149] : memref<2x2000x16xf32, #tpu.memory_space<vmem>> -> memref<1x2000x16xf32, #tpu.memory_space<vmem>>
    %dma_start3A_151 = tpu.memref_squeeze %dma_start3A_150 : memref<1x2000x16xf32, #tpu.memory_space<vmem>> -> memref<2000x16xf32, #tpu.memory_space<vmem>>
    %dma_start3A_152 = arith.constant 0 : i32
    %dma_start3A_153 = tpu.memref_slice %arg5[%dma_start3A_146, %dma_start3A_152] : memref<3x2000xi32, #tpu.memory_space<vmem>> -> memref<1x2000xi32, #tpu.memory_space<vmem>>
    %dma_start3A_154 = tpu.memref_squeeze %dma_start3A_153 : memref<1x2000xi32, #tpu.memory_space<vmem>> -> memref<2000xi32, #tpu.memory_space<vmem>>
    %dma_start3A_155 = arith.constant 0 : i32
    %dma_start3A_156 = arith.constant 0 : i32
    %dma_start3A_157 = tpu.memref_slice %arg2[%dma_start3A_155, %dma_start3A_156] : memref<10000x16xf32, #tpu.memory_space<hbm>> -> memref<10000x16xf32, #tpu.memory_space<hbm>>
    tpu.enqueue_indirect_dma source(%dma_start3A_157 : memref<10000x16xf32, #tpu.memory_space<hbm>>) target(%dma_start3A_151 : memref<2000x16xf32, #tpu.memory_space<vmem>>) offsets(%dma_start3A_154 : memref<2000xi32, #tpu.memory_space<vmem>>) semaphore(%arg14 : memref<!tpu.dma_semaphore, #tpu.memory_space<semaphore_mem>>)
    %dma_start3A_158 = arith.constant 0 : i32
    %dma_start3A_159 = arith.constant 0 : i32
    %dma_start3A_160 = arith.constant 0 : i32
    %dma_start3A_161 = arith.constant 0 : i32
    %dma_start3A_162 = tpu.memref_slice %arg7[%dma_start3A_158, %dma_start3A_160, %dma_start3A_161] : memref<2x2000x16xf32, #tpu.memory_space<vmem>> -> memref<1x2000x16xf32, #tpu.memory_space<vmem>>
    %dma_start3A_163 = tpu.memref_squeeze %dma_start3A_162 : memref<1x2000x16xf32, #tpu.memory_space<vmem>> -> memref<2000x16xf32, #tpu.memory_space<vmem>>
    %dma_start3A_164 = arith.constant 0 : i32
    %dma_start3A_165 = tpu.memref_slice %arg6[%dma_start3A_159, %dma_start3A_164] : memref<3x2000xi32, #tpu.memory_space<vmem>> -> memref<1x2000xi32, #tpu.memory_space<vmem>>
    %dma_start3A_166 = tpu.memref_squeeze %dma_start3A_165 : memref<1x2000xi32, #tpu.memory_space<vmem>> -> memref<2000xi32, #tpu.memory_space<vmem>>
    %dma_start3A_167 = arith.constant 0 : i32
    %dma_start3A_168 = arith.constant 0 : i32
    %dma_start3A_169 = tpu.memref_slice %arg9[%dma_start3A_167, %dma_start3A_168] : memref<10240x16xf32, #tpu.memory_space<vmem_shared>> -> memref<10240x16xf32, #tpu.memory_space<vmem_shared>>
    tpu.enqueue_indirect_dma source(%dma_start3A_163 : memref<2000x16xf32, #tpu.memory_space<vmem>>) target(%dma_start3A_169 : memref<10240x16xf32, #tpu.memory_space<vmem_shared>>) offsets(%dma_start3A_166 : memref<2000xi32, #tpu.memory_space<vmem>>) semaphore(%arg15 : memref<!tpu.dma_semaphore, #tpu.memory_space<semaphore_mem>>) {add = true}
    %dma_wait3A_170 = arith.constant 0 : i32
    %dma_wait3A_171 = arith.constant 0 : i32
    %dma_wait3A_172 = arith.constant 0 : i32
    %dma_wait3A_173 = arith.constant 0 : i32
    %dma_wait3A_174 = tpu.memref_slice %arg7[%dma_wait3A_170, %dma_wait3A_172, %dma_wait3A_173] : memref<2x2000x16xf32, #tpu.memory_space<vmem>> -> memref<1x2000x16xf32, #tpu.memory_space<vmem>>
    %dma_wait3A_175 = tpu.memref_squeeze %dma_wait3A_174 : memref<1x2000x16xf32, #tpu.memory_space<vmem>> -> memref<2000x16xf32, #tpu.memory_space<vmem>>
    %dma_wait3A_176 = arith.constant 0 : i32
    %dma_wait3A_177 = tpu.memref_slice %arg6[%dma_wait3A_171, %dma_wait3A_176] : memref<3x2000xi32, #tpu.memory_space<vmem>> -> memref<1x2000xi32, #tpu.memory_space<vmem>>
    %dma_wait3A_178 = tpu.memref_squeeze %dma_wait3A_177 : memref<1x2000xi32, #tpu.memory_space<vmem>> -> memref<2000xi32, #tpu.memory_space<vmem>>
    %dma_wait3A_179 = arith.constant 0 : i32
    %dma_wait3A_180 = arith.constant 0 : i32
    %dma_wait3A_181 = tpu.memref_slice %arg9[%dma_wait3A_179, %dma_wait3A_180] : memref<10240x16xf32, #tpu.memory_space<vmem_shared>> -> memref<10240x16xf32, #tpu.memory_space<vmem_shared>>
    tpu.wait_indirect_dma semaphore(%arg15 : memref<!tpu.dma_semaphore, #tpu.memory_space<semaphore_mem>>) src(%dma_wait3A_175 : memref<2000x16xf32, #tpu.memory_space<vmem>>) dst(%dma_wait3A_181 : memref<10240x16xf32, #tpu.memory_space<vmem_shared>>)
    %mul3A_182 = arith.constant 10000 : i32
    %mul3A_183 = arith.muli %add3A, %mul3A_182 : i32
    %add3A_184 = arith.constant 6000 : i32
    %add3A_185 = arith.addi %mul3A_183, %add3A_184 : i32
    %dma_start3A_186 = arith.constant 0 : i32
    %dma_start3A_187 = arith.constant 0 : i32
    %dma_start3A_188 = tpu.memref_slice %arg5[%dma_start3A_186, %dma_start3A_187] : memref<3x2000xi32, #tpu.memory_space<vmem>> -> memref<1x2000xi32, #tpu.memory_space<vmem>>
    %dma_start3A_189 = tpu.memref_squeeze %dma_start3A_188 : memref<1x2000xi32, #tpu.memory_space<vmem>> -> memref<2000xi32, #tpu.memory_space<vmem>>
    %dma_start3A_190 = tpu.memref_slice %arg3[%add3A_185] : memref<640000xi32, #tpu.memory_space<hbm>> -> memref<2000xi32, #tpu.memory_space<hbm>>
    %dma_start3A_191 = arith.constant 0 : i32
    %dma_start3A_192 = tpu.memref_slice %arg5[%dma_start3A_186, %dma_start3A_191] : memref<3x2000xi32, #tpu.memory_space<vmem>> -> memref<1x2000xi32, #tpu.memory_space<vmem>>
    %dma_start3A_193 = tpu.memref_squeeze %dma_start3A_192 : memref<1x2000xi32, #tpu.memory_space<vmem>> -> memref<2000xi32, #tpu.memory_space<vmem>>
    %dma_start3A_194 = tpu.memref_slice %arg3[%add3A_185] : memref<640000xi32, #tpu.memory_space<hbm>> -> memref<2000xi32, #tpu.memory_space<hbm>>
    tpu.enqueue_dma source(%dma_start3A_194 : memref<2000xi32, #tpu.memory_space<hbm>>) target(%dma_start3A_193 : memref<2000xi32, #tpu.memory_space<vmem>>) target_semaphore(%arg10 : memref<!tpu.dma_semaphore, #tpu.memory_space<semaphore_mem>>)
    %add3A_195 = arith.constant 320000 : i32
    %add3A_196 = arith.addi %add3A_195, %add3A_185 : i32
    %dma_start3A_197 = arith.constant 0 : i32
    %dma_start3A_198 = arith.constant 0 : i32
    %dma_start3A_199 = tpu.memref_slice %arg6[%dma_start3A_197, %dma_start3A_198] : memref<3x2000xi32, #tpu.memory_space<vmem>> -> memref<1x2000xi32, #tpu.memory_space<vmem>>
    %dma_start3A_200 = tpu.memref_squeeze %dma_start3A_199 : memref<1x2000xi32, #tpu.memory_space<vmem>> -> memref<2000xi32, #tpu.memory_space<vmem>>
    %dma_start3A_201 = tpu.memref_slice %arg3[%add3A_196] : memref<640000xi32, #tpu.memory_space<hbm>> -> memref<2000xi32, #tpu.memory_space<hbm>>
    %dma_start3A_202 = arith.constant 0 : i32
    %dma_start3A_203 = tpu.memref_slice %arg6[%dma_start3A_197, %dma_start3A_202] : memref<3x2000xi32, #tpu.memory_space<vmem>> -> memref<1x2000xi32, #tpu.memory_space<vmem>>
    %dma_start3A_204 = tpu.memref_squeeze %dma_start3A_203 : memref<1x2000xi32, #tpu.memory_space<vmem>> -> memref<2000xi32, #tpu.memory_space<vmem>>
    %dma_start3A_205 = tpu.memref_slice %arg3[%add3A_196] : memref<640000xi32, #tpu.memory_space<hbm>> -> memref<2000xi32, #tpu.memory_space<hbm>>
    tpu.enqueue_dma source(%dma_start3A_205 : memref<2000xi32, #tpu.memory_space<hbm>>) target(%dma_start3A_204 : memref<2000xi32, #tpu.memory_space<vmem>>) target_semaphore(%arg10 : memref<!tpu.dma_semaphore, #tpu.memory_space<semaphore_mem>>)
    %dma_wait3A_206 = arith.constant 1 : i32
    %dma_wait3A_207 = arith.constant 1 : i32
    %dma_wait3A_208 = arith.constant 0 : i32
    %dma_wait3A_209 = arith.constant 0 : i32
    %dma_wait3A_210 = tpu.memref_slice %arg7[%dma_wait3A_207, %dma_wait3A_208, %dma_wait3A_209] : memref<2x2000x16xf32, #tpu.memory_space<vmem>> -> memref<1x2000x16xf32, #tpu.memory_space<vmem>>
    %dma_wait3A_211 = tpu.memref_squeeze %dma_wait3A_210 : memref<1x2000x16xf32, #tpu.memory_space<vmem>> -> memref<2000x16xf32, #tpu.memory_space<vmem>>
    %dma_wait3A_212 = arith.constant 0 : i32
    %dma_wait3A_213 = tpu.memref_slice %arg5[%dma_wait3A_206, %dma_wait3A_212] : memref<3x2000xi32, #tpu.memory_space<vmem>> -> memref<1x2000xi32, #tpu.memory_space<vmem>>
    %dma_wait3A_214 = tpu.memref_squeeze %dma_wait3A_213 : memref<1x2000xi32, #tpu.memory_space<vmem>> -> memref<2000xi32, #tpu.memory_space<vmem>>
    %dma_wait3A_215 = arith.constant 0 : i32
    %dma_wait3A_216 = arith.constant 0 : i32
    %dma_wait3A_217 = tpu.memref_slice %arg2[%dma_wait3A_215, %dma_wait3A_216] : memref<10000x16xf32, #tpu.memory_space<hbm>> -> memref<10000x16xf32, #tpu.memory_space<hbm>>
    tpu.wait_indirect_dma semaphore(%arg14 : memref<!tpu.dma_semaphore, #tpu.memory_space<semaphore_mem>>) src(%dma_wait3A_217 : memref<10000x16xf32, #tpu.memory_space<hbm>>) dst(%dma_wait3A_211 : memref<2000x16xf32, #tpu.memory_space<vmem>>)
    %dma_wait3A_218 = arith.constant 2 : i32
    %dma_wait3A_219 = arith.constant 0 : i32
    %dma_wait3A_220 = tpu.memref_slice %arg5[%dma_wait3A_218, %dma_wait3A_219] : memref<3x2000xi32, #tpu.memory_space<vmem>> -> memref<1x2000xi32, #tpu.memory_space<vmem>>
    %dma_wait3A_221 = tpu.memref_squeeze %dma_wait3A_220 : memref<1x2000xi32, #tpu.memory_space<vmem>> -> memref<2000xi32, #tpu.memory_space<vmem>>
    %dma_wait3A_222 = arith.constant 0 : i32
    %dma_wait3A_223 = tpu.memref_slice %arg3[%dma_wait3A_222] : memref<640000xi32, #tpu.memory_space<hbm>> -> memref<2000xi32, #tpu.memory_space<hbm>>
    %dma_wait3A_224 = arith.constant 0 : i32
    %dma_wait3A_225 = tpu.memref_slice %arg5[%dma_wait3A_218, %dma_wait3A_224] : memref<3x2000xi32, #tpu.memory_space<vmem>> -> memref<1x2000xi32, #tpu.memory_space<vmem>>
    %dma_wait3A_226 = tpu.memref_squeeze %dma_wait3A_225 : memref<1x2000xi32, #tpu.memory_space<vmem>> -> memref<2000xi32, #tpu.memory_space<vmem>>
    %dma_wait3A_227 = arith.constant 0 : i32
    %dma_wait3A_228 = tpu.memref_slice %arg3[%dma_wait3A_227] : memref<640000xi32, #tpu.memory_space<hbm>> -> memref<2000xi32, #tpu.memory_space<hbm>>
    tpu.wait_dma2 semaphore(%arg12 : memref<!tpu.dma_semaphore, #tpu.memory_space<semaphore_mem>>) src(%dma_wait3A_228 : memref<2000xi32, #tpu.memory_space<hbm>>) dst(%dma_wait3A_226 : memref<2000xi32, #tpu.memory_space<vmem>>)
    %dma_wait3A_229 = arith.constant 2 : i32
    %dma_wait3A_230 = arith.constant 0 : i32
    %dma_wait3A_231 = tpu.memref_slice %arg6[%dma_wait3A_229, %dma_wait3A_230] : memref<3x2000xi32, #tpu.memory_space<vmem>> -> memref<1x2000xi32, #tpu.memory_space<vmem>>
    %dma_wait3A_232 = tpu.memref_squeeze %dma_wait3A_231 : memref<1x2000xi32, #tpu.memory_space<vmem>> -> memref<2000xi32, #tpu.memory_space<vmem>>
    %dma_wait3A_233 = arith.constant 0 : i32
    %dma_wait3A_234 = tpu.memref_slice %arg3[%dma_wait3A_233] : memref<640000xi32, #tpu.memory_space<hbm>> -> memref<2000xi32, #tpu.memory_space<hbm>>
    %dma_wait3A_235 = arith.constant 0 : i32
    %dma_wait3A_236 = tpu.memref_slice %arg6[%dma_wait3A_229, %dma_wait3A_235] : memref<3x2000xi32, #tpu.memory_space<vmem>> -> memref<1x2000xi32, #tpu.memory_space<vmem>>
    %dma_wait3A_237 = tpu.memref_squeeze %dma_wait3A_236 : memref<1x2000xi32, #tpu.memory_space<vmem>> -> memref<2000xi32, #tpu.memory_space<vmem>>
    %dma_wait3A_238 = arith.constant 0 : i32
    %dma_wait3A_239 = tpu.memref_slice %arg3[%dma_wait3A_238] : memref<640000xi32, #tpu.memory_space<hbm>> -> memref<2000xi32, #tpu.memory_space<hbm>>
    tpu.wait_dma2 semaphore(%arg12 : memref<!tpu.dma_semaphore, #tpu.memory_space<semaphore_mem>>) src(%dma_wait3A_239 : memref<2000xi32, #tpu.memory_space<hbm>>) dst(%dma_wait3A_237 : memref<2000xi32, #tpu.memory_space<vmem>>)
    %dma_start3A_240 = arith.constant 2 : i32
    %dma_start3A_241 = arith.constant 0 : i32
    %dma_start3A_242 = arith.constant 0 : i32
    %dma_start3A_243 = arith.constant 0 : i32
    %dma_start3A_244 = tpu.memref_slice %arg7[%dma_start3A_241, %dma_start3A_242, %dma_start3A_243] : memref<2x2000x16xf32, #tpu.memory_space<vmem>> -> memref<1x2000x16xf32, #tpu.memory_space<vmem>>
    %dma_start3A_245 = tpu.memref_squeeze %dma_start3A_244 : memref<1x2000x16xf32, #tpu.memory_space<vmem>> -> memref<2000x16xf32, #tpu.memory_space<vmem>>
    %dma_start3A_246 = arith.constant 0 : i32
    %dma_start3A_247 = tpu.memref_slice %arg5[%dma_start3A_240, %dma_start3A_246] : memref<3x2000xi32, #tpu.memory_space<vmem>> -> memref<1x2000xi32, #tpu.memory_space<vmem>>
    %dma_start3A_248 = tpu.memref_squeeze %dma_start3A_247 : memref<1x2000xi32, #tpu.memory_space<vmem>> -> memref<2000xi32, #tpu.memory_space<vmem>>
    %dma_start3A_249 = arith.constant 0 : i32
    %dma_start3A_250 = arith.constant 0 : i32
    %dma_start3A_251 = tpu.memref_slice %arg2[%dma_start3A_249, %dma_start3A_250] : memref<10000x16xf32, #tpu.memory_space<hbm>> -> memref<10000x16xf32, #tpu.memory_space<hbm>>
    tpu.enqueue_indirect_dma source(%dma_start3A_251 : memref<10000x16xf32, #tpu.memory_space<hbm>>) target(%dma_start3A_245 : memref<2000x16xf32, #tpu.memory_space<vmem>>) offsets(%dma_start3A_248 : memref<2000xi32, #tpu.memory_space<vmem>>) semaphore(%arg13 : memref<!tpu.dma_semaphore, #tpu.memory_space<semaphore_mem>>)
    %dma_start3A_252 = arith.constant 1 : i32
    %dma_start3A_253 = arith.constant 1 : i32
    %dma_start3A_254 = arith.constant 0 : i32
    %dma_start3A_255 = arith.constant 0 : i32
    %dma_start3A_256 = tpu.memref_slice %arg7[%dma_start3A_252, %dma_start3A_254, %dma_start3A_255] : memref<2x2000x16xf32, #tpu.memory_space<vmem>> -> memref<1x2000x16xf32, #tpu.memory_space<vmem>>
    %dma_start3A_257 = tpu.memref_squeeze %dma_start3A_256 : memref<1x2000x16xf32, #tpu.memory_space<vmem>> -> memref<2000x16xf32, #tpu.memory_space<vmem>>
    %dma_start3A_258 = arith.constant 0 : i32
    %dma_start3A_259 = tpu.memref_slice %arg6[%dma_start3A_253, %dma_start3A_258] : memref<3x2000xi32, #tpu.memory_space<vmem>> -> memref<1x2000xi32, #tpu.memory_space<vmem>>
    %dma_start3A_260 = tpu.memref_squeeze %dma_start3A_259 : memref<1x2000xi32, #tpu.memory_space<vmem>> -> memref<2000xi32, #tpu.memory_space<vmem>>
    %dma_start3A_261 = arith.constant 0 : i32
    %dma_start3A_262 = arith.constant 0 : i32
    %dma_start3A_263 = tpu.memref_slice %arg9[%dma_start3A_261, %dma_start3A_262] : memref<10240x16xf32, #tpu.memory_space<vmem_shared>> -> memref<10240x16xf32, #tpu.memory_space<vmem_shared>>
    tpu.enqueue_indirect_dma source(%dma_start3A_257 : memref<2000x16xf32, #tpu.memory_space<vmem>>) target(%dma_start3A_263 : memref<10240x16xf32, #tpu.memory_space<vmem_shared>>) offsets(%dma_start3A_260 : memref<2000xi32, #tpu.memory_space<vmem>>) semaphore(%arg16 : memref<!tpu.dma_semaphore, #tpu.memory_space<semaphore_mem>>) {add = true}
    %dma_wait3A_264 = arith.constant 1 : i32
    %dma_wait3A_265 = arith.constant 1 : i32
    %dma_wait3A_266 = arith.constant 0 : i32
    %dma_wait3A_267 = arith.constant 0 : i32
    %dma_wait3A_268 = tpu.memref_slice %arg7[%dma_wait3A_264, %dma_wait3A_266, %dma_wait3A_267] : memref<2x2000x16xf32, #tpu.memory_space<vmem>> -> memref<1x2000x16xf32, #tpu.memory_space<vmem>>
    %dma_wait3A_269 = tpu.memref_squeeze %dma_wait3A_268 : memref<1x2000x16xf32, #tpu.memory_space<vmem>> -> memref<2000x16xf32, #tpu.memory_space<vmem>>
    %dma_wait3A_270 = arith.constant 0 : i32
    %dma_wait3A_271 = tpu.memref_slice %arg6[%dma_wait3A_265, %dma_wait3A_270] : memref<3x2000xi32, #tpu.memory_space<vmem>> -> memref<1x2000xi32, #tpu.memory_space<vmem>>
    %dma_wait3A_272 = tpu.memref_squeeze %dma_wait3A_271 : memref<1x2000xi32, #tpu.memory_space<vmem>> -> memref<2000xi32, #tpu.memory_space<vmem>>
    %dma_wait3A_273 = arith.constant 0 : i32
    %dma_wait3A_274 = arith.constant 0 : i32
    %dma_wait3A_275 = tpu.memref_slice %arg9[%dma_wait3A_273, %dma_wait3A_274] : memref<10240x16xf32, #tpu.memory_space<vmem_shared>> -> memref<10240x16xf32, #tpu.memory_space<vmem_shared>>
    tpu.wait_indirect_dma semaphore(%arg16 : memref<!tpu.dma_semaphore, #tpu.memory_space<semaphore_mem>>) src(%dma_wait3A_269 : memref<2000x16xf32, #tpu.memory_space<vmem>>) dst(%dma_wait3A_275 : memref<10240x16xf32, #tpu.memory_space<vmem_shared>>)
    %mul3A_276 = arith.constant 10000 : i32
    %mul3A_277 = arith.muli %add3A, %mul3A_276 : i32
    %add3A_278 = arith.constant 8000 : i32
    %add3A_279 = arith.addi %mul3A_277, %add3A_278 : i32
    %dma_start3A_280 = arith.constant 1 : i32
    %dma_start3A_281 = arith.constant 0 : i32
    %dma_start3A_282 = tpu.memref_slice %arg5[%dma_start3A_280, %dma_start3A_281] : memref<3x2000xi32, #tpu.memory_space<vmem>> -> memref<1x2000xi32, #tpu.memory_space<vmem>>
    %dma_start3A_283 = tpu.memref_squeeze %dma_start3A_282 : memref<1x2000xi32, #tpu.memory_space<vmem>> -> memref<2000xi32, #tpu.memory_space<vmem>>
    %dma_start3A_284 = tpu.memref_slice %arg3[%add3A_279] : memref<640000xi32, #tpu.memory_space<hbm>> -> memref<2000xi32, #tpu.memory_space<hbm>>
    %dma_start3A_285 = arith.constant 0 : i32
    %dma_start3A_286 = tpu.memref_slice %arg5[%dma_start3A_280, %dma_start3A_285] : memref<3x2000xi32, #tpu.memory_space<vmem>> -> memref<1x2000xi32, #tpu.memory_space<vmem>>
    %dma_start3A_287 = tpu.memref_squeeze %dma_start3A_286 : memref<1x2000xi32, #tpu.memory_space<vmem>> -> memref<2000xi32, #tpu.memory_space<vmem>>
    %dma_start3A_288 = tpu.memref_slice %arg3[%add3A_279] : memref<640000xi32, #tpu.memory_space<hbm>> -> memref<2000xi32, #tpu.memory_space<hbm>>
    tpu.enqueue_dma source(%dma_start3A_288 : memref<2000xi32, #tpu.memory_space<hbm>>) target(%dma_start3A_287 : memref<2000xi32, #tpu.memory_space<vmem>>) target_semaphore(%arg11 : memref<!tpu.dma_semaphore, #tpu.memory_space<semaphore_mem>>)
    %add3A_289 = arith.constant 320000 : i32
    %add3A_290 = arith.addi %add3A_289, %add3A_279 : i32
    %dma_start3A_291 = arith.constant 1 : i32
    %dma_start3A_292 = arith.constant 0 : i32
    %dma_start3A_293 = tpu.memref_slice %arg6[%dma_start3A_291, %dma_start3A_292] : memref<3x2000xi32, #tpu.memory_space<vmem>> -> memref<1x2000xi32, #tpu.memory_space<vmem>>
    %dma_start3A_294 = tpu.memref_squeeze %dma_start3A_293 : memref<1x2000xi32, #tpu.memory_space<vmem>> -> memref<2000xi32, #tpu.memory_space<vmem>>
    %dma_start3A_295 = tpu.memref_slice %arg3[%add3A_290] : memref<640000xi32, #tpu.memory_space<hbm>> -> memref<2000xi32, #tpu.memory_space<hbm>>
    %dma_start3A_296 = arith.constant 0 : i32
    %dma_start3A_297 = tpu.memref_slice %arg6[%dma_start3A_291, %dma_start3A_296] : memref<3x2000xi32, #tpu.memory_space<vmem>> -> memref<1x2000xi32, #tpu.memory_space<vmem>>
    %dma_start3A_298 = tpu.memref_squeeze %dma_start3A_297 : memref<1x2000xi32, #tpu.memory_space<vmem>> -> memref<2000xi32, #tpu.memory_space<vmem>>
    %dma_start3A_299 = tpu.memref_slice %arg3[%add3A_290] : memref<640000xi32, #tpu.memory_space<hbm>> -> memref<2000xi32, #tpu.memory_space<hbm>>
    tpu.enqueue_dma source(%dma_start3A_299 : memref<2000xi32, #tpu.memory_space<hbm>>) target(%dma_start3A_298 : memref<2000xi32, #tpu.memory_space<vmem>>) target_semaphore(%arg11 : memref<!tpu.dma_semaphore, #tpu.memory_space<semaphore_mem>>)
    %dma_wait3A_300 = arith.constant 2 : i32
    %dma_wait3A_301 = arith.constant 0 : i32
    %dma_wait3A_302 = arith.constant 0 : i32
    %dma_wait3A_303 = arith.constant 0 : i32
    %dma_wait3A_304 = tpu.memref_slice %arg7[%dma_wait3A_301, %dma_wait3A_302, %dma_wait3A_303] : memref<2x2000x16xf32, #tpu.memory_space<vmem>> -> memref<1x2000x16xf32, #tpu.memory_space<vmem>>
    %dma_wait3A_305 = tpu.memref_squeeze %dma_wait3A_304 : memref<1x2000x16xf32, #tpu.memory_space<vmem>> -> memref<2000x16xf32, #tpu.memory_space<vmem>>
    %dma_wait3A_306 = arith.constant 0 : i32
    %dma_wait3A_307 = tpu.memref_slice %arg5[%dma_wait3A_300, %dma_wait3A_306] : memref<3x2000xi32, #tpu.memory_space<vmem>> -> memref<1x2000xi32, #tpu.memory_space<vmem>>
    %dma_wait3A_308 = tpu.memref_squeeze %dma_wait3A_307 : memref<1x2000xi32, #tpu.memory_space<vmem>> -> memref<2000xi32, #tpu.memory_space<vmem>>
    %dma_wait3A_309 = arith.constant 0 : i32
    %dma_wait3A_310 = arith.constant 0 : i32
    %dma_wait3A_311 = tpu.memref_slice %arg2[%dma_wait3A_309, %dma_wait3A_310] : memref<10000x16xf32, #tpu.memory_space<hbm>> -> memref<10000x16xf32, #tpu.memory_space<hbm>>
    tpu.wait_indirect_dma semaphore(%arg13 : memref<!tpu.dma_semaphore, #tpu.memory_space<semaphore_mem>>) src(%dma_wait3A_311 : memref<10000x16xf32, #tpu.memory_space<hbm>>) dst(%dma_wait3A_305 : memref<2000x16xf32, #tpu.memory_space<vmem>>)
    %dma_wait3A_312 = arith.constant 0 : i32
    %dma_wait3A_313 = arith.constant 0 : i32
    %dma_wait3A_314 = tpu.memref_slice %arg5[%dma_wait3A_312, %dma_wait3A_313] : memref<3x2000xi32, #tpu.memory_space<vmem>> -> memref<1x2000xi32, #tpu.memory_space<vmem>>
    %dma_wait3A_315 = tpu.memref_squeeze %dma_wait3A_314 : memref<1x2000xi32, #tpu.memory_space<vmem>> -> memref<2000xi32, #tpu.memory_space<vmem>>
    %dma_wait3A_316 = arith.constant 0 : i32
    %dma_wait3A_317 = tpu.memref_slice %arg3[%dma_wait3A_316] : memref<640000xi32, #tpu.memory_space<hbm>> -> memref<2000xi32, #tpu.memory_space<hbm>>
    %dma_wait3A_318 = arith.constant 0 : i32
    %dma_wait3A_319 = tpu.memref_slice %arg5[%dma_wait3A_312, %dma_wait3A_318] : memref<3x2000xi32, #tpu.memory_space<vmem>> -> memref<1x2000xi32, #tpu.memory_space<vmem>>
    %dma_wait3A_320 = tpu.memref_squeeze %dma_wait3A_319 : memref<1x2000xi32, #tpu.memory_space<vmem>> -> memref<2000xi32, #tpu.memory_space<vmem>>
    %dma_wait3A_321 = arith.constant 0 : i32
    %dma_wait3A_322 = tpu.memref_slice %arg3[%dma_wait3A_321] : memref<640000xi32, #tpu.memory_space<hbm>> -> memref<2000xi32, #tpu.memory_space<hbm>>
    tpu.wait_dma2 semaphore(%arg10 : memref<!tpu.dma_semaphore, #tpu.memory_space<semaphore_mem>>) src(%dma_wait3A_322 : memref<2000xi32, #tpu.memory_space<hbm>>) dst(%dma_wait3A_320 : memref<2000xi32, #tpu.memory_space<vmem>>)
    %dma_wait3A_323 = arith.constant 0 : i32
    %dma_wait3A_324 = arith.constant 0 : i32
    %dma_wait3A_325 = tpu.memref_slice %arg6[%dma_wait3A_323, %dma_wait3A_324] : memref<3x2000xi32, #tpu.memory_space<vmem>> -> memref<1x2000xi32, #tpu.memory_space<vmem>>
    %dma_wait3A_326 = tpu.memref_squeeze %dma_wait3A_325 : memref<1x2000xi32, #tpu.memory_space<vmem>> -> memref<2000xi32, #tpu.memory_space<vmem>>
    %dma_wait3A_327 = arith.constant 0 : i32
    %dma_wait3A_328 = tpu.memref_slice %arg3[%dma_wait3A_327] : memref<640000xi32, #tpu.memory_space<hbm>> -> memref<2000xi32, #tpu.memory_space<hbm>>
    %dma_wait3A_329 = arith.constant 0 : i32
    %dma_wait3A_330 = tpu.memref_slice %arg6[%dma_wait3A_323, %dma_wait3A_329] : memref<3x2000xi32, #tpu.memory_space<vmem>> -> memref<1x2000xi32, #tpu.memory_space<vmem>>
    %dma_wait3A_331 = tpu.memref_squeeze %dma_wait3A_330 : memref<1x2000xi32, #tpu.memory_space<vmem>> -> memref<2000xi32, #tpu.memory_space<vmem>>
    %dma_wait3A_332 = arith.constant 0 : i32
    %dma_wait3A_333 = tpu.memref_slice %arg3[%dma_wait3A_332] : memref<640000xi32, #tpu.memory_space<hbm>> -> memref<2000xi32, #tpu.memory_space<hbm>>
    tpu.wait_dma2 semaphore(%arg10 : memref<!tpu.dma_semaphore, #tpu.memory_space<semaphore_mem>>) src(%dma_wait3A_333 : memref<2000xi32, #tpu.memory_space<hbm>>) dst(%dma_wait3A_331 : memref<2000xi32, #tpu.memory_space<vmem>>)
    %dma_start3A_334 = arith.constant 0 : i32
    %dma_start3A_335 = arith.constant 1 : i32
    %dma_start3A_336 = arith.constant 0 : i32
    %dma_start3A_337 = arith.constant 0 : i32
    %dma_start3A_338 = tpu.memref_slice %arg7[%dma_start3A_335, %dma_start3A_336, %dma_start3A_337] : memref<2x2000x16xf32, #tpu.memory_space<vmem>> -> memref<1x2000x16xf32, #tpu.memory_space<vmem>>
    %dma_start3A_339 = tpu.memref_squeeze %dma_start3A_338 : memref<1x2000x16xf32, #tpu.memory_space<vmem>> -> memref<2000x16xf32, #tpu.memory_space<vmem>>
    %dma_start3A_340 = arith.constant 0 : i32
    %dma_start3A_341 = tpu.memref_slice %arg5[%dma_start3A_334, %dma_start3A_340] : memref<3x2000xi32, #tpu.memory_space<vmem>> -> memref<1x2000xi32, #tpu.memory_space<vmem>>
    %dma_start3A_342 = tpu.memref_squeeze %dma_start3A_341 : memref<1x2000xi32, #tpu.memory_space<vmem>> -> memref<2000xi32, #tpu.memory_space<vmem>>
    %dma_start3A_343 = arith.constant 0 : i32
    %dma_start3A_344 = arith.constant 0 : i32
    %dma_start3A_345 = tpu.memref_slice %arg2[%dma_start3A_343, %dma_start3A_344] : memref<10000x16xf32, #tpu.memory_space<hbm>> -> memref<10000x16xf32, #tpu.memory_space<hbm>>
    tpu.enqueue_indirect_dma source(%dma_start3A_345 : memref<10000x16xf32, #tpu.memory_space<hbm>>) target(%dma_start3A_339 : memref<2000x16xf32, #tpu.memory_space<vmem>>) offsets(%dma_start3A_342 : memref<2000xi32, #tpu.memory_space<vmem>>) semaphore(%arg14 : memref<!tpu.dma_semaphore, #tpu.memory_space<semaphore_mem>>)
    %dma_start3A_346 = arith.constant 0 : i32
    %dma_start3A_347 = arith.constant 2 : i32
    %dma_start3A_348 = arith.constant 0 : i32
    %dma_start3A_349 = arith.constant 0 : i32
    %dma_start3A_350 = tpu.memref_slice %arg7[%dma_start3A_346, %dma_start3A_348, %dma_start3A_349] : memref<2x2000x16xf32, #tpu.memory_space<vmem>> -> memref<1x2000x16xf32, #tpu.memory_space<vmem>>
    %dma_start3A_351 = tpu.memref_squeeze %dma_start3A_350 : memref<1x2000x16xf32, #tpu.memory_space<vmem>> -> memref<2000x16xf32, #tpu.memory_space<vmem>>
    %dma_start3A_352 = arith.constant 0 : i32
    %dma_start3A_353 = tpu.memref_slice %arg6[%dma_start3A_347, %dma_start3A_352] : memref<3x2000xi32, #tpu.memory_space<vmem>> -> memref<1x2000xi32, #tpu.memory_space<vmem>>
    %dma_start3A_354 = tpu.memref_squeeze %dma_start3A_353 : memref<1x2000xi32, #tpu.memory_space<vmem>> -> memref<2000xi32, #tpu.memory_space<vmem>>
    %dma_start3A_355 = arith.constant 0 : i32
    %dma_start3A_356 = arith.constant 0 : i32
    %dma_start3A_357 = tpu.memref_slice %arg9[%dma_start3A_355, %dma_start3A_356] : memref<10240x16xf32, #tpu.memory_space<vmem_shared>> -> memref<10240x16xf32, #tpu.memory_space<vmem_shared>>
    tpu.enqueue_indirect_dma source(%dma_start3A_351 : memref<2000x16xf32, #tpu.memory_space<vmem>>) target(%dma_start3A_357 : memref<10240x16xf32, #tpu.memory_space<vmem_shared>>) offsets(%dma_start3A_354 : memref<2000xi32, #tpu.memory_space<vmem>>) semaphore(%arg15 : memref<!tpu.dma_semaphore, #tpu.memory_space<semaphore_mem>>) {add = true}
    %dma_wait3A_358 = arith.constant 0 : i32
    %dma_wait3A_359 = arith.constant 2 : i32
    %dma_wait3A_360 = arith.constant 0 : i32
    %dma_wait3A_361 = arith.constant 0 : i32
    %dma_wait3A_362 = tpu.memref_slice %arg7[%dma_wait3A_358, %dma_wait3A_360, %dma_wait3A_361] : memref<2x2000x16xf32, #tpu.memory_space<vmem>> -> memref<1x2000x16xf32, #tpu.memory_space<vmem>>
    %dma_wait3A_363 = tpu.memref_squeeze %dma_wait3A_362 : memref<1x2000x16xf32, #tpu.memory_space<vmem>> -> memref<2000x16xf32, #tpu.memory_space<vmem>>
    %dma_wait3A_364 = arith.constant 0 : i32
    %dma_wait3A_365 = tpu.memref_slice %arg6[%dma_wait3A_359, %dma_wait3A_364] : memref<3x2000xi32, #tpu.memory_space<vmem>> -> memref<1x2000xi32, #tpu.memory_space<vmem>>
    %dma_wait3A_366 = tpu.memref_squeeze %dma_wait3A_365 : memref<1x2000xi32, #tpu.memory_space<vmem>> -> memref<2000xi32, #tpu.memory_space<vmem>>
    %dma_wait3A_367 = arith.constant 0 : i32
    %dma_wait3A_368 = arith.constant 0 : i32
    %dma_wait3A_369 = tpu.memref_slice %arg9[%dma_wait3A_367, %dma_wait3A_368] : memref<10240x16xf32, #tpu.memory_space<vmem_shared>> -> memref<10240x16xf32, #tpu.memory_space<vmem_shared>>
    tpu.wait_indirect_dma semaphore(%arg15 : memref<!tpu.dma_semaphore, #tpu.memory_space<semaphore_mem>>) src(%dma_wait3A_363 : memref<2000x16xf32, #tpu.memory_space<vmem>>) dst(%dma_wait3A_369 : memref<10240x16xf32, #tpu.memory_space<vmem_shared>>)
    %dma_wait3A_370 = arith.constant 0 : i32
    %dma_wait3A_371 = arith.constant 1 : i32
    %dma_wait3A_372 = arith.constant 0 : i32
    %dma_wait3A_373 = arith.constant 0 : i32
    %dma_wait3A_374 = tpu.memref_slice %arg7[%dma_wait3A_371, %dma_wait3A_372, %dma_wait3A_373] : memref<2x2000x16xf32, #tpu.memory_space<vmem>> -> memref<1x2000x16xf32, #tpu.memory_space<vmem>>
    %dma_wait3A_375 = tpu.memref_squeeze %dma_wait3A_374 : memref<1x2000x16xf32, #tpu.memory_space<vmem>> -> memref<2000x16xf32, #tpu.memory_space<vmem>>
    %dma_wait3A_376 = arith.constant 0 : i32
    %dma_wait3A_377 = tpu.memref_slice %arg5[%dma_wait3A_370, %dma_wait3A_376] : memref<3x2000xi32, #tpu.memory_space<vmem>> -> memref<1x2000xi32, #tpu.memory_space<vmem>>
    %dma_wait3A_378 = tpu.memref_squeeze %dma_wait3A_377 : memref<1x2000xi32, #tpu.memory_space<vmem>> -> memref<2000xi32, #tpu.memory_space<vmem>>
    %dma_wait3A_379 = arith.constant 0 : i32
    %dma_wait3A_380 = arith.constant 0 : i32
    %dma_wait3A_381 = tpu.memref_slice %arg2[%dma_wait3A_379, %dma_wait3A_380] : memref<10000x16xf32, #tpu.memory_space<hbm>> -> memref<10000x16xf32, #tpu.memory_space<hbm>>
    tpu.wait_indirect_dma semaphore(%arg14 : memref<!tpu.dma_semaphore, #tpu.memory_space<semaphore_mem>>) src(%dma_wait3A_381 : memref<10000x16xf32, #tpu.memory_space<hbm>>) dst(%dma_wait3A_375 : memref<2000x16xf32, #tpu.memory_space<vmem>>)
    %dma_wait3A_382 = arith.constant 1 : i32
    %dma_wait3A_383 = arith.constant 0 : i32
    %dma_wait3A_384 = tpu.memref_slice %arg5[%dma_wait3A_382, %dma_wait3A_383] : memref<3x2000xi32, #tpu.memory_space<vmem>> -> memref<1x2000xi32, #tpu.memory_space<vmem>>
    %dma_wait3A_385 = tpu.memref_squeeze %dma_wait3A_384 : memref<1x2000xi32, #tpu.memory_space<vmem>> -> memref<2000xi32, #tpu.memory_space<vmem>>
    %dma_wait3A_386 = arith.constant 0 : i32
    %dma_wait3A_387 = tpu.memref_slice %arg3[%dma_wait3A_386] : memref<640000xi32, #tpu.memory_space<hbm>> -> memref<2000xi32, #tpu.memory_space<hbm>>
    %dma_wait3A_388 = arith.constant 0 : i32
    %dma_wait3A_389 = tpu.memref_slice %arg5[%dma_wait3A_382, %dma_wait3A_388] : memref<3x2000xi32, #tpu.memory_space<vmem>> -> memref<1x2000xi32, #tpu.memory_space<vmem>>
    %dma_wait3A_390 = tpu.memref_squeeze %dma_wait3A_389 : memref<1x2000xi32, #tpu.memory_space<vmem>> -> memref<2000xi32, #tpu.memory_space<vmem>>
    %dma_wait3A_391 = arith.constant 0 : i32
    %dma_wait3A_392 = tpu.memref_slice %arg3[%dma_wait3A_391] : memref<640000xi32, #tpu.memory_space<hbm>> -> memref<2000xi32, #tpu.memory_space<hbm>>
    tpu.wait_dma2 semaphore(%arg11 : memref<!tpu.dma_semaphore, #tpu.memory_space<semaphore_mem>>) src(%dma_wait3A_392 : memref<2000xi32, #tpu.memory_space<hbm>>) dst(%dma_wait3A_390 : memref<2000xi32, #tpu.memory_space<vmem>>)
    %dma_wait3A_393 = arith.constant 1 : i32
    %dma_wait3A_394 = arith.constant 0 : i32
    %dma_wait3A_395 = tpu.memref_slice %arg6[%dma_wait3A_393, %dma_wait3A_394] : memref<3x2000xi32, #tpu.memory_space<vmem>> -> memref<1x2000xi32, #tpu.memory_space<vmem>>
    %dma_wait3A_396 = tpu.memref_squeeze %dma_wait3A_395 : memref<1x2000xi32, #tpu.memory_space<vmem>> -> memref<2000xi32, #tpu.memory_space<vmem>>
    %dma_wait3A_397 = arith.constant 0 : i32
    %dma_wait3A_398 = tpu.memref_slice %arg3[%dma_wait3A_397] : memref<640000xi32, #tpu.memory_space<hbm>> -> memref<2000xi32, #tpu.memory_space<hbm>>
    %dma_wait3A_399 = arith.constant 0 : i32
    %dma_wait3A_400 = tpu.memref_slice %arg6[%dma_wait3A_393, %dma_wait3A_399] : memref<3x2000xi32, #tpu.memory_space<vmem>> -> memref<1x2000xi32, #tpu.memory_space<vmem>>
    %dma_wait3A_401 = tpu.memref_squeeze %dma_wait3A_400 : memref<1x2000xi32, #tpu.memory_space<vmem>> -> memref<2000xi32, #tpu.memory_space<vmem>>
    %dma_wait3A_402 = arith.constant 0 : i32
    %dma_wait3A_403 = tpu.memref_slice %arg3[%dma_wait3A_402] : memref<640000xi32, #tpu.memory_space<hbm>> -> memref<2000xi32, #tpu.memory_space<hbm>>
    tpu.wait_dma2 semaphore(%arg11 : memref<!tpu.dma_semaphore, #tpu.memory_space<semaphore_mem>>) src(%dma_wait3A_403 : memref<2000xi32, #tpu.memory_space<hbm>>) dst(%dma_wait3A_401 : memref<2000xi32, #tpu.memory_space<vmem>>)
    %dma_start3A_404 = arith.constant 1 : i32
    %dma_start3A_405 = arith.constant 0 : i32
    %dma_start3A_406 = arith.constant 0 : i32
    %dma_start3A_407 = arith.constant 0 : i32
    %dma_start3A_408 = tpu.memref_slice %arg7[%dma_start3A_405, %dma_start3A_406, %dma_start3A_407] : memref<2x2000x16xf32, #tpu.memory_space<vmem>> -> memref<1x2000x16xf32, #tpu.memory_space<vmem>>
    %dma_start3A_409 = tpu.memref_squeeze %dma_start3A_408 : memref<1x2000x16xf32, #tpu.memory_space<vmem>> -> memref<2000x16xf32, #tpu.memory_space<vmem>>
    %dma_start3A_410 = arith.constant 0 : i32
    %dma_start3A_411 = tpu.memref_slice %arg5[%dma_start3A_404, %dma_start3A_410] : memref<3x2000xi32, #tpu.memory_space<vmem>> -> memref<1x2000xi32, #tpu.memory_space<vmem>>
    %dma_start3A_412 = tpu.memref_squeeze %dma_start3A_411 : memref<1x2000xi32, #tpu.memory_space<vmem>> -> memref<2000xi32, #tpu.memory_space<vmem>>
    %dma_start3A_413 = arith.constant 0 : i32
    %dma_start3A_414 = arith.constant 0 : i32
    %dma_start3A_415 = tpu.memref_slice %arg2[%dma_start3A_413, %dma_start3A_414] : memref<10000x16xf32, #tpu.memory_space<hbm>> -> memref<10000x16xf32, #tpu.memory_space<hbm>>
    tpu.enqueue_indirect_dma source(%dma_start3A_415 : memref<10000x16xf32, #tpu.memory_space<hbm>>) target(%dma_start3A_409 : memref<2000x16xf32, #tpu.memory_space<vmem>>) offsets(%dma_start3A_412 : memref<2000xi32, #tpu.memory_space<vmem>>) semaphore(%arg13 : memref<!tpu.dma_semaphore, #tpu.memory_space<semaphore_mem>>)
    %dma_start3A_416 = arith.constant 1 : i32
    %dma_start3A_417 = arith.constant 0 : i32
    %dma_start3A_418 = arith.constant 0 : i32
    %dma_start3A_419 = arith.constant 0 : i32
    %dma_start3A_420 = tpu.memref_slice %arg7[%dma_start3A_416, %dma_start3A_418, %dma_start3A_419] : memref<2x2000x16xf32, #tpu.memory_space<vmem>> -> memref<1x2000x16xf32, #tpu.memory_space<vmem>>
    %dma_start3A_421 = tpu.memref_squeeze %dma_start3A_420 : memref<1x2000x16xf32, #tpu.memory_space<vmem>> -> memref<2000x16xf32, #tpu.memory_space<vmem>>
    %dma_start3A_422 = arith.constant 0 : i32
    %dma_start3A_423 = tpu.memref_slice %arg6[%dma_start3A_417, %dma_start3A_422] : memref<3x2000xi32, #tpu.memory_space<vmem>> -> memref<1x2000xi32, #tpu.memory_space<vmem>>
    %dma_start3A_424 = tpu.memref_squeeze %dma_start3A_423 : memref<1x2000xi32, #tpu.memory_space<vmem>> -> memref<2000xi32, #tpu.memory_space<vmem>>
    %dma_start3A_425 = arith.constant 0 : i32
    %dma_start3A_426 = arith.constant 0 : i32
    %dma_start3A_427 = tpu.memref_slice %arg9[%dma_start3A_425, %dma_start3A_426] : memref<10240x16xf32, #tpu.memory_space<vmem_shared>> -> memref<10240x16xf32, #tpu.memory_space<vmem_shared>>
    tpu.enqueue_indirect_dma source(%dma_start3A_421 : memref<2000x16xf32, #tpu.memory_space<vmem>>) target(%dma_start3A_427 : memref<10240x16xf32, #tpu.memory_space<vmem_shared>>) offsets(%dma_start3A_424 : memref<2000xi32, #tpu.memory_space<vmem>>) semaphore(%arg16 : memref<!tpu.dma_semaphore, #tpu.memory_space<semaphore_mem>>) {add = true}
    %dma_wait3A_428 = arith.constant 1 : i32
    %dma_wait3A_429 = arith.constant 0 : i32
    %dma_wait3A_430 = arith.constant 0 : i32
    %dma_wait3A_431 = arith.constant 0 : i32
    %dma_wait3A_432 = tpu.memref_slice %arg7[%dma_wait3A_428, %dma_wait3A_430, %dma_wait3A_431] : memref<2x2000x16xf32, #tpu.memory_space<vmem>> -> memref<1x2000x16xf32, #tpu.memory_space<vmem>>
    %dma_wait3A_433 = tpu.memref_squeeze %dma_wait3A_432 : memref<1x2000x16xf32, #tpu.memory_space<vmem>> -> memref<2000x16xf32, #tpu.memory_space<vmem>>
    %dma_wait3A_434 = arith.constant 0 : i32
    %dma_wait3A_435 = tpu.memref_slice %arg6[%dma_wait3A_429, %dma_wait3A_434] : memref<3x2000xi32, #tpu.memory_space<vmem>> -> memref<1x2000xi32, #tpu.memory_space<vmem>>
    %dma_wait3A_436 = tpu.memref_squeeze %dma_wait3A_435 : memref<1x2000xi32, #tpu.memory_space<vmem>> -> memref<2000xi32, #tpu.memory_space<vmem>>
    %dma_wait3A_437 = arith.constant 0 : i32
    %dma_wait3A_438 = arith.constant 0 : i32
    %dma_wait3A_439 = tpu.memref_slice %arg9[%dma_wait3A_437, %dma_wait3A_438] : memref<10240x16xf32, #tpu.memory_space<vmem_shared>> -> memref<10240x16xf32, #tpu.memory_space<vmem_shared>>
    tpu.wait_indirect_dma semaphore(%arg16 : memref<!tpu.dma_semaphore, #tpu.memory_space<semaphore_mem>>) src(%dma_wait3A_433 : memref<2000x16xf32, #tpu.memory_space<vmem>>) dst(%dma_wait3A_439 : memref<10240x16xf32, #tpu.memory_space<vmem_shared>>)
    %dma_wait3A_440 = arith.constant 1 : i32
    %dma_wait3A_441 = arith.constant 0 : i32
    %dma_wait3A_442 = arith.constant 0 : i32
    %dma_wait3A_443 = arith.constant 0 : i32
    %dma_wait3A_444 = tpu.memref_slice %arg7[%dma_wait3A_441, %dma_wait3A_442, %dma_wait3A_443] : memref<2x2000x16xf32, #tpu.memory_space<vmem>> -> memref<1x2000x16xf32, #tpu.memory_space<vmem>>
    %dma_wait3A_445 = tpu.memref_squeeze %dma_wait3A_444 : memref<1x2000x16xf32, #tpu.memory_space<vmem>> -> memref<2000x16xf32, #tpu.memory_space<vmem>>
    %dma_wait3A_446 = arith.constant 0 : i32
    %dma_wait3A_447 = tpu.memref_slice %arg5[%dma_wait3A_440, %dma_wait3A_446] : memref<3x2000xi32, #tpu.memory_space<vmem>> -> memref<1x2000xi32, #tpu.memory_space<vmem>>
    %dma_wait3A_448 = tpu.memref_squeeze %dma_wait3A_447 : memref<1x2000xi32, #tpu.memory_space<vmem>> -> memref<2000xi32, #tpu.memory_space<vmem>>
    %dma_wait3A_449 = arith.constant 0 : i32
    %dma_wait3A_450 = arith.constant 0 : i32
    %dma_wait3A_451 = tpu.memref_slice %arg2[%dma_wait3A_449, %dma_wait3A_450] : memref<10000x16xf32, #tpu.memory_space<hbm>> -> memref<10000x16xf32, #tpu.memory_space<hbm>>
    tpu.wait_indirect_dma semaphore(%arg13 : memref<!tpu.dma_semaphore, #tpu.memory_space<semaphore_mem>>) src(%dma_wait3A_451 : memref<10000x16xf32, #tpu.memory_space<hbm>>) dst(%dma_wait3A_445 : memref<2000x16xf32, #tpu.memory_space<vmem>>)
    %dma_start3A_452 = arith.constant 0 : i32
    %dma_start3A_453 = arith.constant 1 : i32
    %dma_start3A_454 = arith.constant 0 : i32
    %dma_start3A_455 = arith.constant 0 : i32
    %dma_start3A_456 = tpu.memref_slice %arg7[%dma_start3A_452, %dma_start3A_454, %dma_start3A_455] : memref<2x2000x16xf32, #tpu.memory_space<vmem>> -> memref<1x2000x16xf32, #tpu.memory_space<vmem>>
    %dma_start3A_457 = tpu.memref_squeeze %dma_start3A_456 : memref<1x2000x16xf32, #tpu.memory_space<vmem>> -> memref<2000x16xf32, #tpu.memory_space<vmem>>
    %dma_start3A_458 = arith.constant 0 : i32
    %dma_start3A_459 = tpu.memref_slice %arg6[%dma_start3A_453, %dma_start3A_458] : memref<3x2000xi32, #tpu.memory_space<vmem>> -> memref<1x2000xi32, #tpu.memory_space<vmem>>
    %dma_start3A_460 = tpu.memref_squeeze %dma_start3A_459 : memref<1x2000xi32, #tpu.memory_space<vmem>> -> memref<2000xi32, #tpu.memory_space<vmem>>
    %dma_start3A_461 = arith.constant 0 : i32
    %dma_start3A_462 = arith.constant 0 : i32
    %dma_start3A_463 = tpu.memref_slice %arg9[%dma_start3A_461, %dma_start3A_462] : memref<10240x16xf32, #tpu.memory_space<vmem_shared>> -> memref<10240x16xf32, #tpu.memory_space<vmem_shared>>
    tpu.enqueue_indirect_dma source(%dma_start3A_457 : memref<2000x16xf32, #tpu.memory_space<vmem>>) target(%dma_start3A_463 : memref<10240x16xf32, #tpu.memory_space<vmem_shared>>) offsets(%dma_start3A_460 : memref<2000xi32, #tpu.memory_space<vmem>>) semaphore(%arg15 : memref<!tpu.dma_semaphore, #tpu.memory_space<semaphore_mem>>) {add = true}
    %dma_wait3A_464 = arith.constant 0 : i32
    %dma_wait3A_465 = arith.constant 1 : i32
    %dma_wait3A_466 = arith.constant 0 : i32
    %dma_wait3A_467 = arith.constant 0 : i32
    %dma_wait3A_468 = tpu.memref_slice %arg7[%dma_wait3A_464, %dma_wait3A_466, %dma_wait3A_467] : memref<2x2000x16xf32, #tpu.memory_space<vmem>> -> memref<1x2000x16xf32, #tpu.memory_space<vmem>>
    %dma_wait3A_469 = tpu.memref_squeeze %dma_wait3A_468 : memref<1x2000x16xf32, #tpu.memory_space<vmem>> -> memref<2000x16xf32, #tpu.memory_space<vmem>>
    %dma_wait3A_470 = arith.constant 0 : i32
    %dma_wait3A_471 = tpu.memref_slice %arg6[%dma_wait3A_465, %dma_wait3A_470] : memref<3x2000xi32, #tpu.memory_space<vmem>> -> memref<1x2000xi32, #tpu.memory_space<vmem>>
    %dma_wait3A_472 = tpu.memref_squeeze %dma_wait3A_471 : memref<1x2000xi32, #tpu.memory_space<vmem>> -> memref<2000xi32, #tpu.memory_space<vmem>>
    %dma_wait3A_473 = arith.constant 0 : i32
    %dma_wait3A_474 = arith.constant 0 : i32
    %dma_wait3A_475 = tpu.memref_slice %arg9[%dma_wait3A_473, %dma_wait3A_474] : memref<10240x16xf32, #tpu.memory_space<vmem_shared>> -> memref<10240x16xf32, #tpu.memory_space<vmem_shared>>
    tpu.wait_indirect_dma semaphore(%arg15 : memref<!tpu.dma_semaphore, #tpu.memory_space<semaphore_mem>>) src(%dma_wait3A_469 : memref<2000x16xf32, #tpu.memory_space<vmem>>) dst(%dma_wait3A_475 : memref<10240x16xf32, #tpu.memory_space<vmem_shared>>)
    %barrier3A_476 = arith.constant 0 : index
    tpu.barrier barrier_id(%barrier3A_476)
    %mul3A_477 = arith.constant 640 : i32
    %mul3A_478 = arith.muli %arg1, %mul3A_477 : i32
    %mul3A_479 = arith.constant 10240 : i32
    %mul3A_480 = arith.muli %arg0, %mul3A_479 : i32
    %mul3A_481 = arith.constant 640 : i32
    %mul3A_482 = arith.muli %arg1, %mul3A_481 : i32
    %add3A_483 = arith.addi %mul3A_480, %mul3A_482 : i32
    "tpu.region"() ({
      %run_scoped3A = tpu.sem_alloc : memref<!tpu.dma_semaphore, #tpu.memory_space<semaphore_mem>>
      %dma_start3A_484 = arith.constant 0 : i32
      %dma_start3A_485 = tpu.memref_slice %arg4[%add3A_483, %dma_start3A_484] : memref<20480x16xf32, #tpu.memory_space<hbm>> -> memref<640x16xf32, #tpu.memory_space<hbm>>
      %dma_start3A_486 = arith.constant 0 : i32
      %dma_start3A_487 = tpu.memref_slice %arg9[%mul3A_478, %dma_start3A_486] : memref<10240x16xf32, #tpu.memory_space<vmem_shared>> -> memref<640x16xf32, #tpu.memory_space<vmem_shared>>
      tpu.enqueue_dma source(%dma_start3A_487 : memref<640x16xf32, #tpu.memory_space<vmem_shared>>) target(%dma_start3A_485 : memref<640x16xf32, #tpu.memory_space<hbm>>) target_semaphore(%run_scoped3A : memref<!tpu.dma_semaphore, #tpu.memory_space<semaphore_mem>>)
      %dma_wait3A_488 = arith.constant 0 : i32
      %dma_wait3A_489 = tpu.memref_slice %arg4[%add3A_483, %dma_wait3A_488] : memref<20480x16xf32, #tpu.memory_space<hbm>> -> memref<640x16xf32, #tpu.memory_space<hbm>>
      %dma_wait3A_490 = arith.constant 0 : i32
      %dma_wait3A_491 = tpu.memref_slice %arg9[%mul3A_478, %dma_wait3A_490] : memref<10240x16xf32, #tpu.memory_space<vmem_shared>> -> memref<640x16xf32, #tpu.memory_space<vmem_shared>>
      tpu.wait_dma2 semaphore(%run_scoped3A : memref<!tpu.dma_semaphore, #tpu.memory_space<semaphore_mem>>) src(%dma_wait3A_491 : memref<640x16xf32, #tpu.memory_space<vmem_shared>>) dst(%dma_wait3A_489 : memref<640x16xf32, #tpu.memory_space<hbm>>)
      tpu.yield
    }) : () -> ()
    return
  }
}

#map = affine_map<(d0, d1) -> (0, 0)>
#map1 = affine_map<(d0, d1) -> (0)>
module attributes {stable_mosaic.version = 14 : i64} {
  func.func @_agg_kernel(%arg0: i32, %arg1: i32, %arg2: memref<10000x16xf32, #tpu.memory_space<hbm>>, %arg3: memref<640000xi32, #tpu.memory_space<hbm>>, %arg4: memref<20480x16xf32, #tpu.memory_space<hbm>>, %arg5: memref<3x2000xi32, #tpu.memory_space<vmem>>, %arg6: memref<3x2000xi32, #tpu.memory_space<vmem>>, %arg7: memref<2x2000x16xf32, #tpu.memory_space<vmem>>, %arg8: memref<640x16xf32, #tpu.memory_space<vmem>>, %arg9: memref<10240x16xf32, #tpu.memory_space<vmem_shared>>, %arg10: memref<!tpu.dma_semaphore, #tpu.memory_space<semaphore_mem>>, %arg11: memref<!tpu.dma_semaphore, #tpu.memory_space<semaphore_mem>>, %arg12: memref<!tpu.dma_semaphore, #tpu.memory_space<semaphore_mem>>, %arg13: memref<!tpu.dma_semaphore, #tpu.memory_space<semaphore_mem>>, %arg14: memref<!tpu.dma_semaphore, #tpu.memory_space<semaphore_mem>>, %arg15: memref<!tpu.dma_semaphore, #tpu.memory_space<semaphore_mem>>, %arg16: memref<!tpu.dma_semaphore, #tpu.memory_space<semaphore_mem>>) attributes {dimension_semantics = [#tpu.dimension_semantics<core_parallel>, #tpu.dimension_semantics<subcore_parallel>], iteration_bounds = array<i64: 2, 16>, scalar_prefetch = 0 : i64, scratch_operands = 12 : i64, tpu.core_type = #tpu.core_type<sc_vector_subcore>, window_params = [{transform_indices = #map}, {transform_indices = #map1}, {transform_indices = #map}]} {
    %mul3A = arith.constant 2 : i32
    %mul3A_0 = arith.muli %arg1, %mul3A : i32
    %add3A = arith.addi %mul3A_0, %arg0 : i32
    %mul3A_1 = arith.constant 10000 : i32
    %mul3A_2 = arith.muli %add3A, %mul3A_1 : i32
    %add3A_3 = arith.constant 0 : i32
    %add3A_4 = arith.addi %mul3A_2, %add3A_3 : i32
    %dma_start3A = arith.constant 0 : i32
    %dma_start3A_5 = arith.constant 0 : i32
    %dma_start3A_6 = tpu.memref_slice %arg5[%dma_start3A, %dma_start3A_5] : memref<3x2000xi32, #tpu.memory_space<vmem>> -> memref<1x2000xi32, #tpu.memory_space<vmem>>
    %dma_start3A_7 = tpu.memref_squeeze %dma_start3A_6 : memref<1x2000xi32, #tpu.memory_space<vmem>> -> memref<2000xi32, #tpu.memory_space<vmem>>
    %dma_start3A_8 = tpu.memref_slice %arg3[%add3A_4] : memref<640000xi32, #tpu.memory_space<hbm>> -> memref<2000xi32, #tpu.memory_space<hbm>>
    %dma_start3A_9 = arith.constant 0 : i32
    %dma_start3A_10 = tpu.memref_slice %arg5[%dma_start3A, %dma_start3A_9] : memref<3x2000xi32, #tpu.memory_space<vmem>> -> memref<1x2000xi32, #tpu.memory_space<vmem>>
    %dma_start3A_11 = tpu.memref_squeeze %dma_start3A_10 : memref<1x2000xi32, #tpu.memory_space<vmem>> -> memref<2000xi32, #tpu.memory_space<vmem>>
    %dma_start3A_12 = tpu.memref_slice %arg3[%add3A_4] : memref<640000xi32, #tpu.memory_space<hbm>> -> memref<2000xi32, #tpu.memory_space<hbm>>
    tpu.enqueue_dma source(%dma_start3A_12 : memref<2000xi32, #tpu.memory_space<hbm>>) target(%dma_start3A_11 : memref<2000xi32, #tpu.memory_space<vmem>>) target_semaphore(%arg10 : memref<!tpu.dma_semaphore, #tpu.memory_space<semaphore_mem>>)
    %add3A_13 = arith.constant 320000 : i32
    %add3A_14 = arith.addi %add3A_13, %add3A_4 : i32
    %dma_start3A_15 = arith.constant 0 : i32
    %dma_start3A_16 = arith.constant 0 : i32
    %dma_start3A_17 = tpu.memref_slice %arg6[%dma_start3A_15, %dma_start3A_16] : memref<3x2000xi32, #tpu.memory_space<vmem>> -> memref<1x2000xi32, #tpu.memory_space<vmem>>
    %dma_start3A_18 = tpu.memref_squeeze %dma_start3A_17 : memref<1x2000xi32, #tpu.memory_space<vmem>> -> memref<2000xi32, #tpu.memory_space<vmem>>
    %dma_start3A_19 = tpu.memref_slice %arg3[%add3A_14] : memref<640000xi32, #tpu.memory_space<hbm>> -> memref<2000xi32, #tpu.memory_space<hbm>>
    %dma_start3A_20 = arith.constant 0 : i32
    %dma_start3A_21 = tpu.memref_slice %arg6[%dma_start3A_15, %dma_start3A_20] : memref<3x2000xi32, #tpu.memory_space<vmem>> -> memref<1x2000xi32, #tpu.memory_space<vmem>>
    %dma_start3A_22 = tpu.memref_squeeze %dma_start3A_21 : memref<1x2000xi32, #tpu.memory_space<vmem>> -> memref<2000xi32, #tpu.memory_space<vmem>>
    %dma_start3A_23 = tpu.memref_slice %arg3[%add3A_14] : memref<640000xi32, #tpu.memory_space<hbm>> -> memref<2000xi32, #tpu.memory_space<hbm>>
    tpu.enqueue_dma source(%dma_start3A_23 : memref<2000xi32, #tpu.memory_space<hbm>>) target(%dma_start3A_22 : memref<2000xi32, #tpu.memory_space<vmem>>) target_semaphore(%arg10 : memref<!tpu.dma_semaphore, #tpu.memory_space<semaphore_mem>>)
    %mul3A_24 = arith.constant 10000 : i32
    %mul3A_25 = arith.muli %add3A, %mul3A_24 : i32
    %add3A_26 = arith.constant 2000 : i32
    %add3A_27 = arith.addi %mul3A_25, %add3A_26 : i32
    %dma_start3A_28 = arith.constant 1 : i32
    %dma_start3A_29 = arith.constant 0 : i32
    %dma_start3A_30 = tpu.memref_slice %arg5[%dma_start3A_28, %dma_start3A_29] : memref<3x2000xi32, #tpu.memory_space<vmem>> -> memref<1x2000xi32, #tpu.memory_space<vmem>>
    %dma_start3A_31 = tpu.memref_squeeze %dma_start3A_30 : memref<1x2000xi32, #tpu.memory_space<vmem>> -> memref<2000xi32, #tpu.memory_space<vmem>>
    %dma_start3A_32 = tpu.memref_slice %arg3[%add3A_27] : memref<640000xi32, #tpu.memory_space<hbm>> -> memref<2000xi32, #tpu.memory_space<hbm>>
    %dma_start3A_33 = arith.constant 0 : i32
    %dma_start3A_34 = tpu.memref_slice %arg5[%dma_start3A_28, %dma_start3A_33] : memref<3x2000xi32, #tpu.memory_space<vmem>> -> memref<1x2000xi32, #tpu.memory_space<vmem>>
    %dma_start3A_35 = tpu.memref_squeeze %dma_start3A_34 : memref<1x2000xi32, #tpu.memory_space<vmem>> -> memref<2000xi32, #tpu.memory_space<vmem>>
    %dma_start3A_36 = tpu.memref_slice %arg3[%add3A_27] : memref<640000xi32, #tpu.memory_space<hbm>> -> memref<2000xi32, #tpu.memory_space<hbm>>
    tpu.enqueue_dma source(%dma_start3A_36 : memref<2000xi32, #tpu.memory_space<hbm>>) target(%dma_start3A_35 : memref<2000xi32, #tpu.memory_space<vmem>>) target_semaphore(%arg11 : memref<!tpu.dma_semaphore, #tpu.memory_space<semaphore_mem>>)
    %add3A_37 = arith.constant 320000 : i32
    %add3A_38 = arith.addi %add3A_37, %add3A_27 : i32
    %dma_start3A_39 = arith.constant 1 : i32
    %dma_start3A_40 = arith.constant 0 : i32
    %dma_start3A_41 = tpu.memref_slice %arg6[%dma_start3A_39, %dma_start3A_40] : memref<3x2000xi32, #tpu.memory_space<vmem>> -> memref<1x2000xi32, #tpu.memory_space<vmem>>
    %dma_start3A_42 = tpu.memref_squeeze %dma_start3A_41 : memref<1x2000xi32, #tpu.memory_space<vmem>> -> memref<2000xi32, #tpu.memory_space<vmem>>
    %dma_start3A_43 = tpu.memref_slice %arg3[%add3A_38] : memref<640000xi32, #tpu.memory_space<hbm>> -> memref<2000xi32, #tpu.memory_space<hbm>>
    %dma_start3A_44 = arith.constant 0 : i32
    %dma_start3A_45 = tpu.memref_slice %arg6[%dma_start3A_39, %dma_start3A_44] : memref<3x2000xi32, #tpu.memory_space<vmem>> -> memref<1x2000xi32, #tpu.memory_space<vmem>>
    %dma_start3A_46 = tpu.memref_squeeze %dma_start3A_45 : memref<1x2000xi32, #tpu.memory_space<vmem>> -> memref<2000xi32, #tpu.memory_space<vmem>>
    %dma_start3A_47 = tpu.memref_slice %arg3[%add3A_38] : memref<640000xi32, #tpu.memory_space<hbm>> -> memref<2000xi32, #tpu.memory_space<hbm>>
    tpu.enqueue_dma source(%dma_start3A_47 : memref<2000xi32, #tpu.memory_space<hbm>>) target(%dma_start3A_46 : memref<2000xi32, #tpu.memory_space<vmem>>) target_semaphore(%arg11 : memref<!tpu.dma_semaphore, #tpu.memory_space<semaphore_mem>>)
    %mul3A_48 = arith.constant 10000 : i32
    %mul3A_49 = arith.muli %add3A, %mul3A_48 : i32
    %add3A_50 = arith.constant 4000 : i32
    %add3A_51 = arith.addi %mul3A_49, %add3A_50 : i32
    %dma_start3A_52 = arith.constant 2 : i32
    %dma_start3A_53 = arith.constant 0 : i32
    %dma_start3A_54 = tpu.memref_slice %arg5[%dma_start3A_52, %dma_start3A_53] : memref<3x2000xi32, #tpu.memory_space<vmem>> -> memref<1x2000xi32, #tpu.memory_space<vmem>>
    %dma_start3A_55 = tpu.memref_squeeze %dma_start3A_54 : memref<1x2000xi32, #tpu.memory_space<vmem>> -> memref<2000xi32, #tpu.memory_space<vmem>>
    %dma_start3A_56 = tpu.memref_slice %arg3[%add3A_51] : memref<640000xi32, #tpu.memory_space<hbm>> -> memref<2000xi32, #tpu.memory_space<hbm>>
    %dma_start3A_57 = arith.constant 0 : i32
    %dma_start3A_58 = tpu.memref_slice %arg5[%dma_start3A_52, %dma_start3A_57] : memref<3x2000xi32, #tpu.memory_space<vmem>> -> memref<1x2000xi32, #tpu.memory_space<vmem>>
    %dma_start3A_59 = tpu.memref_squeeze %dma_start3A_58 : memref<1x2000xi32, #tpu.memory_space<vmem>> -> memref<2000xi32, #tpu.memory_space<vmem>>
    %dma_start3A_60 = tpu.memref_slice %arg3[%add3A_51] : memref<640000xi32, #tpu.memory_space<hbm>> -> memref<2000xi32, #tpu.memory_space<hbm>>
    tpu.enqueue_dma source(%dma_start3A_60 : memref<2000xi32, #tpu.memory_space<hbm>>) target(%dma_start3A_59 : memref<2000xi32, #tpu.memory_space<vmem>>) target_semaphore(%arg12 : memref<!tpu.dma_semaphore, #tpu.memory_space<semaphore_mem>>)
    %add3A_61 = arith.constant 320000 : i32
    %add3A_62 = arith.addi %add3A_61, %add3A_51 : i32
    %dma_start3A_63 = arith.constant 2 : i32
    %dma_start3A_64 = arith.constant 0 : i32
    %dma_start3A_65 = tpu.memref_slice %arg6[%dma_start3A_63, %dma_start3A_64] : memref<3x2000xi32, #tpu.memory_space<vmem>> -> memref<1x2000xi32, #tpu.memory_space<vmem>>
    %dma_start3A_66 = tpu.memref_squeeze %dma_start3A_65 : memref<1x2000xi32, #tpu.memory_space<vmem>> -> memref<2000xi32, #tpu.memory_space<vmem>>
    %dma_start3A_67 = tpu.memref_slice %arg3[%add3A_62] : memref<640000xi32, #tpu.memory_space<hbm>> -> memref<2000xi32, #tpu.memory_space<hbm>>
    %dma_start3A_68 = arith.constant 0 : i32
    %dma_start3A_69 = tpu.memref_slice %arg6[%dma_start3A_63, %dma_start3A_68] : memref<3x2000xi32, #tpu.memory_space<vmem>> -> memref<1x2000xi32, #tpu.memory_space<vmem>>
    %dma_start3A_70 = tpu.memref_squeeze %dma_start3A_69 : memref<1x2000xi32, #tpu.memory_space<vmem>> -> memref<2000xi32, #tpu.memory_space<vmem>>
    %dma_start3A_71 = tpu.memref_slice %arg3[%add3A_62] : memref<640000xi32, #tpu.memory_space<hbm>> -> memref<2000xi32, #tpu.memory_space<hbm>>
    tpu.enqueue_dma source(%dma_start3A_71 : memref<2000xi32, #tpu.memory_space<hbm>>) target(%dma_start3A_70 : memref<2000xi32, #tpu.memory_space<vmem>>) target_semaphore(%arg12 : memref<!tpu.dma_semaphore, #tpu.memory_space<semaphore_mem>>)
    %scan3A = arith.constant 0 : i32
    %scan3A_72 = arith.constant 0 : i32
    %scan3A_73 = arith.constant 640 : i32
    %scan3A_74 = arith.addi %scan3A_72, %scan3A_73 : i32
    %scan3A_75 = arith.constant 1 : i32
    scf.for %scan3A_484 = %scan3A_72 to %scan3A_74 step %scan3A_75  : i32 {
      %broadcast_in_dim3A = arith.constant 0.000000e+00 : f32
      %broadcast_in_dim3A_485 = vector.broadcast %broadcast_in_dim3A : f32 to vector<16xf32>
      %swap3A = arith.index_cast %scan3A_484 : i32 to index
      %swap3A_486 = arith.constant 0 : index
      %swap3A_487 = tpu.vector_load %arg8[%swap3A, %swap3A_486] {strides = array<i32>} : memref<640x16xf32, #tpu.memory_space<vmem>>, vector<1x16xf32>,
      %swap3A_488 = vector.shape_cast %swap3A_487 : vector<1x16xf32> to vector<16xf32>
      %swap3A_489 = vector.shape_cast %broadcast_in_dim3A_485 : vector<16xf32> to vector<1x16xf32>
      tpu.vector_store %arg8[%swap3A, %swap3A_486], %swap3A_489 {strides = array<i32>} : memref<640x16xf32, #tpu.memory_space<vmem>>, vector<1x16xf32>,
    }
    %scan3A_76 = arith.constant 640 : i32
    %mul3A_77 = arith.constant 640 : i32
    %mul3A_78 = arith.muli %arg1, %mul3A_77 : i32
    "tpu.region"() ({
      %run_scoped3A = tpu.sem_alloc : memref<!tpu.dma_semaphore, #tpu.memory_space<semaphore_mem>>
      %dma_start3A_484 = arith.constant 0 : i32
      %dma_start3A_485 = tpu.memref_slice %arg9[%mul3A_78, %dma_start3A_484] : memref<10240x16xf32, #tpu.memory_space<vmem_shared>> -> memref<640x16xf32, #tpu.memory_space<vmem_shared>>
      %dma_start3A_486 = arith.constant 0 : i32
      %dma_start3A_487 = tpu.memref_slice %arg9[%mul3A_78, %dma_start3A_486] : memref<10240x16xf32, #tpu.memory_space<vmem_shared>> -> memref<640x16xf32, #tpu.memory_space<vmem_shared>>
      tpu.enqueue_dma source(%arg8 : memref<640x16xf32, #tpu.memory_space<vmem>>) target(%dma_start3A_487 : memref<640x16xf32, #tpu.memory_space<vmem_shared>>) target_semaphore(%run_scoped3A : memref<!tpu.dma_semaphore, #tpu.memory_space<semaphore_mem>>)
      %dma_wait3A_488 = arith.constant 0 : i32
      %dma_wait3A_489 = tpu.memref_slice %arg9[%mul3A_78, %dma_wait3A_488] : memref<10240x16xf32, #tpu.memory_space<vmem_shared>> -> memref<640x16xf32, #tpu.memory_space<vmem_shared>>
      %dma_wait3A_490 = arith.constant 0 : i32
      %dma_wait3A_491 = tpu.memref_slice %arg9[%mul3A_78, %dma_wait3A_490] : memref<10240x16xf32, #tpu.memory_space<vmem_shared>> -> memref<640x16xf32, #tpu.memory_space<vmem_shared>>
      tpu.wait_dma2 semaphore(%run_scoped3A : memref<!tpu.dma_semaphore, #tpu.memory_space<semaphore_mem>>) src(%arg8 : memref<640x16xf32, #tpu.memory_space<vmem>>) dst(%dma_wait3A_491 : memref<640x16xf32, #tpu.memory_space<vmem_shared>>)
      tpu.yield
    }) : () -> ()
    %barrier3A = arith.constant 0 : index
    tpu.barrier barrier_id(%barrier3A)
    %dma_wait3A = arith.constant 0 : i32
    %dma_wait3A_79 = arith.constant 0 : i32
    %dma_wait3A_80 = tpu.memref_slice %arg5[%dma_wait3A, %dma_wait3A_79] : memref<3x2000xi32, #tpu.memory_space<vmem>> -> memref<1x2000xi32, #tpu.memory_space<vmem>>
    %dma_wait3A_81 = tpu.memref_squeeze %dma_wait3A_80 : memref<1x2000xi32, #tpu.memory_space<vmem>> -> memref<2000xi32, #tpu.memory_space<vmem>>
    %dma_wait3A_82 = arith.constant 0 : i32
    %dma_wait3A_83 = tpu.memref_slice %arg3[%dma_wait3A_82] : memref<640000xi32, #tpu.memory_space<hbm>> -> memref<2000xi32, #tpu.memory_space<hbm>>
    %dma_wait3A_84 = arith.constant 0 : i32
    %dma_wait3A_85 = tpu.memref_slice %arg5[%dma_wait3A, %dma_wait3A_84] : memref<3x2000xi32, #tpu.memory_space<vmem>> -> memref<1x2000xi32, #tpu.memory_space<vmem>>
    %dma_wait3A_86 = tpu.memref_squeeze %dma_wait3A_85 : memref<1x2000xi32, #tpu.memory_space<vmem>> -> memref<2000xi32, #tpu.memory_space<vmem>>
    %dma_wait3A_87 = arith.constant 0 : i32
    %dma_wait3A_88 = tpu.memref_slice %arg3[%dma_wait3A_87] : memref<640000xi32, #tpu.memory_space<hbm>> -> memref<2000xi32, #tpu.memory_space<hbm>>
    tpu.wait_dma2 semaphore(%arg10 : memref<!tpu.dma_semaphore, #tpu.memory_space<semaphore_mem>>) src(%dma_wait3A_88 : memref<2000xi32, #tpu.memory_space<hbm>>) dst(%dma_wait3A_86 : memref<2000xi32, #tpu.memory_space<vmem>>)
    %dma_wait3A_89 = arith.constant 0 : i32
    %dma_wait3A_90 = arith.constant 0 : i32
    %dma_wait3A_91 = tpu.memref_slice %arg6[%dma_wait3A_89, %dma_wait3A_90] : memref<3x2000xi32, #tpu.memory_space<vmem>> -> memref<1x2000xi32, #tpu.memory_space<vmem>>
    %dma_wait3A_92 = tpu.memref_squeeze %dma_wait3A_91 : memref<1x2000xi32, #tpu.memory_space<vmem>> -> memref<2000xi32, #tpu.memory_space<vmem>>
    %dma_wait3A_93 = arith.constant 0 : i32
    %dma_wait3A_94 = tpu.memref_slice %arg3[%dma_wait3A_93] : memref<640000xi32, #tpu.memory_space<hbm>> -> memref<2000xi32, #tpu.memory_space<hbm>>
    %dma_wait3A_95 = arith.constant 0 : i32
    %dma_wait3A_96 = tpu.memref_slice %arg6[%dma_wait3A_89, %dma_wait3A_95] : memref<3x2000xi32, #tpu.memory_space<vmem>> -> memref<1x2000xi32, #tpu.memory_space<vmem>>
    %dma_wait3A_97 = tpu.memref_squeeze %dma_wait3A_96 : memref<1x2000xi32, #tpu.memory_space<vmem>> -> memref<2000xi32, #tpu.memory_space<vmem>>
    %dma_wait3A_98 = arith.constant 0 : i32
    %dma_wait3A_99 = tpu.memref_slice %arg3[%dma_wait3A_98] : memref<640000xi32, #tpu.memory_space<hbm>> -> memref<2000xi32, #tpu.memory_space<hbm>>
    tpu.wait_dma2 semaphore(%arg10 : memref<!tpu.dma_semaphore, #tpu.memory_space<semaphore_mem>>) src(%dma_wait3A_99 : memref<2000xi32, #tpu.memory_space<hbm>>) dst(%dma_wait3A_97 : memref<2000xi32, #tpu.memory_space<vmem>>)
    %dma_start3A_100 = arith.constant 0 : i32
    %dma_start3A_101 = arith.constant 0 : i32
    %dma_start3A_102 = arith.constant 0 : i32
    %dma_start3A_103 = arith.constant 0 : i32
    %dma_start3A_104 = tpu.memref_slice %arg7[%dma_start3A_101, %dma_start3A_102, %dma_start3A_103] : memref<2x2000x16xf32, #tpu.memory_space<vmem>> -> memref<1x2000x16xf32, #tpu.memory_space<vmem>>
    %dma_start3A_105 = tpu.memref_squeeze %dma_start3A_104 : memref<1x2000x16xf32, #tpu.memory_space<vmem>> -> memref<2000x16xf32, #tpu.memory_space<vmem>>
    %dma_start3A_106 = arith.constant 0 : i32
    %dma_start3A_107 = tpu.memref_slice %arg5[%dma_start3A_100, %dma_start3A_106] : memref<3x2000xi32, #tpu.memory_space<vmem>> -> memref<1x2000xi32, #tpu.memory_space<vmem>>
    %dma_start3A_108 = tpu.memref_squeeze %dma_start3A_107 : memref<1x2000xi32, #tpu.memory_space<vmem>> -> memref<2000xi32, #tpu.memory_space<vmem>>
    %dma_start3A_109 = arith.constant 0 : i32
    %dma_start3A_110 = arith.constant 0 : i32
    %dma_start3A_111 = tpu.memref_slice %arg2[%dma_start3A_109, %dma_start3A_110] : memref<10000x16xf32, #tpu.memory_space<hbm>> -> memref<10000x16xf32, #tpu.memory_space<hbm>>
    tpu.enqueue_indirect_dma source(%dma_start3A_111 : memref<10000x16xf32, #tpu.memory_space<hbm>>) target(%dma_start3A_105 : memref<2000x16xf32, #tpu.memory_space<vmem>>) offsets(%dma_start3A_108 : memref<2000xi32, #tpu.memory_space<vmem>>) semaphore(%arg13 : memref<!tpu.dma_semaphore, #tpu.memory_space<semaphore_mem>>)
    %dma_wait3A_112 = arith.constant 0 : i32
    %dma_wait3A_113 = arith.constant 0 : i32
    %dma_wait3A_114 = arith.constant 0 : i32
    %dma_wait3A_115 = arith.constant 0 : i32
    %dma_wait3A_116 = tpu.memref_slice %arg7[%dma_wait3A_113, %dma_wait3A_114, %dma_wait3A_115] : memref<2x2000x16xf32, #tpu.memory_space<vmem>> -> memref<1x2000x16xf32, #tpu.memory_space<vmem>>
    %dma_wait3A_117 = tpu.memref_squeeze %dma_wait3A_116 : memref<1x2000x16xf32, #tpu.memory_space<vmem>> -> memref<2000x16xf32, #tpu.memory_space<vmem>>
    %dma_wait3A_118 = arith.constant 0 : i32
    %dma_wait3A_119 = tpu.memref_slice %arg5[%dma_wait3A_112, %dma_wait3A_118] : memref<3x2000xi32, #tpu.memory_space<vmem>> -> memref<1x2000xi32, #tpu.memory_space<vmem>>
    %dma_wait3A_120 = tpu.memref_squeeze %dma_wait3A_119 : memref<1x2000xi32, #tpu.memory_space<vmem>> -> memref<2000xi32, #tpu.memory_space<vmem>>
    %dma_wait3A_121 = arith.constant 0 : i32
    %dma_wait3A_122 = arith.constant 0 : i32
    %dma_wait3A_123 = tpu.memref_slice %arg2[%dma_wait3A_121, %dma_wait3A_122] : memref<10000x16xf32, #tpu.memory_space<hbm>> -> memref<10000x16xf32, #tpu.memory_space<hbm>>
    tpu.wait_indirect_dma semaphore(%arg13 : memref<!tpu.dma_semaphore, #tpu.memory_space<semaphore_mem>>) src(%dma_wait3A_123 : memref<10000x16xf32, #tpu.memory_space<hbm>>) dst(%dma_wait3A_117 : memref<2000x16xf32, #tpu.memory_space<vmem>>)
    %dma_wait3A_124 = arith.constant 1 : i32
    %dma_wait3A_125 = arith.constant 0 : i32
    %dma_wait3A_126 = tpu.memref_slice %arg5[%dma_wait3A_124, %dma_wait3A_125] : memref<3x2000xi32, #tpu.memory_space<vmem>> -> memref<1x2000xi32, #tpu.memory_space<vmem>>
    %dma_wait3A_127 = tpu.memref_squeeze %dma_wait3A_126 : memref<1x2000xi32, #tpu.memory_space<vmem>> -> memref<2000xi32, #tpu.memory_space<vmem>>
    %dma_wait3A_128 = arith.constant 0 : i32
    %dma_wait3A_129 = tpu.memref_slice %arg3[%dma_wait3A_128] : memref<640000xi32, #tpu.memory_space<hbm>> -> memref<2000xi32, #tpu.memory_space<hbm>>
    %dma_wait3A_130 = arith.constant 0 : i32
    %dma_wait3A_131 = tpu.memref_slice %arg5[%dma_wait3A_124, %dma_wait3A_130] : memref<3x2000xi32, #tpu.memory_space<vmem>> -> memref<1x2000xi32, #tpu.memory_space<vmem>>
    %dma_wait3A_132 = tpu.memref_squeeze %dma_wait3A_131 : memref<1x2000xi32, #tpu.memory_space<vmem>> -> memref<2000xi32, #tpu.memory_space<vmem>>
    %dma_wait3A_133 = arith.constant 0 : i32
    %dma_wait3A_134 = tpu.memref_slice %arg3[%dma_wait3A_133] : memref<640000xi32, #tpu.memory_space<hbm>> -> memref<2000xi32, #tpu.memory_space<hbm>>
    tpu.wait_dma2 semaphore(%arg11 : memref<!tpu.dma_semaphore, #tpu.memory_space<semaphore_mem>>) src(%dma_wait3A_134 : memref<2000xi32, #tpu.memory_space<hbm>>) dst(%dma_wait3A_132 : memref<2000xi32, #tpu.memory_space<vmem>>)
    %dma_wait3A_135 = arith.constant 1 : i32
    %dma_wait3A_136 = arith.constant 0 : i32
    %dma_wait3A_137 = tpu.memref_slice %arg6[%dma_wait3A_135, %dma_wait3A_136] : memref<3x2000xi32, #tpu.memory_space<vmem>> -> memref<1x2000xi32, #tpu.memory_space<vmem>>
    %dma_wait3A_138 = tpu.memref_squeeze %dma_wait3A_137 : memref<1x2000xi32, #tpu.memory_space<vmem>> -> memref<2000xi32, #tpu.memory_space<vmem>>
    %dma_wait3A_139 = arith.constant 0 : i32
    %dma_wait3A_140 = tpu.memref_slice %arg3[%dma_wait3A_139] : memref<640000xi32, #tpu.memory_space<hbm>> -> memref<2000xi32, #tpu.memory_space<hbm>>
    %dma_wait3A_141 = arith.constant 0 : i32
    %dma_wait3A_142 = tpu.memref_slice %arg6[%dma_wait3A_135, %dma_wait3A_141] : memref<3x2000xi32, #tpu.memory_space<vmem>> -> memref<1x2000xi32, #tpu.memory_space<vmem>>
    %dma_wait3A_143 = tpu.memref_squeeze %dma_wait3A_142 : memref<1x2000xi32, #tpu.memory_space<vmem>> -> memref<2000xi32, #tpu.memory_space<vmem>>
    %dma_wait3A_144 = arith.constant 0 : i32
    %dma_wait3A_145 = tpu.memref_slice %arg3[%dma_wait3A_144] : memref<640000xi32, #tpu.memory_space<hbm>> -> memref<2000xi32, #tpu.memory_space<hbm>>
    tpu.wait_dma2 semaphore(%arg11 : memref<!tpu.dma_semaphore, #tpu.memory_space<semaphore_mem>>) src(%dma_wait3A_145 : memref<2000xi32, #tpu.memory_space<hbm>>) dst(%dma_wait3A_143 : memref<2000xi32, #tpu.memory_space<vmem>>)
    %dma_start3A_146 = arith.constant 1 : i32
    %dma_start3A_147 = arith.constant 1 : i32
    %dma_start3A_148 = arith.constant 0 : i32
    %dma_start3A_149 = arith.constant 0 : i32
    %dma_start3A_150 = tpu.memref_slice %arg7[%dma_start3A_147, %dma_start3A_148, %dma_start3A_149] : memref<2x2000x16xf32, #tpu.memory_space<vmem>> -> memref<1x2000x16xf32, #tpu.memory_space<vmem>>
    %dma_start3A_151 = tpu.memref_squeeze %dma_start3A_150 : memref<1x2000x16xf32, #tpu.memory_space<vmem>> -> memref<2000x16xf32, #tpu.memory_space<vmem>>
    %dma_start3A_152 = arith.constant 0 : i32
    %dma_start3A_153 = tpu.memref_slice %arg5[%dma_start3A_146, %dma_start3A_152] : memref<3x2000xi32, #tpu.memory_space<vmem>> -> memref<1x2000xi32, #tpu.memory_space<vmem>>
    %dma_start3A_154 = tpu.memref_squeeze %dma_start3A_153 : memref<1x2000xi32, #tpu.memory_space<vmem>> -> memref<2000xi32, #tpu.memory_space<vmem>>
    %dma_start3A_155 = arith.constant 0 : i32
    %dma_start3A_156 = arith.constant 0 : i32
    %dma_start3A_157 = tpu.memref_slice %arg2[%dma_start3A_155, %dma_start3A_156] : memref<10000x16xf32, #tpu.memory_space<hbm>> -> memref<10000x16xf32, #tpu.memory_space<hbm>>
    tpu.enqueue_indirect_dma source(%dma_start3A_157 : memref<10000x16xf32, #tpu.memory_space<hbm>>) target(%dma_start3A_151 : memref<2000x16xf32, #tpu.memory_space<vmem>>) offsets(%dma_start3A_154 : memref<2000xi32, #tpu.memory_space<vmem>>) semaphore(%arg14 : memref<!tpu.dma_semaphore, #tpu.memory_space<semaphore_mem>>)
    %dma_start3A_158 = arith.constant 0 : i32
    %dma_start3A_159 = arith.constant 0 : i32
    %dma_start3A_160 = arith.constant 0 : i32
    %dma_start3A_161 = arith.constant 0 : i32
    %dma_start3A_162 = tpu.memref_slice %arg7[%dma_start3A_158, %dma_start3A_160, %dma_start3A_161] : memref<2x2000x16xf32, #tpu.memory_space<vmem>> -> memref<1x2000x16xf32, #tpu.memory_space<vmem>>
    %dma_start3A_163 = tpu.memref_squeeze %dma_start3A_162 : memref<1x2000x16xf32, #tpu.memory_space<vmem>> -> memref<2000x16xf32, #tpu.memory_space<vmem>>
    %dma_start3A_164 = arith.constant 0 : i32
    %dma_start3A_165 = tpu.memref_slice %arg6[%dma_start3A_159, %dma_start3A_164] : memref<3x2000xi32, #tpu.memory_space<vmem>> -> memref<1x2000xi32, #tpu.memory_space<vmem>>
    %dma_start3A_166 = tpu.memref_squeeze %dma_start3A_165 : memref<1x2000xi32, #tpu.memory_space<vmem>> -> memref<2000xi32, #tpu.memory_space<vmem>>
    %dma_start3A_167 = arith.constant 0 : i32
    %dma_start3A_168 = arith.constant 0 : i32
    %dma_start3A_169 = tpu.memref_slice %arg9[%dma_start3A_167, %dma_start3A_168] : memref<10240x16xf32, #tpu.memory_space<vmem_shared>> -> memref<10240x16xf32, #tpu.memory_space<vmem_shared>>
    tpu.enqueue_indirect_dma source(%dma_start3A_163 : memref<2000x16xf32, #tpu.memory_space<vmem>>) target(%dma_start3A_169 : memref<10240x16xf32, #tpu.memory_space<vmem_shared>>) offsets(%dma_start3A_166 : memref<2000xi32, #tpu.memory_space<vmem>>) semaphore(%arg15 : memref<!tpu.dma_semaphore, #tpu.memory_space<semaphore_mem>>) {add = true}
    %dma_wait3A_170 = arith.constant 0 : i32
    %dma_wait3A_171 = arith.constant 0 : i32
    %dma_wait3A_172 = arith.constant 0 : i32
    %dma_wait3A_173 = arith.constant 0 : i32
    %dma_wait3A_174 = tpu.memref_slice %arg7[%dma_wait3A_170, %dma_wait3A_172, %dma_wait3A_173] : memref<2x2000x16xf32, #tpu.memory_space<vmem>> -> memref<1x2000x16xf32, #tpu.memory_space<vmem>>
    %dma_wait3A_175 = tpu.memref_squeeze %dma_wait3A_174 : memref<1x2000x16xf32, #tpu.memory_space<vmem>> -> memref<2000x16xf32, #tpu.memory_space<vmem>>
    %dma_wait3A_176 = arith.constant 0 : i32
    %dma_wait3A_177 = tpu.memref_slice %arg6[%dma_wait3A_171, %dma_wait3A_176] : memref<3x2000xi32, #tpu.memory_space<vmem>> -> memref<1x2000xi32, #tpu.memory_space<vmem>>
    %dma_wait3A_178 = tpu.memref_squeeze %dma_wait3A_177 : memref<1x2000xi32, #tpu.memory_space<vmem>> -> memref<2000xi32, #tpu.memory_space<vmem>>
    %dma_wait3A_179 = arith.constant 0 : i32
    %dma_wait3A_180 = arith.constant 0 : i32
    %dma_wait3A_181 = tpu.memref_slice %arg9[%dma_wait3A_179, %dma_wait3A_180] : memref<10240x16xf32, #tpu.memory_space<vmem_shared>> -> memref<10240x16xf32, #tpu.memory_space<vmem_shared>>
    tpu.wait_indirect_dma semaphore(%arg15 : memref<!tpu.dma_semaphore, #tpu.memory_space<semaphore_mem>>) src(%dma_wait3A_175 : memref<2000x16xf32, #tpu.memory_space<vmem>>) dst(%dma_wait3A_181 : memref<10240x16xf32, #tpu.memory_space<vmem_shared>>)
    %mul3A_182 = arith.constant 10000 : i32
    %mul3A_183 = arith.muli %add3A, %mul3A_182 : i32
    %add3A_184 = arith.constant 6000 : i32
    %add3A_185 = arith.addi %mul3A_183, %add3A_184 : i32
    %dma_start3A_186 = arith.constant 0 : i32
    %dma_start3A_187 = arith.constant 0 : i32
    %dma_start3A_188 = tpu.memref_slice %arg5[%dma_start3A_186, %dma_start3A_187] : memref<3x2000xi32, #tpu.memory_space<vmem>> -> memref<1x2000xi32, #tpu.memory_space<vmem>>
    %dma_start3A_189 = tpu.memref_squeeze %dma_start3A_188 : memref<1x2000xi32, #tpu.memory_space<vmem>> -> memref<2000xi32, #tpu.memory_space<vmem>>
    %dma_start3A_190 = tpu.memref_slice %arg3[%add3A_185] : memref<640000xi32, #tpu.memory_space<hbm>> -> memref<2000xi32, #tpu.memory_space<hbm>>
    %dma_start3A_191 = arith.constant 0 : i32
    %dma_start3A_192 = tpu.memref_slice %arg5[%dma_start3A_186, %dma_start3A_191] : memref<3x2000xi32, #tpu.memory_space<vmem>> -> memref<1x2000xi32, #tpu.memory_space<vmem>>
    %dma_start3A_193 = tpu.memref_squeeze %dma_start3A_192 : memref<1x2000xi32, #tpu.memory_space<vmem>> -> memref<2000xi32, #tpu.memory_space<vmem>>
    %dma_start3A_194 = tpu.memref_slice %arg3[%add3A_185] : memref<640000xi32, #tpu.memory_space<hbm>> -> memref<2000xi32, #tpu.memory_space<hbm>>
    tpu.enqueue_dma source(%dma_start3A_194 : memref<2000xi32, #tpu.memory_space<hbm>>) target(%dma_start3A_193 : memref<2000xi32, #tpu.memory_space<vmem>>) target_semaphore(%arg10 : memref<!tpu.dma_semaphore, #tpu.memory_space<semaphore_mem>>)
    %add3A_195 = arith.constant 320000 : i32
    %add3A_196 = arith.addi %add3A_195, %add3A_185 : i32
    %dma_start3A_197 = arith.constant 0 : i32
    %dma_start3A_198 = arith.constant 0 : i32
    %dma_start3A_199 = tpu.memref_slice %arg6[%dma_start3A_197, %dma_start3A_198] : memref<3x2000xi32, #tpu.memory_space<vmem>> -> memref<1x2000xi32, #tpu.memory_space<vmem>>
    %dma_start3A_200 = tpu.memref_squeeze %dma_start3A_199 : memref<1x2000xi32, #tpu.memory_space<vmem>> -> memref<2000xi32, #tpu.memory_space<vmem>>
    %dma_start3A_201 = tpu.memref_slice %arg3[%add3A_196] : memref<640000xi32, #tpu.memory_space<hbm>> -> memref<2000xi32, #tpu.memory_space<hbm>>
    %dma_start3A_202 = arith.constant 0 : i32
    %dma_start3A_203 = tpu.memref_slice %arg6[%dma_start3A_197, %dma_start3A_202] : memref<3x2000xi32, #tpu.memory_space<vmem>> -> memref<1x2000xi32, #tpu.memory_space<vmem>>
    %dma_start3A_204 = tpu.memref_squeeze %dma_start3A_203 : memref<1x2000xi32, #tpu.memory_space<vmem>> -> memref<2000xi32, #tpu.memory_space<vmem>>
    %dma_start3A_205 = tpu.memref_slice %arg3[%add3A_196] : memref<640000xi32, #tpu.memory_space<hbm>> -> memref<2000xi32, #tpu.memory_space<hbm>>
    tpu.enqueue_dma source(%dma_start3A_205 : memref<2000xi32, #tpu.memory_space<hbm>>) target(%dma_start3A_204 : memref<2000xi32, #tpu.memory_space<vmem>>) target_semaphore(%arg10 : memref<!tpu.dma_semaphore, #tpu.memory_space<semaphore_mem>>)
    %dma_wait3A_206 = arith.constant 1 : i32
    %dma_wait3A_207 = arith.constant 1 : i32
    %dma_wait3A_208 = arith.constant 0 : i32
    %dma_wait3A_209 = arith.constant 0 : i32
    %dma_wait3A_210 = tpu.memref_slice %arg7[%dma_wait3A_207, %dma_wait3A_208, %dma_wait3A_209] : memref<2x2000x16xf32, #tpu.memory_space<vmem>> -> memref<1x2000x16xf32, #tpu.memory_space<vmem>>
    %dma_wait3A_211 = tpu.memref_squeeze %dma_wait3A_210 : memref<1x2000x16xf32, #tpu.memory_space<vmem>> -> memref<2000x16xf32, #tpu.memory_space<vmem>>
    %dma_wait3A_212 = arith.constant 0 : i32
    %dma_wait3A_213 = tpu.memref_slice %arg5[%dma_wait3A_206, %dma_wait3A_212] : memref<3x2000xi32, #tpu.memory_space<vmem>> -> memref<1x2000xi32, #tpu.memory_space<vmem>>
    %dma_wait3A_214 = tpu.memref_squeeze %dma_wait3A_213 : memref<1x2000xi32, #tpu.memory_space<vmem>> -> memref<2000xi32, #tpu.memory_space<vmem>>
    %dma_wait3A_215 = arith.constant 0 : i32
    %dma_wait3A_216 = arith.constant 0 : i32
    %dma_wait3A_217 = tpu.memref_slice %arg2[%dma_wait3A_215, %dma_wait3A_216] : memref<10000x16xf32, #tpu.memory_space<hbm>> -> memref<10000x16xf32, #tpu.memory_space<hbm>>
    tpu.wait_indirect_dma semaphore(%arg14 : memref<!tpu.dma_semaphore, #tpu.memory_space<semaphore_mem>>) src(%dma_wait3A_217 : memref<10000x16xf32, #tpu.memory_space<hbm>>) dst(%dma_wait3A_211 : memref<2000x16xf32, #tpu.memory_space<vmem>>)
    %dma_wait3A_218 = arith.constant 2 : i32
    %dma_wait3A_219 = arith.constant 0 : i32
    %dma_wait3A_220 = tpu.memref_slice %arg5[%dma_wait3A_218, %dma_wait3A_219] : memref<3x2000xi32, #tpu.memory_space<vmem>> -> memref<1x2000xi32, #tpu.memory_space<vmem>>
    %dma_wait3A_221 = tpu.memref_squeeze %dma_wait3A_220 : memref<1x2000xi32, #tpu.memory_space<vmem>> -> memref<2000xi32, #tpu.memory_space<vmem>>
    %dma_wait3A_222 = arith.constant 0 : i32
    %dma_wait3A_223 = tpu.memref_slice %arg3[%dma_wait3A_222] : memref<640000xi32, #tpu.memory_space<hbm>> -> memref<2000xi32, #tpu.memory_space<hbm>>
    %dma_wait3A_224 = arith.constant 0 : i32
    %dma_wait3A_225 = tpu.memref_slice %arg5[%dma_wait3A_218, %dma_wait3A_224] : memref<3x2000xi32, #tpu.memory_space<vmem>> -> memref<1x2000xi32, #tpu.memory_space<vmem>>
    %dma_wait3A_226 = tpu.memref_squeeze %dma_wait3A_225 : memref<1x2000xi32, #tpu.memory_space<vmem>> -> memref<2000xi32, #tpu.memory_space<vmem>>
    %dma_wait3A_227 = arith.constant 0 : i32
    %dma_wait3A_228 = tpu.memref_slice %arg3[%dma_wait3A_227] : memref<640000xi32, #tpu.memory_space<hbm>> -> memref<2000xi32, #tpu.memory_space<hbm>>
    tpu.wait_dma2 semaphore(%arg12 : memref<!tpu.dma_semaphore, #tpu.memory_space<semaphore_mem>>) src(%dma_wait3A_228 : memref<2000xi32, #tpu.memory_space<hbm>>) dst(%dma_wait3A_226 : memref<2000xi32, #tpu.memory_space<vmem>>)
    %dma_wait3A_229 = arith.constant 2 : i32
    %dma_wait3A_230 = arith.constant 0 : i32
    %dma_wait3A_231 = tpu.memref_slice %arg6[%dma_wait3A_229, %dma_wait3A_230] : memref<3x2000xi32, #tpu.memory_space<vmem>> -> memref<1x2000xi32, #tpu.memory_space<vmem>>
    %dma_wait3A_232 = tpu.memref_squeeze %dma_wait3A_231 : memref<1x2000xi32, #tpu.memory_space<vmem>> -> memref<2000xi32, #tpu.memory_space<vmem>>
    %dma_wait3A_233 = arith.constant 0 : i32
    %dma_wait3A_234 = tpu.memref_slice %arg3[%dma_wait3A_233] : memref<640000xi32, #tpu.memory_space<hbm>> -> memref<2000xi32, #tpu.memory_space<hbm>>
    %dma_wait3A_235 = arith.constant 0 : i32
    %dma_wait3A_236 = tpu.memref_slice %arg6[%dma_wait3A_229, %dma_wait3A_235] : memref<3x2000xi32, #tpu.memory_space<vmem>> -> memref<1x2000xi32, #tpu.memory_space<vmem>>
    %dma_wait3A_237 = tpu.memref_squeeze %dma_wait3A_236 : memref<1x2000xi32, #tpu.memory_space<vmem>> -> memref<2000xi32, #tpu.memory_space<vmem>>
    %dma_wait3A_238 = arith.constant 0 : i32
    %dma_wait3A_239 = tpu.memref_slice %arg3[%dma_wait3A_238] : memref<640000xi32, #tpu.memory_space<hbm>> -> memref<2000xi32, #tpu.memory_space<hbm>>
    tpu.wait_dma2 semaphore(%arg12 : memref<!tpu.dma_semaphore, #tpu.memory_space<semaphore_mem>>) src(%dma_wait3A_239 : memref<2000xi32, #tpu.memory_space<hbm>>) dst(%dma_wait3A_237 : memref<2000xi32, #tpu.memory_space<vmem>>)
    %dma_start3A_240 = arith.constant 2 : i32
    %dma_start3A_241 = arith.constant 0 : i32
    %dma_start3A_242 = arith.constant 0 : i32
    %dma_start3A_243 = arith.constant 0 : i32
    %dma_start3A_244 = tpu.memref_slice %arg7[%dma_start3A_241, %dma_start3A_242, %dma_start3A_243] : memref<2x2000x16xf32, #tpu.memory_space<vmem>> -> memref<1x2000x16xf32, #tpu.memory_space<vmem>>
    %dma_start3A_245 = tpu.memref_squeeze %dma_start3A_244 : memref<1x2000x16xf32, #tpu.memory_space<vmem>> -> memref<2000x16xf32, #tpu.memory_space<vmem>>
    %dma_start3A_246 = arith.constant 0 : i32
    %dma_start3A_247 = tpu.memref_slice %arg5[%dma_start3A_240, %dma_start3A_246] : memref<3x2000xi32, #tpu.memory_space<vmem>> -> memref<1x2000xi32, #tpu.memory_space<vmem>>
    %dma_start3A_248 = tpu.memref_squeeze %dma_start3A_247 : memref<1x2000xi32, #tpu.memory_space<vmem>> -> memref<2000xi32, #tpu.memory_space<vmem>>
    %dma_start3A_249 = arith.constant 0 : i32
    %dma_start3A_250 = arith.constant 0 : i32
    %dma_start3A_251 = tpu.memref_slice %arg2[%dma_start3A_249, %dma_start3A_250] : memref<10000x16xf32, #tpu.memory_space<hbm>> -> memref<10000x16xf32, #tpu.memory_space<hbm>>
    tpu.enqueue_indirect_dma source(%dma_start3A_251 : memref<10000x16xf32, #tpu.memory_space<hbm>>) target(%dma_start3A_245 : memref<2000x16xf32, #tpu.memory_space<vmem>>) offsets(%dma_start3A_248 : memref<2000xi32, #tpu.memory_space<vmem>>) semaphore(%arg13 : memref<!tpu.dma_semaphore, #tpu.memory_space<semaphore_mem>>)
    %dma_start3A_252 = arith.constant 1 : i32
    %dma_start3A_253 = arith.constant 1 : i32
    %dma_start3A_254 = arith.constant 0 : i32
    %dma_start3A_255 = arith.constant 0 : i32
    %dma_start3A_256 = tpu.memref_slice %arg7[%dma_start3A_252, %dma_start3A_254, %dma_start3A_255] : memref<2x2000x16xf32, #tpu.memory_space<vmem>> -> memref<1x2000x16xf32, #tpu.memory_space<vmem>>
    %dma_start3A_257 = tpu.memref_squeeze %dma_start3A_256 : memref<1x2000x16xf32, #tpu.memory_space<vmem>> -> memref<2000x16xf32, #tpu.memory_space<vmem>>
    %dma_start3A_258 = arith.constant 0 : i32
    %dma_start3A_259 = tpu.memref_slice %arg6[%dma_start3A_253, %dma_start3A_258] : memref<3x2000xi32, #tpu.memory_space<vmem>> -> memref<1x2000xi32, #tpu.memory_space<vmem>>
    %dma_start3A_260 = tpu.memref_squeeze %dma_start3A_259 : memref<1x2000xi32, #tpu.memory_space<vmem>> -> memref<2000xi32, #tpu.memory_space<vmem>>
    %dma_start3A_261 = arith.constant 0 : i32
    %dma_start3A_262 = arith.constant 0 : i32
    %dma_start3A_263 = tpu.memref_slice %arg9[%dma_start3A_261, %dma_start3A_262] : memref<10240x16xf32, #tpu.memory_space<vmem_shared>> -> memref<10240x16xf32, #tpu.memory_space<vmem_shared>>
    tpu.enqueue_indirect_dma source(%dma_start3A_257 : memref<2000x16xf32, #tpu.memory_space<vmem>>) target(%dma_start3A_263 : memref<10240x16xf32, #tpu.memory_space<vmem_shared>>) offsets(%dma_start3A_260 : memref<2000xi32, #tpu.memory_space<vmem>>) semaphore(%arg16 : memref<!tpu.dma_semaphore, #tpu.memory_space<semaphore_mem>>) {add = true}
    %dma_wait3A_264 = arith.constant 1 : i32
    %dma_wait3A_265 = arith.constant 1 : i32
    %dma_wait3A_266 = arith.constant 0 : i32
    %dma_wait3A_267 = arith.constant 0 : i32
    %dma_wait3A_268 = tpu.memref_slice %arg7[%dma_wait3A_264, %dma_wait3A_266, %dma_wait3A_267] : memref<2x2000x16xf32, #tpu.memory_space<vmem>> -> memref<1x2000x16xf32, #tpu.memory_space<vmem>>
    %dma_wait3A_269 = tpu.memref_squeeze %dma_wait3A_268 : memref<1x2000x16xf32, #tpu.memory_space<vmem>> -> memref<2000x16xf32, #tpu.memory_space<vmem>>
    %dma_wait3A_270 = arith.constant 0 : i32
    %dma_wait3A_271 = tpu.memref_slice %arg6[%dma_wait3A_265, %dma_wait3A_270] : memref<3x2000xi32, #tpu.memory_space<vmem>> -> memref<1x2000xi32, #tpu.memory_space<vmem>>
    %dma_wait3A_272 = tpu.memref_squeeze %dma_wait3A_271 : memref<1x2000xi32, #tpu.memory_space<vmem>> -> memref<2000xi32, #tpu.memory_space<vmem>>
    %dma_wait3A_273 = arith.constant 0 : i32
    %dma_wait3A_274 = arith.constant 0 : i32
    %dma_wait3A_275 = tpu.memref_slice %arg9[%dma_wait3A_273, %dma_wait3A_274] : memref<10240x16xf32, #tpu.memory_space<vmem_shared>> -> memref<10240x16xf32, #tpu.memory_space<vmem_shared>>
    tpu.wait_indirect_dma semaphore(%arg16 : memref<!tpu.dma_semaphore, #tpu.memory_space<semaphore_mem>>) src(%dma_wait3A_269 : memref<2000x16xf32, #tpu.memory_space<vmem>>) dst(%dma_wait3A_275 : memref<10240x16xf32, #tpu.memory_space<vmem_shared>>)
    %mul3A_276 = arith.constant 10000 : i32
    %mul3A_277 = arith.muli %add3A, %mul3A_276 : i32
    %add3A_278 = arith.constant 8000 : i32
    %add3A_279 = arith.addi %mul3A_277, %add3A_278 : i32
    %dma_start3A_280 = arith.constant 1 : i32
    %dma_start3A_281 = arith.constant 0 : i32
    %dma_start3A_282 = tpu.memref_slice %arg5[%dma_start3A_280, %dma_start3A_281] : memref<3x2000xi32, #tpu.memory_space<vmem>> -> memref<1x2000xi32, #tpu.memory_space<vmem>>
    %dma_start3A_283 = tpu.memref_squeeze %dma_start3A_282 : memref<1x2000xi32, #tpu.memory_space<vmem>> -> memref<2000xi32, #tpu.memory_space<vmem>>
    %dma_start3A_284 = tpu.memref_slice %arg3[%add3A_279] : memref<640000xi32, #tpu.memory_space<hbm>> -> memref<2000xi32, #tpu.memory_space<hbm>>
    %dma_start3A_285 = arith.constant 0 : i32
    %dma_start3A_286 = tpu.memref_slice %arg5[%dma_start3A_280, %dma_start3A_285] : memref<3x2000xi32, #tpu.memory_space<vmem>> -> memref<1x2000xi32, #tpu.memory_space<vmem>>
    %dma_start3A_287 = tpu.memref_squeeze %dma_start3A_286 : memref<1x2000xi32, #tpu.memory_space<vmem>> -> memref<2000xi32, #tpu.memory_space<vmem>>
    %dma_start3A_288 = tpu.memref_slice %arg3[%add3A_279] : memref<640000xi32, #tpu.memory_space<hbm>> -> memref<2000xi32, #tpu.memory_space<hbm>>
    tpu.enqueue_dma source(%dma_start3A_288 : memref<2000xi32, #tpu.memory_space<hbm>>) target(%dma_start3A_287 : memref<2000xi32, #tpu.memory_space<vmem>>) target_semaphore(%arg11 : memref<!tpu.dma_semaphore, #tpu.memory_space<semaphore_mem>>)
    %add3A_289 = arith.constant 320000 : i32
    %add3A_290 = arith.addi %add3A_289, %add3A_279 : i32
    %dma_start3A_291 = arith.constant 1 : i32
    %dma_start3A_292 = arith.constant 0 : i32
    %dma_start3A_293 = tpu.memref_slice %arg6[%dma_start3A_291, %dma_start3A_292] : memref<3x2000xi32, #tpu.memory_space<vmem>> -> memref<1x2000xi32, #tpu.memory_space<vmem>>
    %dma_start3A_294 = tpu.memref_squeeze %dma_start3A_293 : memref<1x2000xi32, #tpu.memory_space<vmem>> -> memref<2000xi32, #tpu.memory_space<vmem>>
    %dma_start3A_295 = tpu.memref_slice %arg3[%add3A_290] : memref<640000xi32, #tpu.memory_space<hbm>> -> memref<2000xi32, #tpu.memory_space<hbm>>
    %dma_start3A_296 = arith.constant 0 : i32
    %dma_start3A_297 = tpu.memref_slice %arg6[%dma_start3A_291, %dma_start3A_296] : memref<3x2000xi32, #tpu.memory_space<vmem>> -> memref<1x2000xi32, #tpu.memory_space<vmem>>
    %dma_start3A_298 = tpu.memref_squeeze %dma_start3A_297 : memref<1x2000xi32, #tpu.memory_space<vmem>> -> memref<2000xi32, #tpu.memory_space<vmem>>
    %dma_start3A_299 = tpu.memref_slice %arg3[%add3A_290] : memref<640000xi32, #tpu.memory_space<hbm>> -> memref<2000xi32, #tpu.memory_space<hbm>>
    tpu.enqueue_dma source(%dma_start3A_299 : memref<2000xi32, #tpu.memory_space<hbm>>) target(%dma_start3A_298 : memref<2000xi32, #tpu.memory_space<vmem>>) target_semaphore(%arg11 : memref<!tpu.dma_semaphore, #tpu.memory_space<semaphore_mem>>)
    %dma_wait3A_300 = arith.constant 2 : i32
    %dma_wait3A_301 = arith.constant 0 : i32
    %dma_wait3A_302 = arith.constant 0 : i32
    %dma_wait3A_303 = arith.constant 0 : i32
    %dma_wait3A_304 = tpu.memref_slice %arg7[%dma_wait3A_301, %dma_wait3A_302, %dma_wait3A_303] : memref<2x2000x16xf32, #tpu.memory_space<vmem>> -> memref<1x2000x16xf32, #tpu.memory_space<vmem>>
    %dma_wait3A_305 = tpu.memref_squeeze %dma_wait3A_304 : memref<1x2000x16xf32, #tpu.memory_space<vmem>> -> memref<2000x16xf32, #tpu.memory_space<vmem>>
    %dma_wait3A_306 = arith.constant 0 : i32
    %dma_wait3A_307 = tpu.memref_slice %arg5[%dma_wait3A_300, %dma_wait3A_306] : memref<3x2000xi32, #tpu.memory_space<vmem>> -> memref<1x2000xi32, #tpu.memory_space<vmem>>
    %dma_wait3A_308 = tpu.memref_squeeze %dma_wait3A_307 : memref<1x2000xi32, #tpu.memory_space<vmem>> -> memref<2000xi32, #tpu.memory_space<vmem>>
    %dma_wait3A_309 = arith.constant 0 : i32
    %dma_wait3A_310 = arith.constant 0 : i32
    %dma_wait3A_311 = tpu.memref_slice %arg2[%dma_wait3A_309, %dma_wait3A_310] : memref<10000x16xf32, #tpu.memory_space<hbm>> -> memref<10000x16xf32, #tpu.memory_space<hbm>>
    tpu.wait_indirect_dma semaphore(%arg13 : memref<!tpu.dma_semaphore, #tpu.memory_space<semaphore_mem>>) src(%dma_wait3A_311 : memref<10000x16xf32, #tpu.memory_space<hbm>>) dst(%dma_wait3A_305 : memref<2000x16xf32, #tpu.memory_space<vmem>>)
    %dma_wait3A_312 = arith.constant 0 : i32
    %dma_wait3A_313 = arith.constant 0 : i32
    %dma_wait3A_314 = tpu.memref_slice %arg5[%dma_wait3A_312, %dma_wait3A_313] : memref<3x2000xi32, #tpu.memory_space<vmem>> -> memref<1x2000xi32, #tpu.memory_space<vmem>>
    %dma_wait3A_315 = tpu.memref_squeeze %dma_wait3A_314 : memref<1x2000xi32, #tpu.memory_space<vmem>> -> memref<2000xi32, #tpu.memory_space<vmem>>
    %dma_wait3A_316 = arith.constant 0 : i32
    %dma_wait3A_317 = tpu.memref_slice %arg3[%dma_wait3A_316] : memref<640000xi32, #tpu.memory_space<hbm>> -> memref<2000xi32, #tpu.memory_space<hbm>>
    %dma_wait3A_318 = arith.constant 0 : i32
    %dma_wait3A_319 = tpu.memref_slice %arg5[%dma_wait3A_312, %dma_wait3A_318] : memref<3x2000xi32, #tpu.memory_space<vmem>> -> memref<1x2000xi32, #tpu.memory_space<vmem>>
    %dma_wait3A_320 = tpu.memref_squeeze %dma_wait3A_319 : memref<1x2000xi32, #tpu.memory_space<vmem>> -> memref<2000xi32, #tpu.memory_space<vmem>>
    %dma_wait3A_321 = arith.constant 0 : i32
    %dma_wait3A_322 = tpu.memref_slice %arg3[%dma_wait3A_321] : memref<640000xi32, #tpu.memory_space<hbm>> -> memref<2000xi32, #tpu.memory_space<hbm>>
    tpu.wait_dma2 semaphore(%arg10 : memref<!tpu.dma_semaphore, #tpu.memory_space<semaphore_mem>>) src(%dma_wait3A_322 : memref<2000xi32, #tpu.memory_space<hbm>>) dst(%dma_wait3A_320 : memref<2000xi32, #tpu.memory_space<vmem>>)
    %dma_wait3A_323 = arith.constant 0 : i32
    %dma_wait3A_324 = arith.constant 0 : i32
    %dma_wait3A_325 = tpu.memref_slice %arg6[%dma_wait3A_323, %dma_wait3A_324] : memref<3x2000xi32, #tpu.memory_space<vmem>> -> memref<1x2000xi32, #tpu.memory_space<vmem>>
    %dma_wait3A_326 = tpu.memref_squeeze %dma_wait3A_325 : memref<1x2000xi32, #tpu.memory_space<vmem>> -> memref<2000xi32, #tpu.memory_space<vmem>>
    %dma_wait3A_327 = arith.constant 0 : i32
    %dma_wait3A_328 = tpu.memref_slice %arg3[%dma_wait3A_327] : memref<640000xi32, #tpu.memory_space<hbm>> -> memref<2000xi32, #tpu.memory_space<hbm>>
    %dma_wait3A_329 = arith.constant 0 : i32
    %dma_wait3A_330 = tpu.memref_slice %arg6[%dma_wait3A_323, %dma_wait3A_329] : memref<3x2000xi32, #tpu.memory_space<vmem>> -> memref<1x2000xi32, #tpu.memory_space<vmem>>
    %dma_wait3A_331 = tpu.memref_squeeze %dma_wait3A_330 : memref<1x2000xi32, #tpu.memory_space<vmem>> -> memref<2000xi32, #tpu.memory_space<vmem>>
    %dma_wait3A_332 = arith.constant 0 : i32
    %dma_wait3A_333 = tpu.memref_slice %arg3[%dma_wait3A_332] : memref<640000xi32, #tpu.memory_space<hbm>> -> memref<2000xi32, #tpu.memory_space<hbm>>
    tpu.wait_dma2 semaphore(%arg10 : memref<!tpu.dma_semaphore, #tpu.memory_space<semaphore_mem>>) src(%dma_wait3A_333 : memref<2000xi32, #tpu.memory_space<hbm>>) dst(%dma_wait3A_331 : memref<2000xi32, #tpu.memory_space<vmem>>)
    %dma_start3A_334 = arith.constant 0 : i32
    %dma_start3A_335 = arith.constant 1 : i32
    %dma_start3A_336 = arith.constant 0 : i32
    %dma_start3A_337 = arith.constant 0 : i32
    %dma_start3A_338 = tpu.memref_slice %arg7[%dma_start3A_335, %dma_start3A_336, %dma_start3A_337] : memref<2x2000x16xf32, #tpu.memory_space<vmem>> -> memref<1x2000x16xf32, #tpu.memory_space<vmem>>
    %dma_start3A_339 = tpu.memref_squeeze %dma_start3A_338 : memref<1x2000x16xf32, #tpu.memory_space<vmem>> -> memref<2000x16xf32, #tpu.memory_space<vmem>>
    %dma_start3A_340 = arith.constant 0 : i32
    %dma_start3A_341 = tpu.memref_slice %arg5[%dma_start3A_334, %dma_start3A_340] : memref<3x2000xi32, #tpu.memory_space<vmem>> -> memref<1x2000xi32, #tpu.memory_space<vmem>>
    %dma_start3A_342 = tpu.memref_squeeze %dma_start3A_341 : memref<1x2000xi32, #tpu.memory_space<vmem>> -> memref<2000xi32, #tpu.memory_space<vmem>>
    %dma_start3A_343 = arith.constant 0 : i32
    %dma_start3A_344 = arith.constant 0 : i32
    %dma_start3A_345 = tpu.memref_slice %arg2[%dma_start3A_343, %dma_start3A_344] : memref<10000x16xf32, #tpu.memory_space<hbm>> -> memref<10000x16xf32, #tpu.memory_space<hbm>>
    tpu.enqueue_indirect_dma source(%dma_start3A_345 : memref<10000x16xf32, #tpu.memory_space<hbm>>) target(%dma_start3A_339 : memref<2000x16xf32, #tpu.memory_space<vmem>>) offsets(%dma_start3A_342 : memref<2000xi32, #tpu.memory_space<vmem>>) semaphore(%arg14 : memref<!tpu.dma_semaphore, #tpu.memory_space<semaphore_mem>>)
    %dma_start3A_346 = arith.constant 0 : i32
    %dma_start3A_347 = arith.constant 2 : i32
    %dma_start3A_348 = arith.constant 0 : i32
    %dma_start3A_349 = arith.constant 0 : i32
    %dma_start3A_350 = tpu.memref_slice %arg7[%dma_start3A_346, %dma_start3A_348, %dma_start3A_349] : memref<2x2000x16xf32, #tpu.memory_space<vmem>> -> memref<1x2000x16xf32, #tpu.memory_space<vmem>>
    %dma_start3A_351 = tpu.memref_squeeze %dma_start3A_350 : memref<1x2000x16xf32, #tpu.memory_space<vmem>> -> memref<2000x16xf32, #tpu.memory_space<vmem>>
    %dma_start3A_352 = arith.constant 0 : i32
    %dma_start3A_353 = tpu.memref_slice %arg6[%dma_start3A_347, %dma_start3A_352] : memref<3x2000xi32, #tpu.memory_space<vmem>> -> memref<1x2000xi32, #tpu.memory_space<vmem>>
    %dma_start3A_354 = tpu.memref_squeeze %dma_start3A_353 : memref<1x2000xi32, #tpu.memory_space<vmem>> -> memref<2000xi32, #tpu.memory_space<vmem>>
    %dma_start3A_355 = arith.constant 0 : i32
    %dma_start3A_356 = arith.constant 0 : i32
    %dma_start3A_357 = tpu.memref_slice %arg9[%dma_start3A_355, %dma_start3A_356] : memref<10240x16xf32, #tpu.memory_space<vmem_shared>> -> memref<10240x16xf32, #tpu.memory_space<vmem_shared>>
    tpu.enqueue_indirect_dma source(%dma_start3A_351 : memref<2000x16xf32, #tpu.memory_space<vmem>>) target(%dma_start3A_357 : memref<10240x16xf32, #tpu.memory_space<vmem_shared>>) offsets(%dma_start3A_354 : memref<2000xi32, #tpu.memory_space<vmem>>) semaphore(%arg15 : memref<!tpu.dma_semaphore, #tpu.memory_space<semaphore_mem>>) {add = true}
    %dma_wait3A_358 = arith.constant 0 : i32
    %dma_wait3A_359 = arith.constant 2 : i32
    %dma_wait3A_360 = arith.constant 0 : i32
    %dma_wait3A_361 = arith.constant 0 : i32
    %dma_wait3A_362 = tpu.memref_slice %arg7[%dma_wait3A_358, %dma_wait3A_360, %dma_wait3A_361] : memref<2x2000x16xf32, #tpu.memory_space<vmem>> -> memref<1x2000x16xf32, #tpu.memory_space<vmem>>
    %dma_wait3A_363 = tpu.memref_squeeze %dma_wait3A_362 : memref<1x2000x16xf32, #tpu.memory_space<vmem>> -> memref<2000x16xf32, #tpu.memory_space<vmem>>
    %dma_wait3A_364 = arith.constant 0 : i32
    %dma_wait3A_365 = tpu.memref_slice %arg6[%dma_wait3A_359, %dma_wait3A_364] : memref<3x2000xi32, #tpu.memory_space<vmem>> -> memref<1x2000xi32, #tpu.memory_space<vmem>>
    %dma_wait3A_366 = tpu.memref_squeeze %dma_wait3A_365 : memref<1x2000xi32, #tpu.memory_space<vmem>> -> memref<2000xi32, #tpu.memory_space<vmem>>
    %dma_wait3A_367 = arith.constant 0 : i32
    %dma_wait3A_368 = arith.constant 0 : i32
    %dma_wait3A_369 = tpu.memref_slice %arg9[%dma_wait3A_367, %dma_wait3A_368] : memref<10240x16xf32, #tpu.memory_space<vmem_shared>> -> memref<10240x16xf32, #tpu.memory_space<vmem_shared>>
    tpu.wait_indirect_dma semaphore(%arg15 : memref<!tpu.dma_semaphore, #tpu.memory_space<semaphore_mem>>) src(%dma_wait3A_363 : memref<2000x16xf32, #tpu.memory_space<vmem>>) dst(%dma_wait3A_369 : memref<10240x16xf32, #tpu.memory_space<vmem_shared>>)
    %dma_wait3A_370 = arith.constant 0 : i32
    %dma_wait3A_371 = arith.constant 1 : i32
    %dma_wait3A_372 = arith.constant 0 : i32
    %dma_wait3A_373 = arith.constant 0 : i32
    %dma_wait3A_374 = tpu.memref_slice %arg7[%dma_wait3A_371, %dma_wait3A_372, %dma_wait3A_373] : memref<2x2000x16xf32, #tpu.memory_space<vmem>> -> memref<1x2000x16xf32, #tpu.memory_space<vmem>>
    %dma_wait3A_375 = tpu.memref_squeeze %dma_wait3A_374 : memref<1x2000x16xf32, #tpu.memory_space<vmem>> -> memref<2000x16xf32, #tpu.memory_space<vmem>>
    %dma_wait3A_376 = arith.constant 0 : i32
    %dma_wait3A_377 = tpu.memref_slice %arg5[%dma_wait3A_370, %dma_wait3A_376] : memref<3x2000xi32, #tpu.memory_space<vmem>> -> memref<1x2000xi32, #tpu.memory_space<vmem>>
    %dma_wait3A_378 = tpu.memref_squeeze %dma_wait3A_377 : memref<1x2000xi32, #tpu.memory_space<vmem>> -> memref<2000xi32, #tpu.memory_space<vmem>>
    %dma_wait3A_379 = arith.constant 0 : i32
    %dma_wait3A_380 = arith.constant 0 : i32
    %dma_wait3A_381 = tpu.memref_slice %arg2[%dma_wait3A_379, %dma_wait3A_380] : memref<10000x16xf32, #tpu.memory_space<hbm>> -> memref<10000x16xf32, #tpu.memory_space<hbm>>
    tpu.wait_indirect_dma semaphore(%arg14 : memref<!tpu.dma_semaphore, #tpu.memory_space<semaphore_mem>>) src(%dma_wait3A_381 : memref<10000x16xf32, #tpu.memory_space<hbm>>) dst(%dma_wait3A_375 : memref<2000x16xf32, #tpu.memory_space<vmem>>)
    %dma_wait3A_382 = arith.constant 1 : i32
    %dma_wait3A_383 = arith.constant 0 : i32
    %dma_wait3A_384 = tpu.memref_slice %arg5[%dma_wait3A_382, %dma_wait3A_383] : memref<3x2000xi32, #tpu.memory_space<vmem>> -> memref<1x2000xi32, #tpu.memory_space<vmem>>
    %dma_wait3A_385 = tpu.memref_squeeze %dma_wait3A_384 : memref<1x2000xi32, #tpu.memory_space<vmem>> -> memref<2000xi32, #tpu.memory_space<vmem>>
    %dma_wait3A_386 = arith.constant 0 : i32
    %dma_wait3A_387 = tpu.memref_slice %arg3[%dma_wait3A_386] : memref<640000xi32, #tpu.memory_space<hbm>> -> memref<2000xi32, #tpu.memory_space<hbm>>
    %dma_wait3A_388 = arith.constant 0 : i32
    %dma_wait3A_389 = tpu.memref_slice %arg5[%dma_wait3A_382, %dma_wait3A_388] : memref<3x2000xi32, #tpu.memory_space<vmem>> -> memref<1x2000xi32, #tpu.memory_space<vmem>>
    %dma_wait3A_390 = tpu.memref_squeeze %dma_wait3A_389 : memref<1x2000xi32, #tpu.memory_space<vmem>> -> memref<2000xi32, #tpu.memory_space<vmem>>
    %dma_wait3A_391 = arith.constant 0 : i32
    %dma_wait3A_392 = tpu.memref_slice %arg3[%dma_wait3A_391] : memref<640000xi32, #tpu.memory_space<hbm>> -> memref<2000xi32, #tpu.memory_space<hbm>>
    tpu.wait_dma2 semaphore(%arg11 : memref<!tpu.dma_semaphore, #tpu.memory_space<semaphore_mem>>) src(%dma_wait3A_392 : memref<2000xi32, #tpu.memory_space<hbm>>) dst(%dma_wait3A_390 : memref<2000xi32, #tpu.memory_space<vmem>>)
    %dma_wait3A_393 = arith.constant 1 : i32
    %dma_wait3A_394 = arith.constant 0 : i32
    %dma_wait3A_395 = tpu.memref_slice %arg6[%dma_wait3A_393, %dma_wait3A_394] : memref<3x2000xi32, #tpu.memory_space<vmem>> -> memref<1x2000xi32, #tpu.memory_space<vmem>>
    %dma_wait3A_396 = tpu.memref_squeeze %dma_wait3A_395 : memref<1x2000xi32, #tpu.memory_space<vmem>> -> memref<2000xi32, #tpu.memory_space<vmem>>
    %dma_wait3A_397 = arith.constant 0 : i32
    %dma_wait3A_398 = tpu.memref_slice %arg3[%dma_wait3A_397] : memref<640000xi32, #tpu.memory_space<hbm>> -> memref<2000xi32, #tpu.memory_space<hbm>>
    %dma_wait3A_399 = arith.constant 0 : i32
    %dma_wait3A_400 = tpu.memref_slice %arg6[%dma_wait3A_393, %dma_wait3A_399] : memref<3x2000xi32, #tpu.memory_space<vmem>> -> memref<1x2000xi32, #tpu.memory_space<vmem>>
    %dma_wait3A_401 = tpu.memref_squeeze %dma_wait3A_400 : memref<1x2000xi32, #tpu.memory_space<vmem>> -> memref<2000xi32, #tpu.memory_space<vmem>>
    %dma_wait3A_402 = arith.constant 0 : i32
    %dma_wait3A_403 = tpu.memref_slice %arg3[%dma_wait3A_402] : memref<640000xi32, #tpu.memory_space<hbm>> -> memref<2000xi32, #tpu.memory_space<hbm>>
    tpu.wait_dma2 semaphore(%arg11 : memref<!tpu.dma_semaphore, #tpu.memory_space<semaphore_mem>>) src(%dma_wait3A_403 : memref<2000xi32, #tpu.memory_space<hbm>>) dst(%dma_wait3A_401 : memref<2000xi32, #tpu.memory_space<vmem>>)
    %dma_start3A_404 = arith.constant 1 : i32
    %dma_start3A_405 = arith.constant 0 : i32
    %dma_start3A_406 = arith.constant 0 : i32
    %dma_start3A_407 = arith.constant 0 : i32
    %dma_start3A_408 = tpu.memref_slice %arg7[%dma_start3A_405, %dma_start3A_406, %dma_start3A_407] : memref<2x2000x16xf32, #tpu.memory_space<vmem>> -> memref<1x2000x16xf32, #tpu.memory_space<vmem>>
    %dma_start3A_409 = tpu.memref_squeeze %dma_start3A_408 : memref<1x2000x16xf32, #tpu.memory_space<vmem>> -> memref<2000x16xf32, #tpu.memory_space<vmem>>
    %dma_start3A_410 = arith.constant 0 : i32
    %dma_start3A_411 = tpu.memref_slice %arg5[%dma_start3A_404, %dma_start3A_410] : memref<3x2000xi32, #tpu.memory_space<vmem>> -> memref<1x2000xi32, #tpu.memory_space<vmem>>
    %dma_start3A_412 = tpu.memref_squeeze %dma_start3A_411 : memref<1x2000xi32, #tpu.memory_space<vmem>> -> memref<2000xi32, #tpu.memory_space<vmem>>
    %dma_start3A_413 = arith.constant 0 : i32
    %dma_start3A_414 = arith.constant 0 : i32
    %dma_start3A_415 = tpu.memref_slice %arg2[%dma_start3A_413, %dma_start3A_414] : memref<10000x16xf32, #tpu.memory_space<hbm>> -> memref<10000x16xf32, #tpu.memory_space<hbm>>
    tpu.enqueue_indirect_dma source(%dma_start3A_415 : memref<10000x16xf32, #tpu.memory_space<hbm>>) target(%dma_start3A_409 : memref<2000x16xf32, #tpu.memory_space<vmem>>) offsets(%dma_start3A_412 : memref<2000xi32, #tpu.memory_space<vmem>>) semaphore(%arg13 : memref<!tpu.dma_semaphore, #tpu.memory_space<semaphore_mem>>)
    %dma_start3A_416 = arith.constant 1 : i32
    %dma_start3A_417 = arith.constant 0 : i32
    %dma_start3A_418 = arith.constant 0 : i32
    %dma_start3A_419 = arith.constant 0 : i32
    %dma_start3A_420 = tpu.memref_slice %arg7[%dma_start3A_416, %dma_start3A_418, %dma_start3A_419] : memref<2x2000x16xf32, #tpu.memory_space<vmem>> -> memref<1x2000x16xf32, #tpu.memory_space<vmem>>
    %dma_start3A_421 = tpu.memref_squeeze %dma_start3A_420 : memref<1x2000x16xf32, #tpu.memory_space<vmem>> -> memref<2000x16xf32, #tpu.memory_space<vmem>>
    %dma_start3A_422 = arith.constant 0 : i32
    %dma_start3A_423 = tpu.memref_slice %arg6[%dma_start3A_417, %dma_start3A_422] : memref<3x2000xi32, #tpu.memory_space<vmem>> -> memref<1x2000xi32, #tpu.memory_space<vmem>>
    %dma_start3A_424 = tpu.memref_squeeze %dma_start3A_423 : memref<1x2000xi32, #tpu.memory_space<vmem>> -> memref<2000xi32, #tpu.memory_space<vmem>>
    %dma_start3A_425 = arith.constant 0 : i32
    %dma_start3A_426 = arith.constant 0 : i32
    %dma_start3A_427 = tpu.memref_slice %arg9[%dma_start3A_425, %dma_start3A_426] : memref<10240x16xf32, #tpu.memory_space<vmem_shared>> -> memref<10240x16xf32, #tpu.memory_space<vmem_shared>>
    tpu.enqueue_indirect_dma source(%dma_start3A_421 : memref<2000x16xf32, #tpu.memory_space<vmem>>) target(%dma_start3A_427 : memref<10240x16xf32, #tpu.memory_space<vmem_shared>>) offsets(%dma_start3A_424 : memref<2000xi32, #tpu.memory_space<vmem>>) semaphore(%arg16 : memref<!tpu.dma_semaphore, #tpu.memory_space<semaphore_mem>>) {add = true}
    %dma_wait3A_428 = arith.constant 1 : i32
    %dma_wait3A_429 = arith.constant 0 : i32
    %dma_wait3A_430 = arith.constant 0 : i32
    %dma_wait3A_431 = arith.constant 0 : i32
    %dma_wait3A_432 = tpu.memref_slice %arg7[%dma_wait3A_428, %dma_wait3A_430, %dma_wait3A_431] : memref<2x2000x16xf32, #tpu.memory_space<vmem>> -> memref<1x2000x16xf32, #tpu.memory_space<vmem>>
    %dma_wait3A_433 = tpu.memref_squeeze %dma_wait3A_432 : memref<1x2000x16xf32, #tpu.memory_space<vmem>> -> memref<2000x16xf32, #tpu.memory_space<vmem>>
    %dma_wait3A_434 = arith.constant 0 : i32
    %dma_wait3A_435 = tpu.memref_slice %arg6[%dma_wait3A_429, %dma_wait3A_434] : memref<3x2000xi32, #tpu.memory_space<vmem>> -> memref<1x2000xi32, #tpu.memory_space<vmem>>
    %dma_wait3A_436 = tpu.memref_squeeze %dma_wait3A_435 : memref<1x2000xi32, #tpu.memory_space<vmem>> -> memref<2000xi32, #tpu.memory_space<vmem>>
    %dma_wait3A_437 = arith.constant 0 : i32
    %dma_wait3A_438 = arith.constant 0 : i32
    %dma_wait3A_439 = tpu.memref_slice %arg9[%dma_wait3A_437, %dma_wait3A_438] : memref<10240x16xf32, #tpu.memory_space<vmem_shared>> -> memref<10240x16xf32, #tpu.memory_space<vmem_shared>>
    tpu.wait_indirect_dma semaphore(%arg16 : memref<!tpu.dma_semaphore, #tpu.memory_space<semaphore_mem>>) src(%dma_wait3A_433 : memref<2000x16xf32, #tpu.memory_space<vmem>>) dst(%dma_wait3A_439 : memref<10240x16xf32, #tpu.memory_space<vmem_shared>>)
    %dma_wait3A_440 = arith.constant 1 : i32
    %dma_wait3A_441 = arith.constant 0 : i32
    %dma_wait3A_442 = arith.constant 0 : i32
    %dma_wait3A_443 = arith.constant 0 : i32
    %dma_wait3A_444 = tpu.memref_slice %arg7[%dma_wait3A_441, %dma_wait3A_442, %dma_wait3A_443] : memref<2x2000x16xf32, #tpu.memory_space<vmem>> -> memref<1x2000x16xf32, #tpu.memory_space<vmem>>
    %dma_wait3A_445 = tpu.memref_squeeze %dma_wait3A_444 : memref<1x2000x16xf32, #tpu.memory_space<vmem>> -> memref<2000x16xf32, #tpu.memory_space<vmem>>
    %dma_wait3A_446 = arith.constant 0 : i32
    %dma_wait3A_447 = tpu.memref_slice %arg5[%dma_wait3A_440, %dma_wait3A_446] : memref<3x2000xi32, #tpu.memory_space<vmem>> -> memref<1x2000xi32, #tpu.memory_space<vmem>>
    %dma_wait3A_448 = tpu.memref_squeeze %dma_wait3A_447 : memref<1x2000xi32, #tpu.memory_space<vmem>> -> memref<2000xi32, #tpu.memory_space<vmem>>
    %dma_wait3A_449 = arith.constant 0 : i32
    %dma_wait3A_450 = arith.constant 0 : i32
    %dma_wait3A_451 = tpu.memref_slice %arg2[%dma_wait3A_449, %dma_wait3A_450] : memref<10000x16xf32, #tpu.memory_space<hbm>> -> memref<10000x16xf32, #tpu.memory_space<hbm>>
    tpu.wait_indirect_dma semaphore(%arg13 : memref<!tpu.dma_semaphore, #tpu.memory_space<semaphore_mem>>) src(%dma_wait3A_451 : memref<10000x16xf32, #tpu.memory_space<hbm>>) dst(%dma_wait3A_445 : memref<2000x16xf32, #tpu.memory_space<vmem>>)
    %dma_start3A_452 = arith.constant 0 : i32
    %dma_start3A_453 = arith.constant 1 : i32
    %dma_start3A_454 = arith.constant 0 : i32
    %dma_start3A_455 = arith.constant 0 : i32
    %dma_start3A_456 = tpu.memref_slice %arg7[%dma_start3A_452, %dma_start3A_454, %dma_start3A_455] : memref<2x2000x16xf32, #tpu.memory_space<vmem>> -> memref<1x2000x16xf32, #tpu.memory_space<vmem>>
    %dma_start3A_457 = tpu.memref_squeeze %dma_start3A_456 : memref<1x2000x16xf32, #tpu.memory_space<vmem>> -> memref<2000x16xf32, #tpu.memory_space<vmem>>
    %dma_start3A_458 = arith.constant 0 : i32
    %dma_start3A_459 = tpu.memref_slice %arg6[%dma_start3A_453, %dma_start3A_458] : memref<3x2000xi32, #tpu.memory_space<vmem>> -> memref<1x2000xi32, #tpu.memory_space<vmem>>
    %dma_start3A_460 = tpu.memref_squeeze %dma_start3A_459 : memref<1x2000xi32, #tpu.memory_space<vmem>> -> memref<2000xi32, #tpu.memory_space<vmem>>
    %dma_start3A_461 = arith.constant 0 : i32
    %dma_start3A_462 = arith.constant 0 : i32
    %dma_start3A_463 = tpu.memref_slice %arg9[%dma_start3A_461, %dma_start3A_462] : memref<10240x16xf32, #tpu.memory_space<vmem_shared>> -> memref<10240x16xf32, #tpu.memory_space<vmem_shared>>
    tpu.enqueue_indirect_dma source(%dma_start3A_457 : memref<2000x16xf32, #tpu.memory_space<vmem>>) target(%dma_start3A_463 : memref<10240x16xf32, #tpu.memory_space<vmem_shared>>) offsets(%dma_start3A_460 : memref<2000xi32, #tpu.memory_space<vmem>>) semaphore(%arg15 : memref<!tpu.dma_semaphore, #tpu.memory_space<semaphore_mem>>) {add = true}
    %dma_wait3A_464 = arith.constant 0 : i32
    %dma_wait3A_465 = arith.constant 1 : i32
    %dma_wait3A_466 = arith.constant 0 : i32
    %dma_wait3A_467 = arith.constant 0 : i32
    %dma_wait3A_468 = tpu.memref_slice %arg7[%dma_wait3A_464, %dma_wait3A_466, %dma_wait3A_467] : memref<2x2000x16xf32, #tpu.memory_space<vmem>> -> memref<1x2000x16xf32, #tpu.memory_space<vmem>>
    %dma_wait3A_469 = tpu.memref_squeeze %dma_wait3A_468 : memref<1x2000x16xf32, #tpu.memory_space<vmem>> -> memref<2000x16xf32, #tpu.memory_space<vmem>>
    %dma_wait3A_470 = arith.constant 0 : i32
    %dma_wait3A_471 = tpu.memref_slice %arg6[%dma_wait3A_465, %dma_wait3A_470] : memref<3x2000xi32, #tpu.memory_space<vmem>> -> memref<1x2000xi32, #tpu.memory_space<vmem>>
    %dma_wait3A_472 = tpu.memref_squeeze %dma_wait3A_471 : memref<1x2000xi32, #tpu.memory_space<vmem>> -> memref<2000xi32, #tpu.memory_space<vmem>>
    %dma_wait3A_473 = arith.constant 0 : i32
    %dma_wait3A_474 = arith.constant 0 : i32
    %dma_wait3A_475 = tpu.memref_slice %arg9[%dma_wait3A_473, %dma_wait3A_474] : memref<10240x16xf32, #tpu.memory_space<vmem_shared>> -> memref<10240x16xf32, #tpu.memory_space<vmem_shared>>
    tpu.wait_indirect_dma semaphore(%arg15 : memref<!tpu.dma_semaphore, #tpu.memory_space<semaphore_mem>>) src(%dma_wait3A_469 : memref<2000x16xf32, #tpu.memory_space<vmem>>) dst(%dma_wait3A_475 : memref<10240x16xf32, #tpu.memory_space<vmem_shared>>)
    %barrier3A_476 = arith.constant 0 : index
    tpu.barrier barrier_id(%barrier3A_476)
    %mul3A_477 = arith.constant 640 : i32
    %mul3A_478 = arith.muli %arg1, %mul3A_477 : i32
    %mul3A_479 = arith.constant 10240 : i32
    %mul3A_480 = arith.muli %arg0, %mul3A_479 : i32
    %mul3A_481 = arith.constant 640 : i32
    %mul3A_482 = arith.muli %arg1, %mul3A_481 : i32
    %add3A_483 = arith.addi %mul3A_480, %mul3A_482 : i32
    "tpu.region"() ({
      %run_scoped3A = tpu.sem_alloc : memref<!tpu.dma_semaphore, #tpu.memory_space<semaphore_mem>>
      %dma_start3A_484 = arith.constant 0 : i32
      %dma_start3A_485 = tpu.memref_slice %arg4[%add3A_483, %dma_start3A_484] : memref<20480x16xf32, #tpu.memory_space<hbm>> -> memref<640x16xf32, #tpu.memory_space<hbm>>
      %dma_start3A_486 = arith.constant 0 : i32
      %dma_start3A_487 = tpu.memref_slice %arg9[%mul3A_478, %dma_start3A_486] : memref<10240x16xf32, #tpu.memory_space<vmem_shared>> -> memref<640x16xf32, #tpu.memory_space<vmem_shared>>
      tpu.enqueue_dma source(%dma_start3A_487 : memref<640x16xf32, #tpu.memory_space<vmem_shared>>) target(%dma_start3A_485 : memref<640x16xf32, #tpu.memory_space<hbm>>) target_semaphore(%run_scoped3A : memref<!tpu.dma_semaphore, #tpu.memory_space<semaphore_mem>>)
      %dma_wait3A_488 = arith.constant 0 : i32
      %dma_wait3A_489 = tpu.memref_slice %arg4[%add3A_483, %dma_wait3A_488] : memref<20480x16xf32, #tpu.memory_space<hbm>> -> memref<640x16xf32, #tpu.memory_space<hbm>>
      %dma_wait3A_490 = arith.constant 0 : i32
      %dma_wait3A_491 = tpu.memref_slice %arg9[%mul3A_478, %dma_wait3A_490] : memref<10240x16xf32, #tpu.memory_space<vmem_shared>> -> memref<640x16xf32, #tpu.memory_space<vmem_shared>>
      tpu.wait_dma2 semaphore(%run_scoped3A : memref<!tpu.dma_semaphore, #tpu.memory_space<semaphore_mem>>) src(%dma_wait3A_491 : memref<640x16xf32, #tpu.memory_space<vmem_shared>>) dst(%dma_wait3A_489 : memref<640x16xf32, #tpu.memory_space<hbm>>)
      tpu.yield
    }) : () -> ()
    return
  }
}

module attributes {stable_mosaic.version = 14 : i64} {
  func.func @_tc1a_body(%arg0: memref<1250x8x128xf32, #tpu.memory_space<vmem>>, %arg1: memref<1024x128xf32, #tpu.memory_space<vmem>>, %arg2: memref<1250x128xf32, #tpu.memory_space<vmem>>) attributes {dimension_semantics = [], scalar_prefetch = 0 : i64, scratch_operands = 0 : i64, tpu.core_type = #tpu.core_type<tc>} {
    %get3A = arith.constant 0 : index
    %get3A_0 = arith.constant 0 : index
    %get3A_1 = arith.constant 0 : index
    %get3A_2 = vector.load %arg0[%get3A, %get3A_0, %get3A_1] : memref<1250x8x128xf32, #tpu.memory_space<vmem>>, vector<1250x1x128xf32>
    %get3A_3 = vector.shape_cast %get3A_2 : vector<1250x1x128xf32> to vector<1250x128xf32>
    %get3A_4 = arith.constant 0 : index
    %get3A_5 = arith.constant 0 : index
    %get3A_6 = vector.load %arg1[%get3A_4, %get3A_5] : memref<1024x128xf32, #tpu.memory_space<vmem>>, vector<128x128xf32>
    %dot_general3A = arith.constant dense<0.000000e+00> : vector<1250x128xf32>
    %dot_general3A_7 = tpu.matmul %get3A_3, %get3A_6, %dot_general3A {dimension_numbers = #tpu.dot_dimension_numbers<[1], [0], [0], [1], [0, 0, 1, 1], [], []>, transpose_lhs_hint = false} : vector<1250x128xf32>, vector<128x128xf32>, vector<1250x128xf32> -> vector<1250x128xf32>
    %get3A_8 = arith.constant 0 : index
    %get3A_9 = arith.constant 1 : index
    %get3A_10 = arith.constant 0 : index
    %get3A_11 = vector.load %arg0[%get3A_8, %get3A_9, %get3A_10] : memref<1250x8x128xf32, #tpu.memory_space<vmem>>, vector<1250x1x128xf32>
    %get3A_12 = vector.shape_cast %get3A_11 : vector<1250x1x128xf32> to vector<1250x128xf32>
    %get3A_13 = arith.constant 128 : index
    %get3A_14 = arith.constant 0 : index
    %get3A_15 = vector.load %arg1[%get3A_13, %get3A_14] : memref<1024x128xf32, #tpu.memory_space<vmem>>, vector<128x128xf32>
    %dot_general3A_16 = arith.constant dense<0.000000e+00> : vector<1250x128xf32>
    %dot_general3A_17 = tpu.matmul %get3A_12, %get3A_15, %dot_general3A_16 {dimension_numbers = #tpu.dot_dimension_numbers<[1], [0], [0], [1], [0, 0, 1, 1], [], []>, transpose_lhs_hint = false} : vector<1250x128xf32>, vector<128x128xf32>, vector<1250x128xf32> -> vector<1250x128xf32>
    %add3A = arith.addf %dot_general3A_7, %dot_general3A_17 : vector<1250x128xf32>
    %get3A_18 = arith.constant 0 : index
    %get3A_19 = arith.constant 2 : index
    %get3A_20 = arith.constant 0 : index
    %get3A_21 = vector.load %arg0[%get3A_18, %get3A_19, %get3A_20] : memref<1250x8x128xf32, #tpu.memory_space<vmem>>, vector<1250x1x128xf32>
    %get3A_22 = vector.shape_cast %get3A_21 : vector<1250x1x128xf32> to vector<1250x128xf32>
    %get3A_23 = arith.constant 256 : index
    %get3A_24 = arith.constant 0 : index
    %get3A_25 = vector.load %arg1[%get3A_23, %get3A_24] : memref<1024x128xf32, #tpu.memory_space<vmem>>, vector<128x128xf32>
    %dot_general3A_26 = arith.constant dense<0.000000e+00> : vector<1250x128xf32>
    %dot_general3A_27 = tpu.matmul %get3A_22, %get3A_25, %dot_general3A_26 {dimension_numbers = #tpu.dot_dimension_numbers<[1], [0], [0], [1], [0, 0, 1, 1], [], []>, transpose_lhs_hint = false} : vector<1250x128xf32>, vector<128x128xf32>, vector<1250x128xf32> -> vector<1250x128xf32>
    %add3A_28 = arith.addf %add3A, %dot_general3A_27 : vector<1250x128xf32>
    %get3A_29 = arith.constant 0 : index
    %get3A_30 = arith.constant 3 : index
    %get3A_31 = arith.constant 0 : index
    %get3A_32 = vector.load %arg0[%get3A_29, %get3A_30, %get3A_31] : memref<1250x8x128xf32, #tpu.memory_space<vmem>>, vector<1250x1x128xf32>
    %get3A_33 = vector.shape_cast %get3A_32 : vector<1250x1x128xf32> to vector<1250x128xf32>
    %get3A_34 = arith.constant 384 : index
    %get3A_35 = arith.constant 0 : index
    %get3A_36 = vector.load %arg1[%get3A_34, %get3A_35] : memref<1024x128xf32, #tpu.memory_space<vmem>>, vector<128x128xf32>
    %dot_general3A_37 = arith.constant dense<0.000000e+00> : vector<1250x128xf32>
    %dot_general3A_38 = tpu.matmul %get3A_33, %get3A_36, %dot_general3A_37 {dimension_numbers = #tpu.dot_dimension_numbers<[1], [0], [0], [1], [0, 0, 1, 1], [], []>, transpose_lhs_hint = false} : vector<1250x128xf32>, vector<128x128xf32>, vector<1250x128xf32> -> vector<1250x128xf32>
    %add3A_39 = arith.addf %add3A_28, %dot_general3A_38 : vector<1250x128xf32>
    %get3A_40 = arith.constant 0 : index
    %get3A_41 = arith.constant 4 : index
    %get3A_42 = arith.constant 0 : index
    %get3A_43 = vector.load %arg0[%get3A_40, %get3A_41, %get3A_42] : memref<1250x8x128xf32, #tpu.memory_space<vmem>>, vector<1250x1x128xf32>
    %get3A_44 = vector.shape_cast %get3A_43 : vector<1250x1x128xf32> to vector<1250x128xf32>
    %get3A_45 = arith.constant 512 : index
    %get3A_46 = arith.constant 0 : index
    %get3A_47 = vector.load %arg1[%get3A_45, %get3A_46] : memref<1024x128xf32, #tpu.memory_space<vmem>>, vector<128x128xf32>
    %dot_general3A_48 = arith.constant dense<0.000000e+00> : vector<1250x128xf32>
    %dot_general3A_49 = tpu.matmul %get3A_44, %get3A_47, %dot_general3A_48 {dimension_numbers = #tpu.dot_dimension_numbers<[1], [0], [0], [1], [0, 0, 1, 1], [], []>, transpose_lhs_hint = false} : vector<1250x128xf32>, vector<128x128xf32>, vector<1250x128xf32> -> vector<1250x128xf32>
    %add3A_50 = arith.addf %add3A_39, %dot_general3A_49 : vector<1250x128xf32>
    %get3A_51 = arith.constant 0 : index
    %get3A_52 = arith.constant 5 : index
    %get3A_53 = arith.constant 0 : index
    %get3A_54 = vector.load %arg0[%get3A_51, %get3A_52, %get3A_53] : memref<1250x8x128xf32, #tpu.memory_space<vmem>>, vector<1250x1x128xf32>
    %get3A_55 = vector.shape_cast %get3A_54 : vector<1250x1x128xf32> to vector<1250x128xf32>
    %get3A_56 = arith.constant 640 : index
    %get3A_57 = arith.constant 0 : index
    %get3A_58 = vector.load %arg1[%get3A_56, %get3A_57] : memref<1024x128xf32, #tpu.memory_space<vmem>>, vector<128x128xf32>
    %dot_general3A_59 = arith.constant dense<0.000000e+00> : vector<1250x128xf32>
    %dot_general3A_60 = tpu.matmul %get3A_55, %get3A_58, %dot_general3A_59 {dimension_numbers = #tpu.dot_dimension_numbers<[1], [0], [0], [1], [0, 0, 1, 1], [], []>, transpose_lhs_hint = false} : vector<1250x128xf32>, vector<128x128xf32>, vector<1250x128xf32> -> vector<1250x128xf32>
    %add3A_61 = arith.addf %add3A_50, %dot_general3A_60 : vector<1250x128xf32>
    %get3A_62 = arith.constant 0 : index
    %get3A_63 = arith.constant 6 : index
    %get3A_64 = arith.constant 0 : index
    %get3A_65 = vector.load %arg0[%get3A_62, %get3A_63, %get3A_64] : memref<1250x8x128xf32, #tpu.memory_space<vmem>>, vector<1250x1x128xf32>
    %get3A_66 = vector.shape_cast %get3A_65 : vector<1250x1x128xf32> to vector<1250x128xf32>
    %get3A_67 = arith.constant 768 : index
    %get3A_68 = arith.constant 0 : index
    %get3A_69 = vector.load %arg1[%get3A_67, %get3A_68] : memref<1024x128xf32, #tpu.memory_space<vmem>>, vector<128x128xf32>
    %dot_general3A_70 = arith.constant dense<0.000000e+00> : vector<1250x128xf32>
    %dot_general3A_71 = tpu.matmul %get3A_66, %get3A_69, %dot_general3A_70 {dimension_numbers = #tpu.dot_dimension_numbers<[1], [0], [0], [1], [0, 0, 1, 1], [], []>, transpose_lhs_hint = false} : vector<1250x128xf32>, vector<128x128xf32>, vector<1250x128xf32> -> vector<1250x128xf32>
    %add3A_72 = arith.addf %add3A_61, %dot_general3A_71 : vector<1250x128xf32>
    %get3A_73 = arith.constant 0 : index
    %get3A_74 = arith.constant 7 : index
    %get3A_75 = arith.constant 0 : index
    %get3A_76 = vector.load %arg0[%get3A_73, %get3A_74, %get3A_75] : memref<1250x8x128xf32, #tpu.memory_space<vmem>>, vector<1250x1x128xf32>
    %get3A_77 = vector.shape_cast %get3A_76 : vector<1250x1x128xf32> to vector<1250x128xf32>
    %get3A_78 = arith.constant 896 : index
    %get3A_79 = arith.constant 0 : index
    %get3A_80 = vector.load %arg1[%get3A_78, %get3A_79] : memref<1024x128xf32, #tpu.memory_space<vmem>>, vector<128x128xf32>
    %dot_general3A_81 = arith.constant dense<0.000000e+00> : vector<1250x128xf32>
    %dot_general3A_82 = tpu.matmul %get3A_77, %get3A_80, %dot_general3A_81 {dimension_numbers = #tpu.dot_dimension_numbers<[1], [0], [0], [1], [0, 0, 1, 1], [], []>, transpose_lhs_hint = false} : vector<1250x128xf32>, vector<128x128xf32>, vector<1250x128xf32> -> vector<1250x128xf32>
    %add3A_83 = arith.addf %add3A_72, %dot_general3A_82 : vector<1250x128xf32>
    %swap3A = arith.constant 0 : index
    %swap3A_84 = arith.constant 0 : index
    %swap3A_85 = vector.load %arg2[%swap3A, %swap3A_84] : memref<1250x128xf32, #tpu.memory_space<vmem>>, vector<1250x128xf32>
    tpu.vector_store %arg2[%swap3A, %swap3A_84], %add3A_83 {strides = array<i32>} : memref<1250x128xf32, #tpu.memory_space<vmem>>, vector<1250x128xf32>,
    return
  }
}

module attributes {stable_mosaic.version = 14 : i64} {
  func.func @_tc1b_body(%arg0: memref<1250x128xf32, #tpu.memory_space<vmem>>, %arg1: memref<1250x8x2xf32, #tpu.memory_space<vmem>>, %arg2: memref<8x128xf32, #tpu.memory_space<vmem>>, %arg3: memref<1250x128xf32, #tpu.memory_space<vmem>>, %arg4: memref<1250x128xf32, #tpu.memory_space<vmem>>) attributes {dimension_semantics = [], scalar_prefetch = 0 : i64, scratch_operands = 0 : i64, tpu.core_type = #tpu.core_type<tc>} {
    %get3A = arith.constant 0 : index
    %get3A_0 = arith.constant 0 : index
    %get3A_1 = arith.constant 0 : index
    %get3A_2 = vector.load %arg1[%get3A, %get3A_0, %get3A_1] : memref<1250x8x2xf32, #tpu.memory_space<vmem>>, vector<1250x8x1xf32>
    %get3A_3 = vector.shape_cast %get3A_2 : vector<1250x8x1xf32> to vector<1250x8xf32>
    %get3A_4 = arith.constant 0 : index
    %get3A_5 = arith.constant 0 : index
    %get3A_6 = arith.constant 1 : index
    %get3A_7 = vector.load %arg1[%get3A_4, %get3A_5, %get3A_6] : memref<1250x8x2xf32, #tpu.memory_space<vmem>>, vector<1250x8x1xf32>
    %get3A_8 = vector.shape_cast %get3A_7 : vector<1250x8x1xf32> to vector<1250x8xf32>
    %add3A = arith.addf %get3A_3, %get3A_8 : vector<1250x8xf32>
    %add3A_9 = arith.constant 1.000000e+00 : f32
    %add3A_10 = vector.broadcast %add3A_9 : f32 to vector<1250x8xf32>
    %add3A_11 = arith.addf %add3A, %add3A_10 : vector<1250x8xf32>
    %get3A_12 = arith.constant 0 : index
    %get3A_13 = arith.constant 0 : index
    %get3A_14 = vector.load %arg2[%get3A_12, %get3A_13] : memref<8x128xf32, #tpu.memory_space<vmem>>, vector<8x128xf32>
    %dot_general3A = arith.constant dense<0.000000e+00> : vector<1250x128xf32>
    %dot_general3A_15 = tpu.matmul %add3A_11, %get3A_14, %dot_general3A {dimension_numbers = #tpu.dot_dimension_numbers<[1], [0], [0], [1], [0, 0, 1, 1], [], []>, transpose_lhs_hint = false} : vector<1250x8xf32>, vector<8x128xf32>, vector<1250x128xf32> -> vector<1250x128xf32>
    %rsqrt3A = math.rsqrt %dot_general3A_15 : vector<1250x128xf32>
    %get3A_16 = arith.constant 0 : index
    %get3A_17 = arith.constant 0 : index
    %get3A_18 = vector.load %arg0[%get3A_16, %get3A_17] : memref<1250x128xf32, #tpu.memory_space<vmem>>, vector<1250x128xf32>
    %mul3A = arith.mulf %get3A_18, %rsqrt3A : vector<1250x128xf32>
    %swap3A = arith.constant 0 : index
    %swap3A_19 = arith.constant 0 : index
    %swap3A_20 = vector.load %arg3[%swap3A, %swap3A_19] : memref<1250x128xf32, #tpu.memory_space<vmem>>, vector<1250x128xf32>
    tpu.vector_store %arg3[%swap3A, %swap3A_19], %mul3A {strides = array<i32>} : memref<1250x128xf32, #tpu.memory_space<vmem>>, vector<1250x128xf32>,
    %swap3A_21 = arith.constant 0 : index
    %swap3A_22 = arith.constant 0 : index
    %swap3A_23 = vector.load %arg4[%swap3A_21, %swap3A_22] : memref<1250x128xf32, #tpu.memory_space<vmem>>, vector<1250x128xf32>
    tpu.vector_store %arg4[%swap3A_21, %swap3A_22], %rsqrt3A {strides = array<i32>} : memref<1250x128xf32, #tpu.memory_space<vmem>>, vector<1250x128xf32>,
    return
  }
}

module attributes {stable_mosaic.version = 14 : i64} {
  func.func @_tc2_body(%arg0: memref<2560x128xf32, #tpu.memory_space<vmem>>, %arg1: memref<1250x128xf32, #tpu.memory_space<vmem>>, %arg2: memref<1250x128xf32, #tpu.memory_space<vmem>>, %arg3: memref<1x128xf32, #tpu.memory_space<vmem>>, %arg4: memref<128x128xf32, #tpu.memory_space<vmem>>, %arg5: memref<1250x128xf32, #tpu.memory_space<vmem>>) attributes {dimension_semantics = [], scalar_prefetch = 0 : i64, scratch_operands = 0 : i64, tpu.core_type = #tpu.core_type<tc>} {
    %get3A = arith.constant 0 : index
    %get3A_0 = arith.constant 0 : index
    %get3A_1 = vector.load %arg0[%get3A, %get3A_0] : memref<2560x128xf32, #tpu.memory_space<vmem>>, vector<1250x128xf32>
    %get3A_2 = arith.constant 1280 : index
    %get3A_3 = arith.constant 0 : index
    %get3A_4 = vector.load %arg0[%get3A_2, %get3A_3] : memref<2560x128xf32, #tpu.memory_space<vmem>>, vector<1250x128xf32>
    %add3A = arith.addf %get3A_1, %get3A_4 : vector<1250x128xf32>
    %get3A_5 = arith.constant 0 : index
    %get3A_6 = arith.constant 0 : index
    %get3A_7 = vector.load %arg1[%get3A_5, %get3A_6] : memref<1250x128xf32, #tpu.memory_space<vmem>>, vector<1250x128xf32>
    %add3A_8 = arith.addf %add3A, %get3A_7 : vector<1250x128xf32>
    %get3A_9 = arith.constant 0 : index
    %get3A_10 = arith.constant 0 : index
    %get3A_11 = vector.load %arg2[%get3A_9, %get3A_10] : memref<1250x128xf32, #tpu.memory_space<vmem>>, vector<1250x128xf32>
    %mul3A = arith.mulf %get3A_11, %add3A_8 : vector<1250x128xf32>
    %get3A_12 = arith.constant 0 : index
    %get3A_13 = arith.constant 0 : index
    %get3A_14 = vector.load %arg3[%get3A_12, %get3A_13] : memref<1x128xf32, #tpu.memory_space<vmem>>, vector<1x128xf32>
    %add3A_15 = vector.broadcast %get3A_14 : vector<1x128xf32> to vector<1250x128xf32>
    %add3A_16 = arith.addf %mul3A, %add3A_15 : vector<1250x128xf32>
    %max3A = arith.constant 0.000000e+00 : f32
    %max3A_17 = vector.broadcast %max3A : f32 to vector<1250x128xf32>
    %max3A_18 = arith.maximumf %add3A_16, %max3A_17 : vector<1250x128xf32>
    %get3A_19 = arith.constant 0 : index
    %get3A_20 = arith.constant 0 : index
    %get3A_21 = vector.load %arg4[%get3A_19, %get3A_20] : memref<128x128xf32, #tpu.memory_space<vmem>>, vector<128x128xf32>
    %dot_general3A = arith.constant dense<0.000000e+00> : vector<1250x128xf32>
    %dot_general3A_22 = tpu.matmul %max3A_18, %get3A_21, %dot_general3A {dimension_numbers = #tpu.dot_dimension_numbers<[1], [0], [0], [1], [0, 0, 1, 1], [], []>, transpose_lhs_hint = false} : vector<1250x128xf32>, vector<128x128xf32>, vector<1250x128xf32> -> vector<1250x128xf32>
    %get3A_23 = arith.constant 0 : index
    %get3A_24 = arith.constant 0 : index
    %get3A_25 = vector.load %arg2[%get3A_23, %get3A_24] : memref<1250x128xf32, #tpu.memory_space<vmem>>, vector<1250x128xf32>
    %mul3A_26 = arith.mulf %dot_general3A_22, %get3A_25 : vector<1250x128xf32>
    %swap3A = arith.constant 0 : index
    %swap3A_27 = arith.constant 0 : index
    %swap3A_28 = vector.load %arg5[%swap3A, %swap3A_27] : memref<1250x128xf32, #tpu.memory_space<vmem>>, vector<1250x128xf32>
    tpu.vector_store %arg5[%swap3A, %swap3A_27], %mul3A_26 {strides = array<i32>} : memref<1250x128xf32, #tpu.memory_space<vmem>>, vector<1250x128xf32>,
    return
  }
}

module attributes {stable_mosaic.version = 14 : i64} {
  func.func @_tc3_body(%arg0: memref<2560x128xf32, #tpu.memory_space<vmem>>, %arg1: memref<1250x128xf32, #tpu.memory_space<vmem>>, %arg2: memref<1250x128xf32, #tpu.memory_space<vmem>>, %arg3: memref<1x128xf32, #tpu.memory_space<vmem>>, %arg4: memref<1250x128xf32, #tpu.memory_space<vmem>>) attributes {dimension_semantics = [], scalar_prefetch = 0 : i64, scratch_operands = 0 : i64, tpu.core_type = #tpu.core_type<tc>} {
    %get3A = arith.constant 0 : index
    %get3A_0 = arith.constant 0 : index
    %get3A_1 = vector.load %arg0[%get3A, %get3A_0] : memref<2560x128xf32, #tpu.memory_space<vmem>>, vector<1250x128xf32>
    %get3A_2 = arith.constant 1280 : index
    %get3A_3 = arith.constant 0 : index
    %get3A_4 = vector.load %arg0[%get3A_2, %get3A_3] : memref<2560x128xf32, #tpu.memory_space<vmem>>, vector<1250x128xf32>
    %add3A = arith.addf %get3A_1, %get3A_4 : vector<1250x128xf32>
    %get3A_5 = arith.constant 0 : index
    %get3A_6 = arith.constant 0 : index
    %get3A_7 = vector.load %arg1[%get3A_5, %get3A_6] : memref<1250x128xf32, #tpu.memory_space<vmem>>, vector<1250x128xf32>
    %add3A_8 = arith.addf %add3A, %get3A_7 : vector<1250x128xf32>
    %get3A_9 = arith.constant 0 : index
    %get3A_10 = arith.constant 0 : index
    %get3A_11 = vector.load %arg2[%get3A_9, %get3A_10] : memref<1250x128xf32, #tpu.memory_space<vmem>>, vector<1250x128xf32>
    %mul3A = arith.mulf %get3A_11, %add3A_8 : vector<1250x128xf32>
    %get3A_12 = arith.constant 0 : index
    %get3A_13 = arith.constant 0 : index
    %get3A_14 = vector.load %arg3[%get3A_12, %get3A_13] : memref<1x128xf32, #tpu.memory_space<vmem>>, vector<1x128xf32>
    %add3A_15 = vector.broadcast %get3A_14 : vector<1x128xf32> to vector<1250x128xf32>
    %add3A_16 = arith.addf %mul3A, %add3A_15 : vector<1250x128xf32>
    %swap3A = arith.constant 0 : index
    %swap3A_17 = arith.constant 0 : index
    %swap3A_18 = vector.load %arg4[%swap3A, %swap3A_17] : memref<1250x128xf32, #tpu.memory_space<vmem>>, vector<1250x128xf32>
    tpu.vector_store %arg4[%swap3A, %swap3A_17], %add3A_16 {strides = array<i32>} : memref<1250x128xf32, #tpu.memory_space<vmem>>, vector<1250x128xf32>,
    return
  }
}

</mosaic_0001>

<sc_bundles>
// kernel: kernel.12.cloned.1.call-start
scs
__scs_entry_jumppad:
0x0: {  	(pc) =	sbr.rel $0x88, $3  }
0x1: {  	(tag) =	ssettag $0x0;
	lr =	simm.s32 $0x1  }
0x2: {  	[smem:$0x3F9B] =	sst lr;
	_ =	strace $0xD0000000  }
0x3: {  	_ = 	snop  }
0x4: {  	_ = 	snop  }
0x5: {  	_ = 	snop  }
0x6: {  	_ = 	snop  }
0x7: {  	_ = 	snop  }
__scs_overlays_trampoline_lowered:
0x8: {  	[smem:$0x3FAA] =	sst s0  }
0x9: {  	[smem:$0x3FAB] =	sst s1  }
0xa: {  	[smem:$0x3FAC] =	sst s2  }
0xb: {  	[smem:$0x3FAD] =	sst s3  }
0xc: {  	[smem:$0x3FAE] =	sst s4  }
0xd: {  	[smem:$0x3FAF] =	sst s5  }
0xe: {  	[smem:$0x3FB0] =	sst s6  }
0xf: {  	[smem:$0x3FB1] =	sst s7  }
0x10: {  	[smem:$0x3FB2] =	sst s8  }
0x11: {  	[smem:$0x3FB3] =	sst s9;
	s0 =	simm.s32 @!p0 $0x0  }
0x12: {  	s1 =	sld [smem:$0x3F99];
	s0 =	simm.s32 @p0 $0x1  }
0x13: {  	[smem:$0x3FB4] =	sst s0;
	s0 =	simm.s32 @!p1 $0x0  }
0x14: {  	s2 =	sld [smem:$0x3F98];
	s0 =	simm.s32 @p1 $0x1  }
0x15: {  	[smem:$0x3FB5] =	sst s0;
	s0 =	simm.s32 @!p2 $0x0  }
0x16: {  	s3 =	sld [smem:$0x3FDB];
	s0 =	simm.s32 @p2 $0x1  }
0x17: {  	s4 =	simm.s32 $0x1BF5;
	[smem:$0x3FB7] =	sst s0  }
0x18: {  	s0 =	sld [smem:$0x3F9A];
	_ =	swait.ge [sflag:s4], $0x0  }
0x19: {  	s7 =	sld [smem:$0x3F9B]  }
0x1a: {  	s8 =	sadd.s32 $0xFFFFE003, lr  }
0x1b: {  	s9 =	sadd.s32 $0xFFFFFEF7, lr;
	s5 =	simm.s32 $0xFFFFFFFF;
	p2 =	slt.u32 s8, $0xFFFFF086  }
0x1c: {  	p1 =	slt.u32 s9, $0xF7A;
	s5 =	simm.s32 @!p2 $0x0  }
0x1d: {  	s5 =	simm.s32 @p1 $0x1;
	p0 =	seq.s32 s7, s2  }
0x1e: {  	s7 =	smul.u32 @!p0 $0xF7A, s2;
	p2 =	seq.s32 @!p0 s5, $0x0  }
0x1f: {  	s9 =	smul.u32 $0xF7A, s1;
	s8 =	simm.s32 @!p0 $0x1BF5;
	p2 =	por !p2, p0  }
0x20: {  	[sflag:s8] =	ssyncset.s32 @!p0 $0xFFFFF086;
	s6 =	sadd.s32 @!p0 s3, s7;
	s7 =	simm.s32 @!p0 $0x108  }
0x21: {  	s3 =	sadd.s32 s3, s9;
	s6 =	sadd.s32 @!p0 $0x88, s6;
	s7 =	simm.s32 @p2 $0x1082  }
0x22: {  	[simem:s7], [sflag:s8] =	dma.local @!p0 [hbm:s6], $0xF7A  }
0x23: {  	s9 =	sor.u32 $0xD0000000, s2;
	s6 =	simm.s32 $0x108;
	_ =	swait.ge @!p0 [sflag:s8], $0x0  }
0x24: {  	s3 =	sadd.s32 $0x88, s3;
	s6 =	simm.s32 @!p1 $0x1082;
	[sflag:s4] =	ssyncset.s32 $0xFFFFF086  }
0x25: {  	[simem:s6], [sflag:s4] =	dma.local [hbm:s3], $0xF7A  }
0x26: {  	[smem:$0x3F9B] =	sst s1;
	(tag) =	ssettag s2;
	_ =	strace s9  }
0x27: {  	s1 =	sld [smem:$0x3FAB]  }
0x28: {  	s2 =	sld [smem:$0x3FAC]  }
0x29: {  	s4 =	sld [smem:$0x3FAE]  }
0x2a: {  	p0 =	seq.s32 s5, $0x0;
	s5 =	sld [smem:$0x3FAF]  }
0x2b: {  	s6 =	sld [smem:$0x3FB0]  }
0x2c: {  	s7 =	sld [smem:$0x3FB1]  }
0x2d: {  	s3 =	simm.s32 $0x108;
	s8 =	sld [smem:$0x3FB2]  }
0x2e: {  	s3 =	simm.s32 @!p0 $0x1082;
	s9 =	sld [smem:$0x3FB3]  }
0x2f: {  	lr =	sadd.s32 s0, s3;
	s0 =	sld [smem:$0x3FAA]  }
0x30: {  	s3 =	sld [smem:$0x3FAD]  }
0x31: {  	[smem:$0x3FB6] =	sst s10  }
0x32: {  	s10 =	sld [smem:$0x3FB4];
	_ =	sdelay $0x3  }
0x33: {  	p0 =	seq.s32 s10, $0x1;
	s10 =	sld [smem:$0x3FB6];
	_ =	sdelay $0x3  }
0x34: {  	[smem:$0x3FB6] =	sst s10  }
0x35: {  	s10 =	sld [smem:$0x3FB5];
	_ =	sdelay $0x3  }
0x36: {  	p1 =	seq.s32 s10, $0x1;
	s10 =	sld [smem:$0x3FB6];
	_ =	sdelay $0x3  }
0x37: {  	[smem:$0x3FB6] =	sst s10  }
0x38: {  	s10 =	sld [smem:$0x3FB7]  }
0x39: {  	_ = 	snop;
	(pc) =	sbr.ind lr, $3  }
0x3a: {  	_ = 	snop  }
0x3b: {  	_ = 	snop  }
0x3c: {  	p2 =	seq.s32 s10, $0x1;
	s10 =	sld [smem:$0x3FB6]  }
0x3d: {  	_ =	shalt  }
0x3e: {  	_ =	shalt  }
0x3f: {  	_ =	shalt  }
0x40: {  	_ =	shalt  }
0x41: {  	_ =	shalt  }
0x42: {  	_ =	shalt  }
0x43: {  	_ =	shalt  }
0x44: {  	_ =	shalt  }
0x45: {  	_ =	shalt  }
0x46: {  	_ =	shalt  }
0x47: {  	_ =	shalt  }
0x48: {  	_ =	shalt  }
0x49: {  	_ =	shalt  }
0x4a: {  	_ =	shalt  }
0x4b: {  	_ =	shalt  }
0x4c: {  	_ =	shalt  }
0x4d: {  	_ =	shalt  }
0x4e: {  	_ =	shalt  }
0x4f: {  	_ =	shalt  }
0x50: {  	_ =	shalt  }
0x51: {  	_ =	shalt  }
0x52: {  	_ =	shalt  }
0x53: {  	_ =	shalt  }
0x54: {  	_ =	shalt  }
0x55: {  	_ =	shalt  }
0x56: {  	_ =	shalt  }
0x57: {  	_ =	shalt  }
0x58: {  	_ =	shalt  }
0x59: {  	_ =	shalt  }
0x5a: {  	_ =	shalt  }
0x5b: {  	_ =	shalt  }
0x5c: {  	_ =	shalt  }
0x5d: {  	_ =	shalt  }
0x5e: {  	_ =	shalt  }
0x5f: {  	_ =	shalt  }
0x60: {  	_ =	shalt  }
0x61: {  	_ =	shalt  }
0x62: {  	_ =	shalt  }
0x63: {  	_ =	shalt  }
0x64: {  	_ =	shalt  }
0x65: {  	_ =	shalt  }
0x66: {  	_ =	shalt  }
0x67: {  	_ =	shalt  }
0x68: {  	_ =	shalt  }
0x69: {  	_ =	shalt  }
0x6a: {  	_ =	shalt  }
0x6b: {  	_ =	shalt  }
0x6c: {  	_ =	shalt  }
0x6d: {  	_ =	shalt  }
0x6e: {  	_ =	shalt  }
0x6f: {  	_ =	shalt  }
0x70: {  	_ =	shalt  }
0x71: {  	_ =	shalt  }
0x72: {  	_ =	shalt  }
0x73: {  	_ =	shalt  }
0x74: {  	_ =	shalt  }
0x75: {  	_ =	shalt  }
0x76: {  	_ =	shalt  }
0x77: {  	_ =	shalt  }
0x78: {  	_ =	shalt  }
0x79: {  	_ =	shalt  }
0x7a: {  	_ =	shalt  }
0x7b: {  	_ =	shalt  }
0x7c: {  	_ =	shalt  }
0x7d: {  	_ =	shalt  }
0x7e: {  	_ =	shalt  }
0x7f: {  	_ =	shalt  }
0x80: {  	_ =	shalt  }
0x81: {  	_ =	shalt  }
0x82: {  	_ =	shalt  }
0x83: {  	_ =	shalt  }
0x84: {  	_ =	shalt  }
0x85: {  	_ =	shalt  }
0x86: {  	_ =	shalt  }
0x87: {  	_ =	shalt  }
.Lfunc_end0:
.L_simem_size_0:
called_computation.1_lowered:
.L_overlay_start_0:
0x88: {  	s2 =	sld [smem:$0x3FD9]  }
0x89: {  	s3 =	sld [smem:$0x3FFE];
	_ =	sdelay $0x1  }
0x8a: {  	s1 =	srdreg.scid  }
0x8b: {  	s0 =	sand.u32 $0x1, s1  }
0x8c: {  	s17 =	sshll.u32 s0, $0xA;
	s2 =	sadd.s32 s3, s2  }
0x8d: {  	s2 =	sadd.s32 s2, s17  }
0x8e: {  	[smem:$0x3FC2] =	sst s2  }
0x8f: {  	_ = 	snop  }
0x90: {  	s2 =	sld [smem:$0x3FD0];
	(tm) =	ssettm $0x1  }
0x91: {  	s18 =	sld [smem:$0x3FFB];
	_ =	sdelay $0x3  }
0x92: {  	_ =	strace s18  }
0x93: {  	s3 =	sld [smem:$0x3FFC];
	_ =	sdelay $0x3  }
0x94: {  	_ =	strace s3  }
0x95: {  	s3 =	sld [smem:$0x3FFD];
	_ =	sdelay $0x3  }
0x96: {  	_ =	strace s3  }
0x97: {  	_ =	strace $0x8FFFFFFF  }
0x98: {  	s19 =	sld [smem:$0x3FDB];
	_ =	sdelay $0x1  }
0x99: {  	s4 =	simm.s32 $_scs_section_size  }
0x9a: {  	s5 =	simm.s32 $_size__tile_overlayer_lowered;
	s6 =	simm.s32 $_tile_overlayer_lowered  }
0x9b: {  	s22 =	simm.s32 $0x1BFF;
	s21 =	sshll.u32 s6, $0x1;
	s3 =	sadd.s32 s4, s19  }
0x9c: {  	s7 =	simm.s32 $0x0;
	s20 =	sshll.u32 s5, $0x1;
	s5 =	sadd.s32 s21, s3  }
0x9d: {  	[timem:s7], [sflag:s22] =	dma.local [hbm:s5], s20  }
0x9e: {  	_ =	swait.ge [sflag:s22], s20  }
0x9f: {  	s4 =	ssub.s32 $0x0, s20;
	[sflag:s22] =	ssyncset.done $0x0  }
0xa0: {  	[sflag:s22] =	ssyncadd.s32 s4;
	_ =	sdelay $0x1  }
0xa1: {  	s23 =	simm.s32 $0x1B8B  }
0xa2: {  	_ =	swait.ge [sflag:s23], $0x1  }
0xa3: {  	[sflag:s23] =	ssyncset.done $0x0  }
0xa4: {  	s25 =	simm.s32 $0x1B8E;
	s24 =	sld [smem:$0x3FFE];
	[sflag:s23] =	ssyncadd.s32 $0xFFFFFFFF  }
0xa5: {  	s26 =	simm.s32 $execute0_lowered;
	[smem:$0x3FD2] =	sst s25  }
0xa6: {  	s5 =	sshll.u32 s26, $0x1;
	_ =	strace $0x80000049;
	[dreg:$0x1] =	wrdreg $0xFFFFFFFF  }
0xa7: {  	s28 =	simm.s32 $_size_execute0_lowered;
	s3 =	sadd.s32 s3, s5;
	[dreg:$0x0] =	wrdreg $0x0  }
0xa8: {  	s5 =	sshll.u32 s28, $0x1;
	[dreg:$0x2] =	wrdreg s3  }
0xa9: {  	[dreg:$0x3] =	wrdreg s5  }
0xaa: {  	[dreg:$0x4] =	wrdreg $0xC0  }
0xab: {  	_ =	task [dreg:s7], $0x5FFFF  }
0xac: {  	[dreg:$0x1] =	wrdreg $0xFFFFFFFF  }
0xad: {  	[dreg:$0x0] =	wrdreg $0x60  }
0xae: {  	[dreg:$0x2] =	wrdreg s2  }
0xaf: {  	[dreg:$0x3] =	wrdreg s24  }
0xb0: {  	[dreg:$0x4] =	wrdreg $0x150E00  }
0xb1: {  	[dreg:$0x5] =	wrdreg $0x9  }
0xb2: {  	_ =	task.clear_ibuf [dreg:s7], $0x6FFFF;
	_ =	strace $0x90000049  }
0xb3: {  	s29 =	simm.s32 $0x9;
	_ =	strace $0x8000004B  }
0xb4: {  	_ =	swait.ge [sflag:s29], $0x1  }
0xb5: {  	[sflag:s29] =	ssyncadd.s32 $0xFFFFFFFF  }
0xb6: {  	_ =	strace $0x9000004B  }
0xb7: {  	_ =	sfence  }
0xb8: {  	s30 =	sld [smem:$0x0];
	_ =	sdelay $0x2  }
0xb9: {  	s31 =	sshll.u32 s1, $0xD;
	s1 =	sshrl.u32 s1, $0x2  }
0xba: {  	s3 =	sand.u32 $0x4000, s31;
	s1 =	sadd.s32 s1, s30  }
0xbb: {  	s0 =	sor.u32 s3, s0;
	s1 =	sshll.u32 s1, $0x11  }
0xbc: {  	s0 =	sor.u32 s1, s0  }
0xbd: {  	s0 =	sadd.s32 $0x8F2B, s0  }
0xbe: {  	[sflag:s0] =	ssyncadd.remote.s32 $0x1  }
0xbf: {  	_ =	sfence.sel $0xFFFF  }
0xc0: {  	[dreg:$0x0] =	wrdreg $0xFFFFFFFF;
	(pc) =	sbr.abs _section_cstart, $3  }
0xc1: {  	[dreg:$0x1] =	wrdreg $0xFFFFFFFF  }
0xc2: {  	_ =	task.clear_ibuf [dreg:s7], $0x2FFFF;
	_ =	strace $0x9FFFFFFF  }
0xc3: {  	(tm) =	ssettm $0x7FFFFFFF  }
tec
execute0_lowered:
.L_overlay_start_1:
0x0: {  	(tag) =	ssettag $0x1  }
0x1: {  	s0 =	srdreg.scid;
	s1 =	rddreg [dreg:$0x0]  }
0x2: {  	s8 =	stileid.u32;
	s5 =	rddreg [dreg:$0x1]  }
0x3: {  	s3 =	rddreg [dreg:$0x2];
	s4 =	simm.s32 $0x0;
	s18 =	simm.s32 $0x1770  }
0x4: {  	s19 =	simm.s32 $0x7D0;
	s20 =	simm.s32 $0x1F40;
	s21 =	simm.s32 $0xFA0  }
0x5: {  	s28 =	simm.s32 $0x4;
	s29 =	simm.s32 $0x2;
	s30 =	simm.s32 $0xABE0  }
0x6: {  	s31 =	simm.s32 $0x6;
	s0 =	sand.u32 $0x1, s0;
	s6 =	smul.u32 $0x500, s8  }
0x7: {  	s2 =	sshll.u32 s8, $0x1;
	[smem:$0x7FF] =	sst s4;
	s24 =	smul.u32 $0xA000, s8  }
0x8: {  	s2 =	sor.u32 s0, s2;
	s7 =	smul.u32 $0x5000, s0;
	s0 =	ssub.s32 $0x2, s0  }
0x9: {  	_ =	strace $0x8000004A;
	s2 =	smul.u32 $0x2710, s2;
	s22 =	sshrl.u32 s0, $0x1  }
0xa: {  	s6 =	sadd.s32 s6, s7;
	s0 =	ssub.s32 s0, s22;
	s22 =	simm.s32 $0x2710  }
0xb: {  	s2 =	sshrl.u32 s2, $0x3;
	s17 =	smax.u32 s0, $0x1;
	s0 =	simm.s32 $0x3  }
0xc: {  	s2 =	sadd.s32 s2, s5;
	s5 =	sadd.s32 s6, s5;
	s6 =	sshrl.u32 s24, $0x2  }
0xd: {  	s24 =	simm.s32 $0x8;
	s23 =	sadd.s32 $0x2A00, s2;
	s25 =	sadd.s32 $0xC640, s2  }
0xe: {  	s26 =	sadd.s32 $0x2AFA, s2;
	s8 =	sadd.s32 $0xC73A, s2;
	s9 =	sadd.s32 $0x2BF4, s2  }
0xf: {  	s10 =	sadd.s32 $0xC834, s2;
	s11 =	sadd.s32 s6, s3;
	s12 =	sadd.s32 $0x2CEE, s2  }
0x10: {  	s13 =	sadd.s32 $0xC92E, s2;
	s14 =	sadd.s32 $0x2DE8, s2;
	[dreg:$0x4] =	wrdreg s23  }
0x11: {  	s15 =	sadd.s32 $0xCA28, s2;
	s16 =	sadd.s32 $0x16400, s5;
	[dreg:$0x5] =	wrdreg s25  }
0x12: {  	s2 =	simm.s32 $0x5;
	s5 =	simm.s32 $0x0;
	[dreg:$0x6] =	wrdreg s26  }
0x13: {  	v0 =	vimm.f32 $0.0e+00;
	s25 =	simm.s32 $0x1;
	s26 =	simm.s32 $0x2EE0;
	s23 =	simm.s32 $0x7  }
.LBB2_1:
0x14: {  	s6 =	rddreg [dreg:$0x4]  }
0x15: {  	[tilespmem:s4], [sflag:$0x1] =	stream.linear.gather [hbm4b:s6+s4], $0x7D0, $0x38;
	[tilespmem:$0x178E0] =	vst v63  }
0x16: {  	s7 =	rddreg [dreg:$0x5]  }
0x17: {  	[tilespmem:s18], [sflag:$0x1] =	stream.linear.gather [hbm4b:s7+s4], $0x7D0, $0x38;
	[tilespmem:$0x178E0] =	vst v63  }
0x18: {  	s7 =	rddreg [dreg:$0x6]  }
0x19: {  	[tilespmem:s19], [sflag:$0x2] =	stream.linear.gather [hbm4b:s7+s4], $0x7D0, $0x38;
	[tilespmem:$0x178E0] =	vst v63  }
0x1a: {  	_ = 	snop  }
0x1b: {  	[tilespmem:s20], [sflag:$0x2] =	stream.linear.gather [hbm4b:s8+s4], $0x7D0, $0x38;
	[tilespmem:$0x178E0] =	vst v63  }
0x1c: {  	_ = 	snop  }
0x1d: {  	[tilespmem:s21], [sflag:$0x3] =	stream.linear.gather [hbm4b:s9+s4], $0x7D0, $0x38;
	[tilespmem:$0x178E0] =	vst v63  }
0x1e: {  	s6 =	simm.s32 $0x40;
	s7 =	simm.s32 $0x0  }
0x1f: {  	[tilespmem:s22], [sflag:$0x3] =	stream.linear.gather [hbm4b:s10+s4], $0x7D0, $0x38;
	[tilespmem:$0x178E0] =	vst v63  }
.LBB2_2:
0x20: {  	p0 =	sne.s32 s6, $0x9FC0;
	[tilespmem:s7+$0x128E0] =	vst v0;
	s7 =	smov.u32 s6;
	s6 =	sadd.s32 $0x40, s6  }
.Ltmp0:
0x21: {  	(pc) =	sbr.rel @p0 .LBB2_2-.Ltmp0, $2  }
0x22: {  	_ =	sdelay $0x2  }
0x23: {  	s7 =	sshra.s32 s7, $0x2  }
0x24: {  	[tilespmem:s7+$0x128E0] =	vst v0;
	s6 =	simm.s32 $0x128E0  }
0x25: {  	[spmem:s11] =	stream.linear.scatter [tilespmem:s6], [sflag:$0x8], $0x2800, $0x38;
	[tilespmem:$0x178E0] =	vst v63  }
0x26: {  	_ =	swait.ge [sflag:s24], $0x2800  }
0x27: {  	[sflag:s24] =	ssyncset.done $0x0  }
0x28: {  	[sflag:s24] =	ssyncadd.s32 $0xFFFFD800  }
0x29: {  	[bflag:$0x0] =	sbarrier.arrive $0xFFFF  }
0x2a: {  	_ =	swait.ge [sflag:s25], $0x7D0  }
0x2b: {  	[sflag:s25] =	ssyncset.done $0x0  }
0x2c: {  	[sflag:s25] =	ssyncadd.s32 $0xFFFFF830  }
0x2d: {  	_ =	swait.ge [sflag:s25], $0x7D0  }
0x2e: {  	[sflag:s25] =	ssyncset.done $0x0  }
0x2f: {  	[sflag:s25] =	ssyncadd.s32 $0xFFFFF830  }
0x30: {  	[tilespmem:s26], [sflag:$0x4] =	stream.indirect.gather [hbm4b:s1+s19], $0x10, s4, s19, $0xb8;
	[tilespmem:$0x178E0] =	vst v63  }
0x31: {  	_ =	swait.ge [sflag:s28], $0x7D00  }
0x32: {  	[sflag:s28] =	ssyncset.done $0x0  }
0x33: {  	[sflag:s28] =	ssyncadd.s32 $0xFFFF8300  }
0x34: {  	_ =	swait.ge [sflag:s29], $0x7D0  }
0x35: {  	[sflag:s29] =	ssyncset.done $0x0  }
0x36: {  	[sflag:s29] =	ssyncadd.s32 $0xFFFFF830  }
0x37: {  	_ =	swait.ge [sflag:s29], $0x7D0  }
0x38: {  	[sflag:s29] =	ssyncset.done $0x0  }
0x39: {  	[sflag:s29] =	ssyncadd.s32 $0xFFFFF830  }
0x3a: {  	[tilespmem:s30], [sflag:$0x5] =	stream.indirect.gather [hbm4b:s1+s19], $0x10, s19, s19, $0xb8;
	[tilespmem:$0x178E0] =	vst v63  }
0x3b: {  	_ = 	snop  }
0x3c: {  	[spmem:s3] =	stream.indirect.scatter.add.f32 [tilespmem:s26], [sflag:$0x6], $0x10, s18, s19, $0xb8;
	[tilespmem:$0x178E0] =	vst v63  }
0x3d: {  	_ =	swait.ge [sflag:s31], $0x7D00  }
0x3e: {  	[sflag:s31] =	ssyncset.done $0x0  }
0x3f: {  	[sflag:s31] =	ssyncadd.s32 $0xFFFF8300  }
0x40: {  	[tilespmem:s4], [sflag:$0x1] =	stream.linear.gather [hbm4b:s12+s4], $0x7D0, $0x38;
	[tilespmem:$0x178E0] =	vst v63  }
0x41: {  	_ = 	snop  }
0x42: {  	[tilespmem:s18], [sflag:$0x1] =	stream.linear.gather [hbm4b:s13+s4], $0x7D0, $0x38;
	[tilespmem:$0x178E0] =	vst v63  }
0x43: {  	_ =	swait.ge [sflag:s2], $0x7D00  }
0x44: {  	[sflag:s2] =	ssyncset.done $0x0  }
0x45: {  	[sflag:s2] =	ssyncadd.s32 $0xFFFF8300  }
0x46: {  	_ =	swait.ge [sflag:s0], $0x7D0  }
0x47: {  	[sflag:s0] =	ssyncset.done $0x0  }
0x48: {  	[sflag:s0] =	ssyncadd.s32 $0xFFFFF830  }
0x49: {  	_ =	swait.ge [sflag:s0], $0x7D0  }
0x4a: {  	[sflag:s0] =	ssyncset.done $0x0  }
0x4b: {  	[sflag:s0] =	ssyncadd.s32 $0xFFFFF830  }
0x4c: {  	[tilespmem:s26], [sflag:$0x4] =	stream.indirect.gather [hbm4b:s1+s19], $0x10, s21, s19, $0xb8;
	[tilespmem:$0x178E0] =	vst v63  }
0x4d: {  	_ = 	snop  }
0x4e: {  	[spmem:s3] =	stream.indirect.scatter.add.f32 [tilespmem:s30], [sflag:$0x7], $0x10, s20, s19, $0xb8;
	[tilespmem:$0x178E0] =	vst v63  }
0x4f: {  	_ =	swait.ge [sflag:s23], $0x7D00  }
0x50: {  	[sflag:s23] =	ssyncset.done $0x0  }
0x51: {  	[sflag:s23] =	ssyncadd.s32 $0xFFFF8300  }
0x52: {  	[tilespmem:s19], [sflag:$0x2] =	stream.linear.gather [hbm4b:s14+s4], $0x7D0, $0x38;
	[tilespmem:$0x178E0] =	vst v63  }
0x53: {  	_ = 	snop  }
0x54: {  	[tilespmem:s20], [sflag:$0x2] =	stream.linear.gather [hbm4b:s15+s4], $0x7D0, $0x38;
	[tilespmem:$0x178E0] =	vst v63  }
0x55: {  	_ =	swait.ge [sflag:s28], $0x7D00  }
0x56: {  	[sflag:s28] =	ssyncset.done $0x0  }
0x57: {  	[sflag:s28] =	ssyncadd.s32 $0xFFFF8300  }
0x58: {  	_ =	swait.ge [sflag:s25], $0x7D0  }
0x59: {  	[sflag:s25] =	ssyncset.done $0x0  }
0x5a: {  	[sflag:s25] =	ssyncadd.s32 $0xFFFFF830  }
0x5b: {  	_ =	swait.ge [sflag:s25], $0x7D0  }
0x5c: {  	[sflag:s25] =	ssyncset.done $0x0  }
0x5d: {  	[sflag:s25] =	ssyncadd.s32 $0xFFFFF830  }
0x5e: {  	[tilespmem:s30], [sflag:$0x5] =	stream.indirect.gather [hbm4b:s1+s19], $0x10, s4, s19, $0xb8;
	[tilespmem:$0x178E0] =	vst v63  }
0x5f: {  	_ = 	snop  }
0x60: {  	[spmem:s3] =	stream.indirect.scatter.add.f32 [tilespmem:s26], [sflag:$0x6], $0x10, s22, s19, $0xb8;
	[tilespmem:$0x178E0] =	vst v63  }
0x61: {  	_ =	swait.ge [sflag:s31], $0x7D00  }
0x62: {  	[sflag:s31] =	ssyncset.done $0x0  }
0x63: {  	[sflag:s31] =	ssyncadd.s32 $0xFFFF8300  }
0x64: {  	_ =	swait.ge [sflag:s2], $0x7D00  }
0x65: {  	[sflag:s2] =	ssyncset.done $0x0  }
0x66: {  	[sflag:s2] =	ssyncadd.s32 $0xFFFF8300  }
0x67: {  	_ =	swait.ge [sflag:s29], $0x7D0  }
0x68: {  	[sflag:s29] =	ssyncset.done $0x0  }
0x69: {  	[sflag:s29] =	ssyncadd.s32 $0xFFFFF830  }
0x6a: {  	_ =	swait.ge [sflag:s29], $0x7D0  }
0x6b: {  	[sflag:s29] =	ssyncset.done $0x0  }
0x6c: {  	[sflag:s29] =	ssyncadd.s32 $0xFFFFF830  }
0x6d: {  	[tilespmem:s26], [sflag:$0x4] =	stream.indirect.gather [hbm4b:s1+s19], $0x10, s19, s19, $0xb8;
	[tilespmem:$0x178E0] =	vst v63  }
0x6e: {  	_ = 	snop  }
0x6f: {  	[spmem:s3] =	stream.indirect.scatter.add.f32 [tilespmem:s30], [sflag:$0x7], $0x10, s18, s19, $0xb8;
	[tilespmem:$0x178E0] =	vst v63  }
0x70: {  	_ =	swait.ge [sflag:s23], $0x7D00  }
0x71: {  	[sflag:s23] =	ssyncset.done $0x0  }
0x72: {  	[sflag:s23] =	ssyncadd.s32 $0xFFFF8300  }
0x73: {  	_ =	swait.ge [sflag:s28], $0x7D00  }
0x74: {  	[sflag:s28] =	ssyncset.done $0x0  }
0x75: {  	[sflag:s28] =	ssyncadd.s32 $0xFFFF8300  }
0x76: {  	[spmem:s3] =	stream.indirect.scatter.add.f32 [tilespmem:s26], [sflag:$0x6], $0x10, s20, s19, $0xb8;
	[tilespmem:$0x178E0] =	vst v63  }
0x77: {  	s7 =	stileid.u32;
	_ =	swait.ge [sflag:s31], $0x7D00  }
0x78: {  	s5 =	sadd.s32 $0x1, s5;
	s6 =	sshll.u32 s7, $0x6;
	[sflag:s31] =	ssyncset.done $0x0  }
0x79: {  	s7 =	sshrl.u32 s11, $0x3;
	p0 =	sne.s32 s5, s17;
	[sflag:s31] =	ssyncadd.s32 $0xFFFF8300  }
.Ltmp1:
0x7a: {  	s6 =	sor.u32 $0x1C08, s6;
	[bflag:$0x0] =	sbarrier.arrive $0xFFFF;
	(pc) =	sbr.rel @p0 .LBB2_1-.Ltmp1, $4  }
0x7b: {  	[hbm:s16], [sflag:s6] =	dma.local [spmem:s7], $0x500  }
0x7c: {  	_ =	swait.ge [sflag:s24], $0x500  }
0x7d: {  	[sflag:s24] =	ssyncset.done $0x0  }
0x7e: {  	[sflag:s24] =	ssyncadd.s32 $0xFFFFFB00  }
0x7f: {  	_ =	sfence.sel $0x180000  }
0x80: {  	[bflag:$0x0] =	sbarrier.arrive $0xFFFF  }
0x81: {  	_ =	strace $0x9000004A  }
0x82: {  	s0 =	stileid.u32;
	[bflag:$0x2] =	sbarrier.arrive $0xFFFF  }
0x83: {  	p0 =	sne.s32 s0, $0x0;
	s0 =	rddreg [dreg:$0x3]  }
0x84: {  	s0 =	sadd.s32 @!p0 $0x100000, s0  }
0x85: {  	[sflag:s0] =	ssyncadd.tile.s32 @!p0 $0x1;
	_ =	shalt  }
.Lfunc_end2:
_tile_overlayer_lowered:
.L_overlay_start_2:
0x86: {  	(tag) =	ssettag $0x2  }
0x87: {  	s0 =	rddreg [dreg:$0x0];
	s2 =	stileid.u32  }
0x88: {  	s1 =	rddreg [dreg:$0x1];
	p0 =	sne.s32 s2, $0x0  }
0x89: {  	s3 =	rddreg [dreg:$0x2];
	[bflag:$0x3] =	sbarrier.arrive $0xFFFF;
	s2 =	simm.s32 @!p0 $0x1C08  }
0x8a: {  	[timem:s3], [sflag:s2] =	dma.local @!p0 [hbm:s0], s1  }
0x8b: {  	s0 =	simm.s32 @!p0 $0x8  }
0x8c: {  	_ =	swait.ge @!p0 [sflag:s0], s1  }
0x8d: {  	s1 =	ssub.s32 @!p0 $0x0, s1;
	[sflag:s0] =	ssyncset.done @!p0 $0x0  }
0x8e: {  	[sflag:s0] =	ssyncadd.s32 @!p0 s1  }
0x8f: {  	[bflag:$0x3] =	sbarrier.arrive $0xFFFF  }
0x90: {  	_ =	shalt  }

// kernel: kernel.15.cloned.1.call-start
scs
__scs_entry_jumppad:
0x0: {  	(pc) =	sbr.rel $0x88, $3  }
0x1: {  	(tag) =	ssettag $0x0;
	lr =	simm.s32 $0x1  }
0x2: {  	[smem:$0x3F9B] =	sst lr;
	_ =	strace $0xD0000000  }
0x3: {  	_ = 	snop  }
0x4: {  	_ = 	snop  }
0x5: {  	_ = 	snop  }
0x6: {  	_ = 	snop  }
0x7: {  	_ = 	snop  }
__scs_overlays_trampoline_lowered:
0x8: {  	[smem:$0x3FAA] =	sst s0  }
0x9: {  	[smem:$0x3FAB] =	sst s1  }
0xa: {  	[smem:$0x3FAC] =	sst s2  }
0xb: {  	[smem:$0x3FAD] =	sst s3  }
0xc: {  	[smem:$0x3FAE] =	sst s4  }
0xd: {  	[smem:$0x3FAF] =	sst s5  }
0xe: {  	[smem:$0x3FB0] =	sst s6  }
0xf: {  	[smem:$0x3FB1] =	sst s7  }
0x10: {  	[smem:$0x3FB2] =	sst s8  }
0x11: {  	[smem:$0x3FB3] =	sst s9;
	s0 =	simm.s32 @!p0 $0x0  }
0x12: {  	s1 =	sld [smem:$0x3F99];
	s0 =	simm.s32 @p0 $0x1  }
0x13: {  	[smem:$0x3FB4] =	sst s0;
	s0 =	simm.s32 @!p1 $0x0  }
0x14: {  	s2 =	sld [smem:$0x3F98];
	s0 =	simm.s32 @p1 $0x1  }
0x15: {  	[smem:$0x3FB5] =	sst s0;
	s0 =	simm.s32 @!p2 $0x0  }
0x16: {  	s3 =	sld [smem:$0x3FDB];
	s0 =	simm.s32 @p2 $0x1  }
0x17: {  	s4 =	simm.s32 $0x1BF5;
	[smem:$0x3FB7] =	sst s0  }
0x18: {  	s0 =	sld [smem:$0x3F9A];
	_ =	swait.ge [sflag:s4], $0x0  }
0x19: {  	s7 =	sld [smem:$0x3F9B]  }
0x1a: {  	s8 =	sadd.s32 $0xFFFFE003, lr  }
0x1b: {  	s9 =	sadd.s32 $0xFFFFFEF7, lr;
	s5 =	simm.s32 $0xFFFFFFFF;
	p2 =	slt.u32 s8, $0xFFFFF086  }
0x1c: {  	p1 =	slt.u32 s9, $0xF7A;
	s5 =	simm.s32 @!p2 $0x0  }
0x1d: {  	s5 =	simm.s32 @p1 $0x1;
	p0 =	seq.s32 s7, s2  }
0x1e: {  	s7 =	smul.u32 @!p0 $0xF7A, s2;
	p2 =	seq.s32 @!p0 s5, $0x0  }
0x1f: {  	s9 =	smul.u32 $0xF7A, s1;
	s8 =	simm.s32 @!p0 $0x1BF5;
	p2 =	por !p2, p0  }
0x20: {  	[sflag:s8] =	ssyncset.s32 @!p0 $0xFFFFF086;
	s6 =	sadd.s32 @!p0 s3, s7;
	s7 =	simm.s32 @!p0 $0x108  }
0x21: {  	s3 =	sadd.s32 s3, s9;
	s6 =	sadd.s32 @!p0 $0x88, s6;
	s7 =	simm.s32 @p2 $0x1082  }
0x22: {  	[simem:s7], [sflag:s8] =	dma.local @!p0 [hbm:s6], $0xF7A  }
0x23: {  	s9 =	sor.u32 $0xD0000000, s2;
	s6 =	simm.s32 $0x108;
	_ =	swait.ge @!p0 [sflag:s8], $0x0  }
0x24: {  	s3 =	sadd.s32 $0x88, s3;
	s6 =	simm.s32 @!p1 $0x1082;
	[sflag:s4] =	ssyncset.s32 $0xFFFFF086  }
0x25: {  	[simem:s6], [sflag:s4] =	dma.local [hbm:s3], $0xF7A  }
0x26: {  	[smem:$0x3F9B] =	sst s1;
	(tag) =	ssettag s2;
	_ =	strace s9  }
0x27: {  	s1 =	sld [smem:$0x3FAB]  }
0x28: {  	s2 =	sld [smem:$0x3FAC]  }
0x29: {  	s4 =	sld [smem:$0x3FAE]  }
0x2a: {  	p0 =	seq.s32 s5, $0x0;
	s5 =	sld [smem:$0x3FAF]  }
0x2b: {  	s6 =	sld [smem:$0x3FB0]  }
0x2c: {  	s7 =	sld [smem:$0x3FB1]  }
0x2d: {  	s3 =	simm.s32 $0x108;
	s8 =	sld [smem:$0x3FB2]  }
0x2e: {  	s3 =	simm.s32 @!p0 $0x1082;
	s9 =	sld [smem:$0x3FB3]  }
0x2f: {  	lr =	sadd.s32 s0, s3;
	s0 =	sld [smem:$0x3FAA]  }
0x30: {  	s3 =	sld [smem:$0x3FAD]  }
0x31: {  	[smem:$0x3FB6] =	sst s10  }
0x32: {  	s10 =	sld [smem:$0x3FB4];
	_ =	sdelay $0x3  }
0x33: {  	p0 =	seq.s32 s10, $0x1;
	s10 =	sld [smem:$0x3FB6];
	_ =	sdelay $0x3  }
0x34: {  	[smem:$0x3FB6] =	sst s10  }
0x35: {  	s10 =	sld [smem:$0x3FB5];
	_ =	sdelay $0x3  }
0x36: {  	p1 =	seq.s32 s10, $0x1;
	s10 =	sld [smem:$0x3FB6];
	_ =	sdelay $0x3  }
0x37: {  	[smem:$0x3FB6] =	sst s10  }
0x38: {  	s10 =	sld [smem:$0x3FB7]  }
0x39: {  	_ = 	snop;
	(pc) =	sbr.ind lr, $3  }
0x3a: {  	_ = 	snop  }
0x3b: {  	_ = 	snop  }
0x3c: {  	p2 =	seq.s32 s10, $0x1;
	s10 =	sld [smem:$0x3FB6]  }
0x3d: {  	_ =	shalt  }
0x3e: {  	_ =	shalt  }
0x3f: {  	_ =	shalt  }
0x40: {  	_ =	shalt  }
0x41: {  	_ =	shalt  }
0x42: {  	_ =	shalt  }
0x43: {  	_ =	shalt  }
0x44: {  	_ =	shalt  }
0x45: {  	_ =	shalt  }
0x46: {  	_ =	shalt  }
0x47: {  	_ =	shalt  }
0x48: {  	_ =	shalt  }
0x49: {  	_ =	shalt  }
0x4a: {  	_ =	shalt  }
0x4b: {  	_ =	shalt  }
0x4c: {  	_ =	shalt  }
0x4d: {  	_ =	shalt  }
0x4e: {  	_ =	shalt  }
0x4f: {  	_ =	shalt  }
0x50: {  	_ =	shalt  }
0x51: {  	_ =	shalt  }
0x52: {  	_ =	shalt  }
0x53: {  	_ =	shalt  }
0x54: {  	_ =	shalt  }
0x55: {  	_ =	shalt  }
0x56: {  	_ =	shalt  }
0x57: {  	_ =	shalt  }
0x58: {  	_ =	shalt  }
0x59: {  	_ =	shalt  }
0x5a: {  	_ =	shalt  }
0x5b: {  	_ =	shalt  }
0x5c: {  	_ =	shalt  }
0x5d: {  	_ =	shalt  }
0x5e: {  	_ =	shalt  }
0x5f: {  	_ =	shalt  }
0x60: {  	_ =	shalt  }
0x61: {  	_ =	shalt  }
0x62: {  	_ =	shalt  }
0x63: {  	_ =	shalt  }
0x64: {  	_ =	shalt  }
0x65: {  	_ =	shalt  }
0x66: {  	_ =	shalt  }
0x67: {  	_ =	shalt  }
0x68: {  	_ =	shalt  }
0x69: {  	_ =	shalt  }
0x6a: {  	_ =	shalt  }
0x6b: {  	_ =	shalt  }
0x6c: {  	_ =	shalt  }
0x6d: {  	_ =	shalt  }
0x6e: {  	_ =	shalt  }
0x6f: {  	_ =	shalt  }
0x70: {  	_ =	shalt  }
0x71: {  	_ =	shalt  }
0x72: {  	_ =	shalt  }
0x73: {  	_ =	shalt  }
0x74: {  	_ =	shalt  }
0x75: {  	_ =	shalt  }
0x76: {  	_ =	shalt  }
0x77: {  	_ =	shalt  }
0x78: {  	_ =	shalt  }
0x79: {  	_ =	shalt  }
0x7a: {  	_ =	shalt  }
0x7b: {  	_ =	shalt  }
0x7c: {  	_ =	shalt  }
0x7d: {  	_ =	shalt  }
0x7e: {  	_ =	shalt  }
0x7f: {  	_ =	shalt  }
0x80: {  	_ =	shalt  }
0x81: {  	_ =	shalt  }
0x82: {  	_ =	shalt  }
0x83: {  	_ =	shalt  }
0x84: {  	_ =	shalt  }
0x85: {  	_ =	shalt  }
0x86: {  	_ =	shalt  }
0x87: {  	_ =	shalt  }
.Lfunc_end0:
.L_simem_size_0:
called_computation.2_lowered:
.L_overlay_start_0:
0x88: {  	s2 =	sld [smem:$0x3FD9]  }
0x89: {  	s3 =	sld [smem:$0x3FFE];
	_ =	sdelay $0x1  }
0x8a: {  	s1 =	srdreg.scid  }
0x8b: {  	s0 =	sand.u32 $0x1, s1  }
0x8c: {  	s17 =	sshll.u32 s0, $0xA;
	s2 =	sadd.s32 s3, s2  }
0x8d: {  	s2 =	sadd.s32 s2, s17  }
0x8e: {  	[smem:$0x3FC2] =	sst s2  }
0x8f: {  	_ = 	snop  }
0x90: {  	s2 =	sld [smem:$0x3FD0];
	(tm) =	ssettm $0x1  }
0x91: {  	s18 =	sld [smem:$0x3FFB];
	_ =	sdelay $0x3  }
0x92: {  	_ =	strace s18  }
0x93: {  	s3 =	sld [smem:$0x3FFC];
	_ =	sdelay $0x3  }
0x94: {  	_ =	strace s3  }
0x95: {  	s3 =	sld [smem:$0x3FFD];
	_ =	sdelay $0x3  }
0x96: {  	_ =	strace s3  }
0x97: {  	_ =	strace $0x8FFFFFFF  }
0x98: {  	s19 =	sld [smem:$0x3FDB];
	_ =	sdelay $0x1  }
0x99: {  	s4 =	simm.s32 $_scs_section_size  }
0x9a: {  	s5 =	simm.s32 $_size__tile_overlayer_lowered;
	s6 =	simm.s32 $_tile_overlayer_lowered  }
0x9b: {  	s22 =	simm.s32 $0x1BFF;
	s21 =	sshll.u32 s6, $0x1;
	s3 =	sadd.s32 s4, s19  }
0x9c: {  	s7 =	simm.s32 $0x0;
	s20 =	sshll.u32 s5, $0x1;
	s5 =	sadd.s32 s21, s3  }
0x9d: {  	[timem:s7], [sflag:s22] =	dma.local [hbm:s5], s20  }
0x9e: {  	_ =	swait.ge [sflag:s22], s20  }
0x9f: {  	s4 =	ssub.s32 $0x0, s20;
	[sflag:s22] =	ssyncset.done $0x0  }
0xa0: {  	[sflag:s22] =	ssyncadd.s32 s4;
	_ =	sdelay $0x1  }
0xa1: {  	s23 =	simm.s32 $0x1B8B  }
0xa2: {  	_ =	swait.ge [sflag:s23], $0x1  }
0xa3: {  	[sflag:s23] =	ssyncset.done $0x0  }
0xa4: {  	s25 =	simm.s32 $0x1B8E;
	s24 =	sld [smem:$0x3FFE];
	[sflag:s23] =	ssyncadd.s32 $0xFFFFFFFF  }
0xa5: {  	s26 =	simm.s32 $execute0_lowered;
	[smem:$0x3FD2] =	sst s25  }
0xa6: {  	s5 =	sshll.u32 s26, $0x1;
	_ =	strace $0x8000004C;
	[dreg:$0x1] =	wrdreg $0xFFFFFFFF  }
0xa7: {  	s28 =	simm.s32 $_size_execute0_lowered;
	s3 =	sadd.s32 s3, s5;
	[dreg:$0x0] =	wrdreg $0x0  }
0xa8: {  	s5 =	sshll.u32 s28, $0x1;
	[dreg:$0x2] =	wrdreg s3  }
0xa9: {  	[dreg:$0x3] =	wrdreg s5  }
0xaa: {  	[dreg:$0x4] =	wrdreg $0xC0  }
0xab: {  	_ =	task [dreg:s7], $0x5FFFF  }
0xac: {  	[dreg:$0x1] =	wrdreg $0xFFFFFFFF  }
0xad: {  	[dreg:$0x0] =	wrdreg $0x60  }
0xae: {  	[dreg:$0x2] =	wrdreg s2  }
0xaf: {  	[dreg:$0x3] =	wrdreg s24  }
0xb0: {  	[dreg:$0x4] =	wrdreg $0x150E00  }
0xb1: {  	[dreg:$0x5] =	wrdreg $0x9  }
0xb2: {  	_ =	task.clear_ibuf [dreg:s7], $0x6FFFF;
	_ =	strace $0x9000004C  }
0xb3: {  	s29 =	simm.s32 $0x9;
	_ =	strace $0x8000004E  }
0xb4: {  	_ =	swait.ge [sflag:s29], $0x1  }
0xb5: {  	[sflag:s29] =	ssyncadd.s32 $0xFFFFFFFF  }
0xb6: {  	_ =	strace $0x9000004E  }
0xb7: {  	_ =	sfence  }
0xb8: {  	s30 =	sld [smem:$0x0];
	_ =	sdelay $0x2  }
0xb9: {  	s31 =	sshll.u32 s1, $0xD;
	s1 =	sshrl.u32 s1, $0x2  }
0xba: {  	s3 =	sand.u32 $0x4000, s31;
	s1 =	sadd.s32 s1, s30  }
0xbb: {  	s0 =	sor.u32 s3, s0;
	s1 =	sshll.u32 s1, $0x11  }
0xbc: {  	s0 =	sor.u32 s1, s0  }
0xbd: {  	s0 =	sadd.s32 $0x8F2B, s0  }
0xbe: {  	[sflag:s0] =	ssyncadd.remote.s32 $0x1  }
0xbf: {  	_ =	sfence.sel $0xFFFF  }
0xc0: {  	[dreg:$0x0] =	wrdreg $0xFFFFFFFF;
	(pc) =	sbr.abs _section_cstart, $3  }
0xc1: {  	[dreg:$0x1] =	wrdreg $0xFFFFFFFF  }
0xc2: {  	_ =	task.clear_ibuf [dreg:s7], $0x2FFFF;
	_ =	strace $0x9FFFFFFF  }
0xc3: {  	(tm) =	ssettm $0x7FFFFFFF  }
tec
execute0_lowered:
.L_overlay_start_1:
0x0: {  	(tag) =	ssettag $0x1  }
0x1: {  	s0 =	srdreg.scid;
	s1 =	rddreg [dreg:$0x0]  }
0x2: {  	s8 =	stileid.u32;
	s5 =	rddreg [dreg:$0x1]  }
0x3: {  	s3 =	rddreg [dreg:$0x2];
	s4 =	simm.s32 $0x0;
	s18 =	simm.s32 $0x1770  }
0x4: {  	s19 =	simm.s32 $0x7D0;
	s20 =	simm.s32 $0x1F40;
	s21 =	simm.s32 $0xFA0  }
0x5: {  	s28 =	simm.s32 $0x4;
	s29 =	simm.s32 $0x2;
	s30 =	simm.s32 $0xABE0  }
0x6: {  	s31 =	simm.s32 $0x6;
	s0 =	sand.u32 $0x1, s0;
	s6 =	smul.u32 $0x500, s8  }
0x7: {  	s2 =	sshll.u32 s8, $0x1;
	[smem:$0x7FF] =	sst s4;
	s24 =	smul.u32 $0xA000, s8  }
0x8: {  	s2 =	sor.u32 s0, s2;
	s7 =	smul.u32 $0x5000, s0;
	s0 =	ssub.s32 $0x2, s0  }
0x9: {  	_ =	strace $0x8000004D;
	s2 =	smul.u32 $0x2710, s2;
	s22 =	sshrl.u32 s0, $0x1  }
0xa: {  	s6 =	sadd.s32 s6, s7;
	s0 =	ssub.s32 s0, s22;
	s22 =	simm.s32 $0x2710  }
0xb: {  	s2 =	sshrl.u32 s2, $0x3;
	s17 =	smax.u32 s0, $0x1;
	s0 =	simm.s32 $0x3  }
0xc: {  	s2 =	sadd.s32 s2, s5;
	s5 =	sadd.s32 s6, s5;
	s6 =	sshrl.u32 s24, $0x2  }
0xd: {  	s24 =	simm.s32 $0x8;
	s23 =	sadd.s32 $0x2A00, s2;
	s25 =	sadd.s32 $0xC640, s2  }
0xe: {  	s26 =	sadd.s32 $0x2AFA, s2;
	s8 =	sadd.s32 $0xC73A, s2;
	s9 =	sadd.s32 $0x2BF4, s2  }
0xf: {  	s10 =	sadd.s32 $0xC834, s2;
	s11 =	sadd.s32 s6, s3;
	s12 =	sadd.s32 $0x2CEE, s2  }
0x10: {  	s13 =	sadd.s32 $0xC92E, s2;
	s14 =	sadd.s32 $0x2DE8, s2;
	[dreg:$0x4] =	wrdreg s23  }
0x11: {  	s15 =	sadd.s32 $0xCA28, s2;
	s16 =	sadd.s32 $0x16400, s5;
	[dreg:$0x5] =	wrdreg s25  }
0x12: {  	s2 =	simm.s32 $0x5;
	s5 =	simm.s32 $0x0;
	[dreg:$0x6] =	wrdreg s26  }
0x13: {  	v0 =	vimm.f32 $0.0e+00;
	s25 =	simm.s32 $0x1;
	s26 =	simm.s32 $0x2EE0;
	s23 =	simm.s32 $0x7  }
.LBB2_1:
0x14: {  	s6 =	rddreg [dreg:$0x4]  }
0x15: {  	[tilespmem:s4], [sflag:$0x1] =	stream.linear.gather [hbm4b:s6+s4], $0x7D0, $0x38;
	[tilespmem:$0x178E0] =	vst v63  }
0x16: {  	s7 =	rddreg [dreg:$0x5]  }
0x17: {  	[tilespmem:s18], [sflag:$0x1] =	stream.linear.gather [hbm4b:s7+s4], $0x7D0, $0x38;
	[tilespmem:$0x178E0] =	vst v63  }
0x18: {  	s7 =	rddreg [dreg:$0x6]  }
0x19: {  	[tilespmem:s19], [sflag:$0x2] =	stream.linear.gather [hbm4b:s7+s4], $0x7D0, $0x38;
	[tilespmem:$0x178E0] =	vst v63  }
0x1a: {  	_ = 	snop  }
0x1b: {  	[tilespmem:s20], [sflag:$0x2] =	stream.linear.gather [hbm4b:s8+s4], $0x7D0, $0x38;
	[tilespmem:$0x178E0] =	vst v63  }
0x1c: {  	_ = 	snop  }
0x1d: {  	[tilespmem:s21], [sflag:$0x3] =	stream.linear.gather [hbm4b:s9+s4], $0x7D0, $0x38;
	[tilespmem:$0x178E0] =	vst v63  }
0x1e: {  	s6 =	simm.s32 $0x40;
	s7 =	simm.s32 $0x0  }
0x1f: {  	[tilespmem:s22], [sflag:$0x3] =	stream.linear.gather [hbm4b:s10+s4], $0x7D0, $0x38;
	[tilespmem:$0x178E0] =	vst v63  }
.LBB2_2:
0x20: {  	p0 =	sne.s32 s6, $0x9FC0;
	[tilespmem:s7+$0x128E0] =	vst v0;
	s7 =	smov.u32 s6;
	s6 =	sadd.s32 $0x40, s6  }
.Ltmp0:
0x21: {  	(pc) =	sbr.rel @p0 .LBB2_2-.Ltmp0, $2  }
0x22: {  	_ =	sdelay $0x2  }
0x23: {  	s7 =	sshra.s32 s7, $0x2  }
0x24: {  	[tilespmem:s7+$0x128E0] =	vst v0;
	s6 =	simm.s32 $0x128E0  }
0x25: {  	[spmem:s11] =	stream.linear.scatter [tilespmem:s6], [sflag:$0x8], $0x2800, $0x38;
	[tilespmem:$0x178E0] =	vst v63  }
0x26: {  	_ =	swait.ge [sflag:s24], $0x2800  }
0x27: {  	[sflag:s24] =	ssyncset.done $0x0  }
0x28: {  	[sflag:s24] =	ssyncadd.s32 $0xFFFFD800  }
0x29: {  	[bflag:$0x0] =	sbarrier.arrive $0xFFFF  }
0x2a: {  	_ =	swait.ge [sflag:s25], $0x7D0  }
0x2b: {  	[sflag:s25] =	ssyncset.done $0x0  }
0x2c: {  	[sflag:s25] =	ssyncadd.s32 $0xFFFFF830  }
0x2d: {  	_ =	swait.ge [sflag:s25], $0x7D0  }
0x2e: {  	[sflag:s25] =	ssyncset.done $0x0  }
0x2f: {  	[sflag:s25] =	ssyncadd.s32 $0xFFFFF830  }
0x30: {  	[tilespmem:s26], [sflag:$0x4] =	stream.indirect.gather [hbm4b:s1+s19], $0x10, s4, s19, $0xb8;
	[tilespmem:$0x178E0] =	vst v63  }
0x31: {  	_ =	swait.ge [sflag:s28], $0x7D00  }
0x32: {  	[sflag:s28] =	ssyncset.done $0x0  }
0x33: {  	[sflag:s28] =	ssyncadd.s32 $0xFFFF8300  }
0x34: {  	_ =	swait.ge [sflag:s29], $0x7D0  }
0x35: {  	[sflag:s29] =	ssyncset.done $0x0  }
0x36: {  	[sflag:s29] =	ssyncadd.s32 $0xFFFFF830  }
0x37: {  	_ =	swait.ge [sflag:s29], $0x7D0  }
0x38: {  	[sflag:s29] =	ssyncset.done $0x0  }
0x39: {  	[sflag:s29] =	ssyncadd.s32 $0xFFFFF830  }
0x3a: {  	[tilespmem:s30], [sflag:$0x5] =	stream.indirect.gather [hbm4b:s1+s19], $0x10, s19, s19, $0xb8;
	[tilespmem:$0x178E0] =	vst v63  }
0x3b: {  	_ = 	snop  }
0x3c: {  	[spmem:s3] =	stream.indirect.scatter.add.f32 [tilespmem:s26], [sflag:$0x6], $0x10, s18, s19, $0xb8;
	[tilespmem:$0x178E0] =	vst v63  }
0x3d: {  	_ =	swait.ge [sflag:s31], $0x7D00  }
0x3e: {  	[sflag:s31] =	ssyncset.done $0x0  }
0x3f: {  	[sflag:s31] =	ssyncadd.s32 $0xFFFF8300  }
0x40: {  	[tilespmem:s4], [sflag:$0x1] =	stream.linear.gather [hbm4b:s12+s4], $0x7D0, $0x38;
	[tilespmem:$0x178E0] =	vst v63  }
0x41: {  	_ = 	snop  }
0x42: {  	[tilespmem:s18], [sflag:$0x1] =	stream.linear.gather [hbm4b:s13+s4], $0x7D0, $0x38;
	[tilespmem:$0x178E0] =	vst v63  }
0x43: {  	_ =	swait.ge [sflag:s2], $0x7D00  }
0x44: {  	[sflag:s2] =	ssyncset.done $0x0  }
0x45: {  	[sflag:s2] =	ssyncadd.s32 $0xFFFF8300  }
0x46: {  	_ =	swait.ge [sflag:s0], $0x7D0  }
0x47: {  	[sflag:s0] =	ssyncset.done $0x0  }
0x48: {  	[sflag:s0] =	ssyncadd.s32 $0xFFFFF830  }
0x49: {  	_ =	swait.ge [sflag:s0], $0x7D0  }
0x4a: {  	[sflag:s0] =	ssyncset.done $0x0  }
0x4b: {  	[sflag:s0] =	ssyncadd.s32 $0xFFFFF830  }
0x4c: {  	[tilespmem:s26], [sflag:$0x4] =	stream.indirect.gather [hbm4b:s1+s19], $0x10, s21, s19, $0xb8;
	[tilespmem:$0x178E0] =	vst v63  }
0x4d: {  	_ = 	snop  }
0x4e: {  	[spmem:s3] =	stream.indirect.scatter.add.f32 [tilespmem:s30], [sflag:$0x7], $0x10, s20, s19, $0xb8;
	[tilespmem:$0x178E0] =	vst v63  }
0x4f: {  	_ =	swait.ge [sflag:s23], $0x7D00  }
0x50: {  	[sflag:s23] =	ssyncset.done $0x0  }
0x51: {  	[sflag:s23] =	ssyncadd.s32 $0xFFFF8300  }
0x52: {  	[tilespmem:s19], [sflag:$0x2] =	stream.linear.gather [hbm4b:s14+s4], $0x7D0, $0x38;
	[tilespmem:$0x178E0] =	vst v63  }
0x53: {  	_ = 	snop  }
0x54: {  	[tilespmem:s20], [sflag:$0x2] =	stream.linear.gather [hbm4b:s15+s4], $0x7D0, $0x38;
	[tilespmem:$0x178E0] =	vst v63  }
0x55: {  	_ =	swait.ge [sflag:s28], $0x7D00  }
0x56: {  	[sflag:s28] =	ssyncset.done $0x0  }
0x57: {  	[sflag:s28] =	ssyncadd.s32 $0xFFFF8300  }
0x58: {  	_ =	swait.ge [sflag:s25], $0x7D0  }
0x59: {  	[sflag:s25] =	ssyncset.done $0x0  }
0x5a: {  	[sflag:s25] =	ssyncadd.s32 $0xFFFFF830  }
0x5b: {  	_ =	swait.ge [sflag:s25], $0x7D0  }
0x5c: {  	[sflag:s25] =	ssyncset.done $0x0  }
0x5d: {  	[sflag:s25] =	ssyncadd.s32 $0xFFFFF830  }
0x5e: {  	[tilespmem:s30], [sflag:$0x5] =	stream.indirect.gather [hbm4b:s1+s19], $0x10, s4, s19, $0xb8;
	[tilespmem:$0x178E0] =	vst v63  }
0x5f: {  	_ = 	snop  }
0x60: {  	[spmem:s3] =	stream.indirect.scatter.add.f32 [tilespmem:s26], [sflag:$0x6], $0x10, s22, s19, $0xb8;
	[tilespmem:$0x178E0] =	vst v63  }
0x61: {  	_ =	swait.ge [sflag:s31], $0x7D00  }
0x62: {  	[sflag:s31] =	ssyncset.done $0x0  }
0x63: {  	[sflag:s31] =	ssyncadd.s32 $0xFFFF8300  }
0x64: {  	_ =	swait.ge [sflag:s2], $0x7D00  }
0x65: {  	[sflag:s2] =	ssyncset.done $0x0  }
0x66: {  	[sflag:s2] =	ssyncadd.s32 $0xFFFF8300  }
0x67: {  	_ =	swait.ge [sflag:s29], $0x7D0  }
0x68: {  	[sflag:s29] =	ssyncset.done $0x0  }
0x69: {  	[sflag:s29] =	ssyncadd.s32 $0xFFFFF830  }
0x6a: {  	_ =	swait.ge [sflag:s29], $0x7D0  }
0x6b: {  	[sflag:s29] =	ssyncset.done $0x0  }
0x6c: {  	[sflag:s29] =	ssyncadd.s32 $0xFFFFF830  }
0x6d: {  	[tilespmem:s26], [sflag:$0x4] =	stream.indirect.gather [hbm4b:s1+s19], $0x10, s19, s19, $0xb8;
	[tilespmem:$0x178E0] =	vst v63  }
0x6e: {  	_ = 	snop  }
0x6f: {  	[spmem:s3] =	stream.indirect.scatter.add.f32 [tilespmem:s30], [sflag:$0x7], $0x10, s18, s19, $0xb8;
	[tilespmem:$0x178E0] =	vst v63  }
0x70: {  	_ =	swait.ge [sflag:s23], $0x7D00  }
0x71: {  	[sflag:s23] =	ssyncset.done $0x0  }
0x72: {  	[sflag:s23] =	ssyncadd.s32 $0xFFFF8300  }
0x73: {  	_ =	swait.ge [sflag:s28], $0x7D00  }
0x74: {  	[sflag:s28] =	ssyncset.done $0x0  }
0x75: {  	[sflag:s28] =	ssyncadd.s32 $0xFFFF8300  }
0x76: {  	[spmem:s3] =	stream.indirect.scatter.add.f32 [tilespmem:s26], [sflag:$0x6], $0x10, s20, s19, $0xb8;
	[tilespmem:$0x178E0] =	vst v63  }
0x77: {  	s7 =	stileid.u32;
	_ =	swait.ge [sflag:s31], $0x7D00  }
0x78: {  	s5 =	sadd.s32 $0x1, s5;
	s6 =	sshll.u32 s7, $0x6;
	[sflag:s31] =	ssyncset.done $0x0  }
0x79: {  	s7 =	sshrl.u32 s11, $0x3;
	p0 =	sne.s32 s5, s17;
	[sflag:s31] =	ssyncadd.s32 $0xFFFF8300  }
.Ltmp1:
0x7a: {  	s6 =	sor.u32 $0x1C08, s6;
	[bflag:$0x0] =	sbarrier.arrive $0xFFFF;
	(pc) =	sbr.rel @p0 .LBB2_1-.Ltmp1, $4  }
0x7b: {  	[hbm:s16], [sflag:s6] =	dma.local [spmem:s7], $0x500  }
0x7c: {  	_ =	swait.ge [sflag:s24], $0x500  }
0x7d: {  	[sflag:s24] =	ssyncset.done $0x0  }
0x7e: {  	[sflag:s24] =	ssyncadd.s32 $0xFFFFFB00  }
0x7f: {  	_ =	sfence.sel $0x180000  }
0x80: {  	[bflag:$0x0] =	sbarrier.arrive $0xFFFF  }
0x81: {  	_ =	strace $0x9000004D  }
0x82: {  	s0 =	stileid.u32;
	[bflag:$0x2] =	sbarrier.arrive $0xFFFF  }
0x83: {  	p0 =	sne.s32 s0, $0x0;
	s0 =	rddreg [dreg:$0x3]  }
0x84: {  	s0 =	sadd.s32 @!p0 $0x100000, s0  }
0x85: {  	[sflag:s0] =	ssyncadd.tile.s32 @!p0 $0x1;
	_ =	shalt  }
.Lfunc_end2:
_tile_overlayer_lowered:
.L_overlay_start_2:
0x86: {  	(tag) =	ssettag $0x2  }
0x87: {  	s0 =	rddreg [dreg:$0x0];
	s2 =	stileid.u32  }
0x88: {  	s1 =	rddreg [dreg:$0x1];
	p0 =	sne.s32 s2, $0x0  }
0x89: {  	s3 =	rddreg [dreg:$0x2];
	[bflag:$0x3] =	sbarrier.arrive $0xFFFF;
	s2 =	simm.s32 @!p0 $0x1C08  }
0x8a: {  	[timem:s3], [sflag:s2] =	dma.local @!p0 [hbm:s0], s1  }
0x8b: {  	s0 =	simm.s32 @!p0 $0x8  }
0x8c: {  	_ =	swait.ge @!p0 [sflag:s0], s1  }
0x8d: {  	s1 =	ssub.s32 @!p0 $0x0, s1;
	[sflag:s0] =	ssyncset.done @!p0 $0x0  }
0x8e: {  	[sflag:s0] =	ssyncadd.s32 @!p0 s1  }
0x8f: {  	[bflag:$0x3] =	sbarrier.arrive $0xFFFF  }
0x90: {  	_ =	shalt  }

// kernel: kernel.9.cloned.1.call-start
scs
__scs_entry_jumppad:
0x0: {  	(pc) =	sbr.rel $0x88, $3  }
0x1: {  	(tag) =	ssettag $0x0;
	lr =	simm.s32 $0x1  }
0x2: {  	[smem:$0x3F9B] =	sst lr;
	_ =	strace $0xD0000000  }
0x3: {  	_ = 	snop  }
0x4: {  	_ = 	snop  }
0x5: {  	_ = 	snop  }
0x6: {  	_ = 	snop  }
0x7: {  	_ = 	snop  }
__scs_overlays_trampoline_lowered:
0x8: {  	[smem:$0x3FAA] =	sst s0  }
0x9: {  	[smem:$0x3FAB] =	sst s1  }
0xa: {  	[smem:$0x3FAC] =	sst s2  }
0xb: {  	[smem:$0x3FAD] =	sst s3  }
0xc: {  	[smem:$0x3FAE] =	sst s4  }
0xd: {  	[smem:$0x3FAF] =	sst s5  }
0xe: {  	[smem:$0x3FB0] =	sst s6  }
0xf: {  	[smem:$0x3FB1] =	sst s7  }
0x10: {  	[smem:$0x3FB2] =	sst s8  }
0x11: {  	[smem:$0x3FB3] =	sst s9;
	s0 =	simm.s32 @!p0 $0x0  }
0x12: {  	s1 =	sld [smem:$0x3F99];
	s0 =	simm.s32 @p0 $0x1  }
0x13: {  	[smem:$0x3FB4] =	sst s0;
	s0 =	simm.s32 @!p1 $0x0  }
0x14: {  	s2 =	sld [smem:$0x3F98];
	s0 =	simm.s32 @p1 $0x1  }
0x15: {  	[smem:$0x3FB5] =	sst s0;
	s0 =	simm.s32 @!p2 $0x0  }
0x16: {  	s3 =	sld [smem:$0x3FDB];
	s0 =	simm.s32 @p2 $0x1  }
0x17: {  	s4 =	simm.s32 $0x1BF5;
	[smem:$0x3FB7] =	sst s0  }
0x18: {  	s0 =	sld [smem:$0x3F9A];
	_ =	swait.ge [sflag:s4], $0x0  }
0x19: {  	s7 =	sld [smem:$0x3F9B]  }
0x1a: {  	s8 =	sadd.s32 $0xFFFFE003, lr  }
0x1b: {  	s9 =	sadd.s32 $0xFFFFFEF7, lr;
	s5 =	simm.s32 $0xFFFFFFFF;
	p2 =	slt.u32 s8, $0xFFFFF086  }
0x1c: {  	p1 =	slt.u32 s9, $0xF7A;
	s5 =	simm.s32 @!p2 $0x0  }
0x1d: {  	s5 =	simm.s32 @p1 $0x1;
	p0 =	seq.s32 s7, s2  }
0x1e: {  	s7 =	smul.u32 @!p0 $0xF7A, s2;
	p2 =	seq.s32 @!p0 s5, $0x0  }
0x1f: {  	s9 =	smul.u32 $0xF7A, s1;
	s8 =	simm.s32 @!p0 $0x1BF5;
	p2 =	por !p2, p0  }
0x20: {  	[sflag:s8] =	ssyncset.s32 @!p0 $0xFFFFF086;
	s6 =	sadd.s32 @!p0 s3, s7;
	s7 =	simm.s32 @!p0 $0x108  }
0x21: {  	s3 =	sadd.s32 s3, s9;
	s6 =	sadd.s32 @!p0 $0x88, s6;
	s7 =	simm.s32 @p2 $0x1082  }
0x22: {  	[simem:s7], [sflag:s8] =	dma.local @!p0 [hbm:s6], $0xF7A  }
0x23: {  	s9 =	sor.u32 $0xD0000000, s2;
	s6 =	simm.s32 $0x108;
	_ =	swait.ge @!p0 [sflag:s8], $0x0  }
0x24: {  	s3 =	sadd.s32 $0x88, s3;
	s6 =	simm.s32 @!p1 $0x1082;
	[sflag:s4] =	ssyncset.s32 $0xFFFFF086  }
0x25: {  	[simem:s6], [sflag:s4] =	dma.local [hbm:s3], $0xF7A  }
0x26: {  	[smem:$0x3F9B] =	sst s1;
	(tag) =	ssettag s2;
	_ =	strace s9  }
0x27: {  	s1 =	sld [smem:$0x3FAB]  }
0x28: {  	s2 =	sld [smem:$0x3FAC]  }
0x29: {  	s4 =	sld [smem:$0x3FAE]  }
0x2a: {  	p0 =	seq.s32 s5, $0x0;
	s5 =	sld [smem:$0x3FAF]  }
0x2b: {  	s6 =	sld [smem:$0x3FB0]  }
0x2c: {  	s7 =	sld [smem:$0x3FB1]  }
0x2d: {  	s3 =	simm.s32 $0x108;
	s8 =	sld [smem:$0x3FB2]  }
0x2e: {  	s3 =	simm.s32 @!p0 $0x1082;
	s9 =	sld [smem:$0x3FB3]  }
0x2f: {  	lr =	sadd.s32 s0, s3;
	s0 =	sld [smem:$0x3FAA]  }
0x30: {  	s3 =	sld [smem:$0x3FAD]  }
0x31: {  	[smem:$0x3FB6] =	sst s10  }
0x32: {  	s10 =	sld [smem:$0x3FB4];
	_ =	sdelay $0x3  }
0x33: {  	p0 =	seq.s32 s10, $0x1;
	s10 =	sld [smem:$0x3FB6];
	_ =	sdelay $0x3  }
0x34: {  	[smem:$0x3FB6] =	sst s10  }
0x35: {  	s10 =	sld [smem:$0x3FB5];
	_ =	sdelay $0x3  }
0x36: {  	p1 =	seq.s32 s10, $0x1;
	s10 =	sld [smem:$0x3FB6];
	_ =	sdelay $0x3  }
0x37: {  	[smem:$0x3FB6] =	sst s10  }
0x38: {  	s10 =	sld [smem:$0x3FB7]  }
0x39: {  	_ = 	snop;
	(pc) =	sbr.ind lr, $3  }
0x3a: {  	_ = 	snop  }
0x3b: {  	_ = 	snop  }
0x3c: {  	p2 =	seq.s32 s10, $0x1;
	s10 =	sld [smem:$0x3FB6]  }
0x3d: {  	_ =	shalt  }
0x3e: {  	_ =	shalt  }
0x3f: {  	_ =	shalt  }
0x40: {  	_ =	shalt  }
0x41: {  	_ =	shalt  }
0x42: {  	_ =	shalt  }
0x43: {  	_ =	shalt  }
0x44: {  	_ =	shalt  }
0x45: {  	_ =	shalt  }
0x46: {  	_ =	shalt  }
0x47: {  	_ =	shalt  }
0x48: {  	_ =	shalt  }
0x49: {  	_ =	shalt  }
0x4a: {  	_ =	shalt  }
0x4b: {  	_ =	shalt  }
0x4c: {  	_ =	shalt  }
0x4d: {  	_ =	shalt  }
0x4e: {  	_ =	shalt  }
0x4f: {  	_ =	shalt  }
0x50: {  	_ =	shalt  }
0x51: {  	_ =	shalt  }
0x52: {  	_ =	shalt  }
0x53: {  	_ =	shalt  }
0x54: {  	_ =	shalt  }
0x55: {  	_ =	shalt  }
0x56: {  	_ =	shalt  }
0x57: {  	_ =	shalt  }
0x58: {  	_ =	shalt  }
0x59: {  	_ =	shalt  }
0x5a: {  	_ =	shalt  }
0x5b: {  	_ =	shalt  }
0x5c: {  	_ =	shalt  }
0x5d: {  	_ =	shalt  }
0x5e: {  	_ =	shalt  }
0x5f: {  	_ =	shalt  }
0x60: {  	_ =	shalt  }
0x61: {  	_ =	shalt  }
0x62: {  	_ =	shalt  }
0x63: {  	_ =	shalt  }
0x64: {  	_ =	shalt  }
0x65: {  	_ =	shalt  }
0x66: {  	_ =	shalt  }
0x67: {  	_ =	shalt  }
0x68: {  	_ =	shalt  }
0x69: {  	_ =	shalt  }
0x6a: {  	_ =	shalt  }
0x6b: {  	_ =	shalt  }
0x6c: {  	_ =	shalt  }
0x6d: {  	_ =	shalt  }
0x6e: {  	_ =	shalt  }
0x6f: {  	_ =	shalt  }
0x70: {  	_ =	shalt  }
0x71: {  	_ =	shalt  }
0x72: {  	_ =	shalt  }
0x73: {  	_ =	shalt  }
0x74: {  	_ =	shalt  }
0x75: {  	_ =	shalt  }
0x76: {  	_ =	shalt  }
0x77: {  	_ =	shalt  }
0x78: {  	_ =	shalt  }
0x79: {  	_ =	shalt  }
0x7a: {  	_ =	shalt  }
0x7b: {  	_ =	shalt  }
0x7c: {  	_ =	shalt  }
0x7d: {  	_ =	shalt  }
0x7e: {  	_ =	shalt  }
0x7f: {  	_ =	shalt  }
0x80: {  	_ =	shalt  }
0x81: {  	_ =	shalt  }
0x82: {  	_ =	shalt  }
0x83: {  	_ =	shalt  }
0x84: {  	_ =	shalt  }
0x85: {  	_ =	shalt  }
0x86: {  	_ =	shalt  }
0x87: {  	_ =	shalt  }
.Lfunc_end0:
.L_simem_size_0:
called_computation_lowered:
.L_overlay_start_0:
0x88: {  	s2 =	sld [smem:$0x3FD9]  }
0x89: {  	s3 =	sld [smem:$0x3FFE];
	_ =	sdelay $0x1  }
0x8a: {  	s1 =	srdreg.scid  }
0x8b: {  	s0 =	sand.u32 $0x1, s1  }
0x8c: {  	s17 =	sshll.u32 s0, $0xA;
	s2 =	sadd.s32 s3, s2  }
0x8d: {  	s2 =	sadd.s32 s2, s17  }
0x8e: {  	[smem:$0x3FC2] =	sst s2  }
0x8f: {  	_ = 	snop  }
0x90: {  	s2 =	sld [smem:$0x3FD0];
	(tm) =	ssettm $0x1  }
0x91: {  	s18 =	sld [smem:$0x3FFB];
	_ =	sdelay $0x3  }
0x92: {  	_ =	strace s18  }
0x93: {  	s3 =	sld [smem:$0x3FFC];
	_ =	sdelay $0x3  }
0x94: {  	_ =	strace s3  }
0x95: {  	s3 =	sld [smem:$0x3FFD];
	_ =	sdelay $0x3  }
0x96: {  	_ =	strace s3  }
0x97: {  	_ =	strace $0x8FFFFFFF  }
0x98: {  	s19 =	sld [smem:$0x3FDB];
	_ =	sdelay $0x1  }
0x99: {  	s4 =	simm.s32 $_scs_section_size  }
0x9a: {  	s5 =	simm.s32 $_size__tile_overlayer_lowered;
	s6 =	simm.s32 $_tile_overlayer_lowered  }
0x9b: {  	s22 =	simm.s32 $0x1BFF;
	s21 =	sshll.u32 s6, $0x1;
	s3 =	sadd.s32 s4, s19  }
0x9c: {  	s7 =	simm.s32 $0x0;
	s20 =	sshll.u32 s5, $0x1;
	s5 =	sadd.s32 s21, s3  }
0x9d: {  	[timem:s7], [sflag:s22] =	dma.local [hbm:s5], s20  }
0x9e: {  	_ =	swait.ge [sflag:s22], s20  }
0x9f: {  	s4 =	ssub.s32 $0x0, s20;
	[sflag:s22] =	ssyncset.done $0x0  }
0xa0: {  	[sflag:s22] =	ssyncadd.s32 s4;
	_ =	sdelay $0x1  }
0xa1: {  	s23 =	simm.s32 $0x1B8B  }
0xa2: {  	_ =	swait.ge [sflag:s23], $0x1  }
0xa3: {  	[sflag:s23] =	ssyncset.done $0x0  }
0xa4: {  	s25 =	simm.s32 $0x1B8E;
	s24 =	sld [smem:$0x3FFE];
	[sflag:s23] =	ssyncadd.s32 $0xFFFFFFFF  }
0xa5: {  	s26 =	simm.s32 $execute0_lowered;
	[smem:$0x3FD2] =	sst s25  }
0xa6: {  	s5 =	sshll.u32 s26, $0x1;
	_ =	strace $0x80000046;
	[dreg:$0x1] =	wrdreg $0xFFFFFFFF  }
0xa7: {  	s28 =	simm.s32 $_size_execute0_lowered;
	s3 =	sadd.s32 s3, s5;
	[dreg:$0x0] =	wrdreg $0x0  }
0xa8: {  	s5 =	sshll.u32 s28, $0x1;
	[dreg:$0x2] =	wrdreg s3  }
0xa9: {  	[dreg:$0x3] =	wrdreg s5  }
0xaa: {  	[dreg:$0x4] =	wrdreg $0xC0  }
0xab: {  	_ =	task [dreg:s7], $0x5FFFF  }
0xac: {  	[dreg:$0x1] =	wrdreg $0xFFFFFFFF  }
0xad: {  	[dreg:$0x0] =	wrdreg $0x60  }
0xae: {  	[dreg:$0x2] =	wrdreg s24  }
0xaf: {  	[dreg:$0x3] =	wrdreg s2  }
0xb0: {  	[dreg:$0x4] =	wrdreg $0x50A00  }
0xb1: {  	[dreg:$0x5] =	wrdreg $0x9  }
0xb2: {  	_ =	task.clear_ibuf [dreg:s7], $0x6FFFF;
	_ =	strace $0x90000046  }
0xb3: {  	s29 =	simm.s32 $0x9;
	_ =	strace $0x80000048  }
0xb4: {  	_ =	swait.ge [sflag:s29], $0x1  }
0xb5: {  	[sflag:s29] =	ssyncadd.s32 $0xFFFFFFFF  }
0xb6: {  	_ =	strace $0x90000048  }
0xb7: {  	_ =	sfence  }
0xb8: {  	s30 =	sld [smem:$0x0];
	_ =	sdelay $0x2  }
0xb9: {  	s31 =	sshll.u32 s1, $0xD;
	s1 =	sshrl.u32 s1, $0x2  }
0xba: {  	s3 =	sand.u32 $0x4000, s31;
	s1 =	sadd.s32 s1, s30  }
0xbb: {  	s0 =	sor.u32 s3, s0;
	s1 =	sshll.u32 s1, $0x11  }
0xbc: {  	s0 =	sor.u32 s1, s0  }
0xbd: {  	s0 =	sadd.s32 $0x8F2B, s0  }
0xbe: {  	[sflag:s0] =	ssyncadd.remote.s32 $0x1  }
0xbf: {  	_ =	sfence.sel $0xFFFF  }
0xc0: {  	[dreg:$0x0] =	wrdreg $0xFFFFFFFF;
	(pc) =	sbr.abs _section_cstart, $3  }
0xc1: {  	[dreg:$0x1] =	wrdreg $0xFFFFFFFF  }
0xc2: {  	_ =	task.clear_ibuf [dreg:s7], $0x2FFFF;
	_ =	strace $0x9FFFFFFF  }
0xc3: {  	(tm) =	ssettm $0x7FFFFFFF  }
tec
execute0_lowered:
.L_overlay_start_1:
0x0: {  	(tag) =	ssettag $0x1  }
0x1: {  	s1 =	srdreg.scid;
	s4 =	rddreg [dreg:$0x0]  }
0x2: {  	s0 =	stileid.u32;
	s6 =	rddreg [dreg:$0x1]  }
0x3: {  	s2 =	rddreg [dreg:$0x2];
	s3 =	simm.s32 $0x0;
	s11 =	simm.s32 $0x2710  }
0x4: {  	s14 =	simm.s32 $0x0;
	s5 =	sand.u32 $0x1, s1;
	s30 =	sshll.u32 s0, $0x1  }
0x5: {  	s8 =	smul.u32 $0x280, s0;
	[smem:$0x7FF] =	sst s3;
	s12 =	sshll.u32 s0, $0x6  }
0x6: {  	s1 =	sor.u32 s5, s30;
	s9 =	smul.u32 $0x2800, s5;
	s5 =	ssub.s32 $0x2, s5  }
0x7: {  	s12 =	sor.u32 $0x1C02, s12;
	s7 =	smul.u32 $0x2710, s1;
	s1 =	rddreg [dreg:$0x3]  }
0x8: {  	_ =	strace $0x80000047;
	s10 =	sshrl.u32 s5, $0x1;
	s9 =	sadd.s32 s8, s9  }
0x9: {  	s10 =	ssub.s32 s5, s10;
	s5 =	sadd.s32 s8, s2;
	s8 =	simm.s32 $0x4E20  }
0xa: {  	s7 =	sshrl.u32 s7, $0x3;
	s31 =	sshrl.u32 s9, $0x3;
	s9 =	simm.s32 $0x2  }
0xb: {  	s13 =	sshrl.u32 s5, $0x3;
	s4 =	sadd.s32 s4, s7;
	s6 =	sadd.s32 s6, s31  }
0xc: {  	v0 =	vimm.f32 $1.000000000e+00;
	v1 =	vimm.f32 $0.0e+00;
	s7 =	smax.u32 s10, $0x1;
	s10 =	simm.s32 $0x1;
	s4 =	sadd.s32 $0xC640, s4  }
.LBB2_1:
0xd: {  	[tilespmem:s3], [sflag:$0x1] =	stream.linear.gather [hbm4b:s4+s3], $0x2710, $0x38;
	[tilespmem:$0x5320] =	vst v63  }
0xe: {  	s15 =	simm.s32 $0x40;
	s16 =	simm.s32 $0x0  }
.LBB2_2:
0xf: {  	p0 =	sne.s32 s15, $0x9C00;
	[tilespmem:s16+$0x2710] =	vst v0;
	s16 =	smov.u32 s15;
	s15 =	sadd.s32 $0x40, s15  }
.Ltmp0:
0x10: {  	(pc) =	sbr.rel @p0 .LBB2_2-.Ltmp0, $2  }
0x11: {  	_ =	sdelay $0x2  }
0x12: {  	s16 =	sshra.s32 s16, $0x2  }
0x13: {  	[tilespmem:s16+$0x2710] =	vst v0  }
0x14: {  	[tilespmem:$0x4E20] =	vst v1  }
0x15: {  	[tilespmem:$0x4E30] =	vst v1  }
0x16: {  	[tilespmem:$0x4E40] =	vst v1  }
0x17: {  	[tilespmem:$0x4E50] =	vst v1  }
0x18: {  	[tilespmem:$0x4E60] =	vst v1  }
0x19: {  	[tilespmem:$0x4E70] =	vst v1  }
0x1a: {  	[tilespmem:$0x4E80] =	vst v1  }
0x1b: {  	[tilespmem:$0x4E90] =	vst v1  }
0x1c: {  	[tilespmem:$0x4EA0] =	vst v1  }
0x1d: {  	[tilespmem:$0x4EB0] =	vst v1  }
0x1e: {  	[tilespmem:$0x4EC0] =	vst v1  }
0x1f: {  	[tilespmem:$0x4ED0] =	vst v1  }
0x20: {  	[tilespmem:$0x4EE0] =	vst v1  }
0x21: {  	[tilespmem:$0x4EF0] =	vst v1  }
0x22: {  	[tilespmem:$0x4F00] =	vst v1  }
0x23: {  	[tilespmem:$0x4F10] =	vst v1  }
0x24: {  	[tilespmem:$0x4F20] =	vst v1  }
0x25: {  	[tilespmem:$0x4F30] =	vst v1  }
0x26: {  	[tilespmem:$0x4F40] =	vst v1  }
0x27: {  	[tilespmem:$0x4F50] =	vst v1  }
0x28: {  	[tilespmem:$0x4F60] =	vst v1  }
0x29: {  	[tilespmem:$0x4F70] =	vst v1  }
0x2a: {  	[tilespmem:$0x4F80] =	vst v1  }
0x2b: {  	[tilespmem:$0x4F90] =	vst v1  }
0x2c: {  	[tilespmem:$0x4FA0] =	vst v1  }
0x2d: {  	[tilespmem:$0x4FB0] =	vst v1  }
0x2e: {  	[tilespmem:$0x4FC0] =	vst v1  }
0x2f: {  	[tilespmem:$0x4FD0] =	vst v1  }
0x30: {  	[tilespmem:$0x4FE0] =	vst v1  }
0x31: {  	[tilespmem:$0x4FF0] =	vst v1  }
0x32: {  	[tilespmem:$0x5000] =	vst v1  }
0x33: {  	[tilespmem:$0x5010] =	vst v1  }
0x34: {  	[tilespmem:$0x5020] =	vst v1  }
0x35: {  	[tilespmem:$0x5030] =	vst v1  }
0x36: {  	[tilespmem:$0x5040] =	vst v1  }
0x37: {  	[tilespmem:$0x5050] =	vst v1  }
0x38: {  	[tilespmem:$0x5060] =	vst v1  }
0x39: {  	[tilespmem:$0x5070] =	vst v1  }
0x3a: {  	[tilespmem:$0x5080] =	vst v1  }
0x3b: {  	[tilespmem:$0x5090] =	vst v1  }
0x3c: {  	[spmem:s5] =	stream.linear.scatter [tilespmem:s8], [sflag:$0x2], $0x280, $0x38;
	[tilespmem:$0x5320] =	vst v63  }
0x3d: {  	_ =	swait.ge [sflag:s9], $0x280  }
0x3e: {  	[sflag:s9] =	ssyncset.done $0x0  }
0x3f: {  	[sflag:s9] =	ssyncadd.s32 $0xFFFFFD80  }
0x40: {  	[bflag:$0x0] =	sbarrier.arrive $0xFFFF  }
0x41: {  	_ =	swait.ge [sflag:s10], $0x2710  }
0x42: {  	[sflag:s10] =	ssyncset.done $0x0  }
0x43: {  	[sflag:s10] =	ssyncadd.s32 $0xFFFFD8F0  }
0x44: {  	[spmem:s2] =	stream.indirect.scatter.add.f32 [tilespmem:s11], [sflag:$0x2], $0x1, s3, s11, $0xb8;
	[tilespmem:$0x5320] =	vst v63  }
0x45: {  	_ =	swait.ge [sflag:s9], $0x2710  }
0x46: {  	s14 =	sadd.s32 $0x1, s14;
	[sflag:s9] =	ssyncset.done $0x0  }
0x47: {  	p0 =	sne.s32 s14, s7;
	[sflag:s9] =	ssyncadd.s32 $0xFFFFD8F0  }
.Ltmp1:
0x48: {  	[bflag:$0x0] =	sbarrier.arrive $0xFFFF;
	(pc) =	sbr.rel @p0 .LBB2_1-.Ltmp1, $4  }
0x49: {  	[hbm:s6], [sflag:s12] =	dma.local [spmem:s13], $0x50  }
0x4a: {  	_ =	swait.ge [sflag:s9], $0x50  }
0x4b: {  	[sflag:s9] =	ssyncset.done $0x0  }
0x4c: {  	[sflag:s9] =	ssyncadd.s32 $0xFFFFFFB0  }
0x4d: {  	_ =	sfence.sel $0x180000  }
0x4e: {  	[bflag:$0x0] =	sbarrier.arrive $0xFFFF  }
0x4f: {  	p0 =	sne.s32 s0, $0x0;
	_ =	strace $0x90000047  }
0x50: {  	s0 =	sadd.s32 @!p0 $0x100000, s1;
	[bflag:$0x2] =	sbarrier.arrive $0xFFFF  }
0x51: {  	[sflag:s0] =	ssyncadd.tile.s32 @!p0 $0x1;
	_ =	shalt  }
.Lfunc_end2:
_tile_overlayer_lowered:
.L_overlay_start_2:
0x52: {  	(tag) =	ssettag $0x2  }
0x53: {  	s0 =	rddreg [dreg:$0x0];
	s2 =	stileid.u32  }
0x54: {  	s1 =	rddreg [dreg:$0x1];
	p0 =	sne.s32 s2, $0x0  }
0x55: {  	s3 =	rddreg [dreg:$0x2];
	[bflag:$0x3] =	sbarrier.arrive $0xFFFF;
	s2 =	simm.s32 @!p0 $0x1C02  }
0x56: {  	[timem:s3], [sflag:s2] =	dma.local @!p0 [hbm:s0], s1  }
0x57: {  	s0 =	simm.s32 @!p0 $0x2  }
0x58: {  	_ =	swait.ge @!p0 [sflag:s0], s1  }
0x59: {  	s1 =	ssub.s32 @!p0 $0x0, s1;
	[sflag:s0] =	ssyncset.done @!p0 $0x0  }
0x5a: {  	[sflag:s0] =	ssyncadd.s32 @!p0 s1  }
0x5b: {  	[bflag:$0x3] =	sbarrier.arrive $0xFFFF  }
0x5c: {  	_ =	shalt  }

</sc_bundles>
